<compile_context>
chip_gen: v7x
topology: tpu7x:2x2x1
jax: 0.10.2.dev20260603
libtpu: 0.0.44.dev20260713+nightly
codegen_flags: <defaults>
</compile_context>

<pallas_src>
import functools

import jax
import jax.numpy as jnp
from jax import lax
from jax.experimental import pallas as pl
from jax.experimental.pallas import tpu as pltpu
from jax.experimental.pallas import tpu_sc as plsc

N = 50000
K = 16
D = 64
NK = N * K
EPS = 1e-5

BN2 = 1000
PN = 400
PR2 = PN * K // 2
RB8 = 4000
CHUNK = 128
NW = 32
NCHUNKS = NK // CHUNK


def _lrelu(x):
    return jnp.maximum(x, 0.2 * x)


def _dup(v):
    return jnp.concatenate([v, v])


def _bd2(w):
    a, b = w.shape
    z = jnp.zeros((2 * a, 2 * b), w.dtype)
    return z.at[:a, :b].set(w).at[a:, b:].set(w)



def _sc_row_gather(table, idx, width):
    mesh = plsc.VectorSubcoreMesh(core_axis_name="c", subcore_axis_name="s")
    nj = (NCHUNKS + NW - 1) // NW
    NB = 8

    @functools.partial(
        pl.kernel,
        mesh=mesh,
        compiler_params=pltpu.CompilerParams(use_tc_tiling_on_sc=False),
        out_type=jax.ShapeDtypeStruct((NK, width), jnp.float32),
        scratch_types=(
            [pltpu.VMEM((CHUNK,), jnp.int32)] * NB
            + [pltpu.VMEM((CHUNK, width), jnp.float32)] * NB
            + [pltpu.SemaphoreType.DMA] * NB
        ),
    )
    def k(tab_hbm, idx_hbm, out_hbm, *bufs):
        idxs = bufs[0:NB]
        rows = bufs[NB:2 * NB]
        sems = bufs[2 * NB:3 * NB]
        wid = lax.axis_index("s") * 2 + lax.axis_index("c")

        def issue(j, b):
            c = j * NW + wid

            @pl.when(c < NCHUNKS)
            def _():
                base = c * CHUNK
                pltpu.sync_copy(idx_hbm.at[pl.ds(base, CHUNK)], idxs[b])
                pltpu.async_copy(tab_hbm.at[idxs[b]], rows[b], sems[b])

        def drain(j, b):
            c = j * NW + wid

            @pl.when(c < NCHUNKS)
            def _():
                base = c * CHUNK
                pltpu.make_async_copy(tab_hbm.at[idxs[b]], rows[b],
                                      sems[b]).wait()
                pltpu.sync_copy(rows[b], out_hbm.at[pl.ds(base, CHUNK)])

        for b in range(NB - 1):
            issue(b, b)

        def body(j4, carry):
            j0 = j4 * NB
            for b in range(NB):
                issue(j0 + b + NB - 1, (b + NB - 1) % NB)
                drain(j0 + b, b)
            return carry

        lax.fori_loop(0, (nj + NB - 1) // NB, body, 0)

    return k(table, idx)



def _acc_stats(i, stats_ref, acc, s1, s2):
    @pl.when(i == 0)
    def _():
        acc[...] = jnp.zeros_like(acc)

    acc[0:1, :] += s1
    acc[1:2, :] += s2

    @pl.when(i == pl.num_programs(0) - 1)
    def _():
        stats_ref[...] = acc[...]


def _pass_a(x2, w1big):
    def body(x_ref, w_ref, fpre_ref, stats_ref, acc):
        i = pl.program_id(0)
        t = jnp.dot(x_ref[...], w_ref[...], preferred_element_type=jnp.float32)
        fpre_ref[...] = t
        _acc_stats(i, stats_ref, acc,
                   jnp.sum(t, axis=0, keepdims=True),
                   jnp.sum(t * t, axis=0, keepdims=True))

    return pl.pallas_call(
        body,
        grid=(N // 2 // BN2,),
        in_specs=[
            pl.BlockSpec((BN2, 2 * D), lambda i: (i, 0)),
            pl.BlockSpec((2 * D, 2 * D), lambda i: (0, 0)),
        ],
        out_specs=[
            pl.BlockSpec((BN2, 2 * D), lambda i: (i, 0)),
            pl.BlockSpec((2, 2 * D), lambda i: (0, 0)),
        ],
        out_shape=[
            jax.ShapeDtypeStruct((N // 2, 2 * D), jnp.float32),
            jax.ShapeDtypeStruct((2, 2 * D), jnp.float32),
        ],
        scratch_shapes=[pltpu.VMEM((2, 2 * D), jnp.float32)],
    )(x2, w1big)


def _pass_b0(y8, wp1big8):
    def body(y_ref, w_ref, stats_ref, acc):
        i = pl.program_id(0)
        t = jnp.dot(y_ref[...], w_ref[...], preferred_element_type=jnp.float32)
        _acc_stats(i, stats_ref, acc,
                   jnp.sum(t, axis=0, keepdims=True),
                   jnp.sum(t * t, axis=0, keepdims=True))

    return pl.pallas_call(
        body,
        grid=(NK // 8 // RB8,),
        in_specs=[
            pl.BlockSpec((RB8, 128), lambda i: (i, 0)),
            pl.BlockSpec((128, 32), lambda i: (0, 0)),
        ],
        out_specs=pl.BlockSpec((2, 32), lambda i: (0, 0)),
        out_shape=jax.ShapeDtypeStruct((2, 32), jnp.float32),
        scratch_shapes=[pltpu.VMEM((2, 32), jnp.float32)],
    )(y8, wp1big8)


def _rqk_block(g_ref, y_ref, fp_ref, wq_ref, wk_ref, wp1_ref, wp2_ref,
               cv_ref, c8_ref):
    a1 = cv_ref[0:1, :]
    b1 = cv_ref[1:2, :]
    bq = cv_ref[2:3, :]
    bk = cv_ref[3:4, :]
    bp2 = cv_ref[4:5, :]
    a2 = c8_ref[0:1, :]
    b2 = c8_ref[1:2, :]

    f2 = jnp.maximum(fp_ref[...] * a1 + b1, 0.0)
    q2 = jnp.dot(f2, wq_ref[...], preferred_element_type=jnp.float32) + bq
    qb = jnp.broadcast_to(q2[None], (K, PN // 2, 2 * D)).reshape(PR2, 2 * D)
    fg = jnp.maximum(g_ref[...] * a1 + b1, 0.0)
    fg = fg.reshape(PR2, 2 * D)
    kg = jnp.dot(fg, wk_ref[...], preferred_element_type=jnp.float32) + bk
    y = y_ref[...].reshape(PR2, 32)
    t = jnp.dot(y, wp1_ref[...], preferred_element_type=jnp.float32)
    t = jnp.maximum(t * a2 + b2, 0.0)
    pr = jnp.dot(t, wp2_ref[...], preferred_element_type=jnp.float32) + bp2
    r = kg - qb + pr
    return r, fg, pr


_GATHER_SPECS = [
    pl.BlockSpec((K, PN // 2, 2 * D), lambda i: (0, i, 0)),
    pl.BlockSpec((K, PN // 2, 32), lambda i: (0, i, 0)),
    pl.BlockSpec((PN // 2, 2 * D), lambda i: (i, 0)),
    pl.BlockSpec((2 * D, 2 * D), lambda i: (0, 0)),
    pl.BlockSpec((2 * D, 2 * D), lambda i: (0, 0)),
    pl.BlockSpec((32, 8), lambda i: (0, 0)),
    pl.BlockSpec((8, 2 * D), lambda i: (0, 0)),
    pl.BlockSpec((8, 2 * D), lambda i: (0, 0)),
    pl.BlockSpec((2, 8), lambda i: (0, 0)),
]


def _pass_b(g2, y2, fpre, wqt, wkbig, wp1big, wp2big, cv, c8, wvbig):
    def body(g_ref, y_ref, fpre_ref, wq_ref, wk_ref, wp1_ref, wp2_ref, cv_ref,
             c8_ref, wv_ref, rb_ref, svb_ref, stats_ref, acc):
        i = pl.program_id(0)
        r, fg, pr = _rqk_block(g_ref, y_ref, fpre_ref, wq_ref, wk_ref, wp1_ref,
                               wp2_ref, cv_ref, c8_ref)
        bv = cv_ref[5:6, :]
        vg = jnp.dot(fg, wv_ref[...], preferred_element_type=jnp.float32) + bv
        rb_ref[...] = r.reshape(K, PN // 2, 2 * D).astype(jnp.bfloat16)
        svb_ref[...] = (vg + pr).reshape(K, PN // 2, 2 * D).astype(jnp.bfloat16)
        _acc_stats(i, stats_ref, acc,
                   jnp.sum(r, axis=0, keepdims=True),
                   jnp.sum(r * r, axis=0, keepdims=True))

    return pl.pallas_call(
        body,
        grid=(N // PN,),
        in_specs=_GATHER_SPECS + [
            pl.BlockSpec((2 * D, 2 * D), lambda i: (0, 0)),
        ],
        out_specs=[
            pl.BlockSpec((K, PN // 2, 2 * D), lambda i: (0, i, 0)),
            pl.BlockSpec((K, PN // 2, 2 * D), lambda i: (0, i, 0)),
            pl.BlockSpec((2, 2 * D), lambda i: (0, 0)),
        ],
        out_shape=[
            jax.ShapeDtypeStruct((K, N // 2, 2 * D), jnp.bfloat16),
            jax.ShapeDtypeStruct((K, N // 2, 2 * D), jnp.bfloat16),
            jax.ShapeDtypeStruct((2, 2 * D), jnp.float32),
        ],
        scratch_shapes=[pltpu.VMEM((2, 2 * D), jnp.float32)],
    )(g2, y2, fpre, wqt, wkbig, wp1big, wp2big, cv, c8, wvbig)


def _pass_c(rb, ww1big, c3):
    def body(rb_ref, ww1_ref, c3_ref, stats_ref, acc):
        i = pl.program_id(0)
        r = rb_ref[...].reshape(PR2, 2 * D).astype(jnp.float32)
        u = _lrelu(r * c3_ref[0:1, :] + c3_ref[1:2, :])
        w1 = jnp.dot(u, ww1_ref[...], preferred_element_type=jnp.float32)
        _acc_stats(i, stats_ref, acc,
                   jnp.sum(w1, axis=0, keepdims=True),
                   jnp.sum(w1 * w1, axis=0, keepdims=True))

    return pl.pallas_call(
        body,
        grid=(N // PN,),
        in_specs=[
            pl.BlockSpec((K, PN // 2, 2 * D), lambda i: (0, i, 0)),
            pl.BlockSpec((2 * D, 16), lambda i: (0, 0)),
            pl.BlockSpec((2, 2 * D), lambda i: (0, 0)),
        ],
        out_specs=pl.BlockSpec((2, 16), lambda i: (0, 0)),
        out_shape=jax.ShapeDtypeStruct((2, 16), jnp.float32),
        scratch_shapes=[pltpu.VMEM((2, 16), jnp.float32)],
    )(rb, ww1big, c3)


def _pass_d(rb, svb, ww1big, c3, ww2big, c16, sel16):
    def body(rb_ref, svb_ref, ww1_ref, c3_ref, ww2_ref, c16_ref, sel16_ref,
             x_ref, stats_ref, acc):
        i = pl.program_id(0)
        r = rb_ref[...].reshape(PR2, 2 * D).astype(jnp.float32)
        u = _lrelu(r * c3_ref[0:1, :] + c3_ref[1:2, :])
        w1 = jnp.dot(u, ww1_ref[...], preferred_element_type=jnp.float32)
        u4 = jnp.maximum(w1 * c16_ref[0:1, :] + c16_ref[1:2, :], 0.0)
        w2 = jnp.dot(u4, ww2_ref[...], preferred_element_type=jnp.float32)
        w2 = w2 + c16_ref[2:3, :]
        e = jnp.exp(w2)
        efull = jnp.dot(e, sel16_ref[...],
                        preferred_element_type=jnp.float32,
                        precision=jax.lax.Precision.HIGHEST)
        sv = svb_ref[...].reshape(PR2, 2 * D).astype(jnp.float32)
        p3 = (sv * efull).reshape(K, PN // 2, 2 * D)
        numer = jnp.sum(p3, axis=0)
        zf = jnp.sum(efull.reshape(K, PN // 2, 2 * D), axis=0)
        x = numer / zf
        x_ref[...] = x
        _acc_stats(i, stats_ref, acc,
                   jnp.sum(x, axis=0, keepdims=True),
                   jnp.sum(x * x, axis=0, keepdims=True))

    return pl.pallas_call(
        body,
        grid=(N // PN,),
        in_specs=[
            pl.BlockSpec((K, PN // 2, 2 * D), lambda i: (0, i, 0)),
            pl.BlockSpec((K, PN // 2, 2 * D), lambda i: (0, i, 0)),
            pl.BlockSpec((2 * D, 16), lambda i: (0, 0)),
            pl.BlockSpec((2, 2 * D), lambda i: (0, 0)),
            pl.BlockSpec((16, 16), lambda i: (0, 0)),
            pl.BlockSpec((4, 16), lambda i: (0, 0)),
            pl.BlockSpec((16, 2 * D), lambda i: (0, 0)),
        ],
        out_specs=[
            pl.BlockSpec((PN // 2, 2 * D), lambda i: (i, 0)),
            pl.BlockSpec((2, 2 * D), lambda i: (0, 0)),
        ],
        out_shape=[
            jax.ShapeDtypeStruct((N // 2, 2 * D), jnp.float32),
            jax.ShapeDtypeStruct((2, 2 * D), jnp.float32),
        ],
        scratch_shapes=[pltpu.VMEM((2, 2 * D), jnp.float32)],
    )(rb, svb, ww1big, c3, ww2big, c16, sel16)


def _pass_e2(xagg2, wc2big, c5):
    def body(x_ref, w_ref, c_ref, x2_ref, stats_ref, acc):
        i = pl.program_id(0)
        u = _lrelu(x_ref[...] * c_ref[0:1, :] + c_ref[1:2, :])
        x2 = jnp.dot(u, w_ref[...], preferred_element_type=jnp.float32)
        x2_ref[...] = x2
        _acc_stats(i, stats_ref, acc,
                   jnp.sum(x2, axis=0, keepdims=True),
                   jnp.sum(x2 * x2, axis=0, keepdims=True))

    return pl.pallas_call(
        body,
        grid=(N // 2 // BN2,),
        in_specs=[
            pl.BlockSpec((BN2, 2 * D), lambda i: (i, 0)),
            pl.BlockSpec((2 * D, 2 * D), lambda i: (0, 0)),
            pl.BlockSpec((2, 2 * D), lambda i: (0, 0)),
        ],
        out_specs=[
            pl.BlockSpec((BN2, 2 * D), lambda i: (i, 0)),
            pl.BlockSpec((2, 2 * D), lambda i: (0, 0)),
        ],
        out_shape=[
            jax.ShapeDtypeStruct((N // 2, 2 * D), jnp.float32),
            jax.ShapeDtypeStruct((2, 2 * D), jnp.float32),
        ],
        scratch_shapes=[pltpu.VMEM((2, 2 * D), jnp.float32)],
    )(xagg2, wc2big, c5)


def _pass_e3(fpre2, x22, ce):
    def body(fpre_ref, x2_ref, c_ref, out_ref):
        f = jnp.maximum(fpre_ref[...] * c_ref[0:1, :] + c_ref[1:2, :], 0.0)
        xb = x2_ref[...] * c_ref[2:3, :] + c_ref[3:4, :]
        out_ref[...] = _lrelu(f + xb)

    return pl.pallas_call(
        body,
        grid=(N // 2 // BN2,),
        in_specs=[
            pl.BlockSpec((BN2, 2 * D), lambda i: (i, 0)),
            pl.BlockSpec((BN2, 2 * D), lambda i: (i, 0)),
            pl.BlockSpec((4, 2 * D), lambda i: (0, 0)),
        ],
        out_specs=pl.BlockSpec((BN2, 2 * D), lambda i: (i, 0)),
        out_shape=jax.ShapeDtypeStruct((N // 2, 2 * D), jnp.float32),
    )(fpre2, x22, ce)



def _bn_affine(g, b, s1, s2, m):
    mean = s1 / m
    var = s2 / m - mean * mean
    a = g / jnp.sqrt(var + EPS)
    return a, b - mean * a


def kernel(feature, xyz, params, neigh_idx):
    p = params
    x2 = feature[0, :, :, 0].T.reshape(N // 2, 2 * D)
    xyzp = jnp.pad(xyz[0], ((0, 0), (0, 13)))
    idx = neigh_idx[0].T.reshape(-1).astype(jnp.int32)

    y_flat = _sc_row_gather(xyzp, idx, 16)
    fpre2, st1r = _pass_a(x2, _bd2(p['W1'].T))
    st1 = st1r[:, :D] + st1r[:, D:]
    a1, b1 = _bn_affine(p['g1'], p['b1'], st1[0], st1[1], N)

    g_flat = _sc_row_gather(fpre2.reshape(N, D), idx, D)
    g2 = g_flat.reshape(K, N // 2, 2 * D)
    y2 = y_flat.reshape(K, N // 2, 32)
    y8 = y_flat.reshape(NK // 8, 128)

    wp1t16 = jnp.zeros((16, 4), jnp.float32).at[:3, :3].set(p['Wp1'].T)
    wp1big8 = jax.scipy.linalg.block_diag(*([wp1t16] * 8))
    st2r = _pass_b0(y8, wp1big8)
    st2 = st2r.reshape(2, 8, 4).sum(axis=1)
    g2p = jnp.pad(p['gp1'], (0, 1))
    b2p = jnp.pad(p['bp1'], (0, 1))
    a2, b2 = _bn_affine(g2p, b2p, st2[0], st2[1], NK)

    cv = jnp.stack([_dup(a1), _dup(b1),
                    _dup(p['bq']),
                    _dup(p['bk']), _dup(p['bp2']), _dup(p['bv']),
                    jnp.zeros(2 * D, jnp.float32),
                    jnp.zeros(2 * D, jnp.float32)])
    c8 = jnp.stack([_dup(a2), _dup(b2)])
    wqt = _bd2(p['Wq'].T)
    wkbig = _bd2(p['Wk'].T)
    wp1big = _bd2(wp1t16)
    wp2big = _bd2(jnp.pad(p['Wp2'].T, ((0, 1), (0, 0))))

    rb, svb, st3r = _pass_b(g2, y2, fpre2, wqt, wkbig, wp1big, wp2big, cv, c8,
                            _bd2(p['Wv'].T))
    st3 = st3r[:, :D] + st3r[:, D:]
    a3, b3 = _bn_affine(p['gw0'], p['bw0'], st3[0], st3[1], NK)
    c3 = jnp.stack([_dup(a3), _dup(b3)])

    ww1big = _bd2(p['Ww1'].T)
    st4r = _pass_c(rb, ww1big, c3)
    st4 = st4r[:, :8] + st4r[:, 8:]
    a4, b4 = _bn_affine(p['gw1'], p['bw1'], st4[0], st4[1], NK)

    c16 = jnp.stack([_dup(a4), _dup(b4), _dup(p['bw2']),
                     jnp.zeros(16, jnp.float32)])
    lanes = jnp.arange(2 * D)
    sel16 = (jnp.arange(16)[:, None]
             == jnp.where(lanes < D, lanes % 8, 8 + lanes % 8)[None, :]
             ).astype(jnp.float32)
    xagg2, st5r = _pass_d(rb, svb, ww1big, c3, _bd2(p['Ww2'].T), c16, sel16)
    st5 = st5r[:, :D] + st5r[:, D:]
    a5, b5 = _bn_affine(p['g_bn'], p['b_bn'], st5[0], st5[1], N)

    c5 = jnp.stack([_dup(a5), _dup(b5)])
    x22, st6r = _pass_e2(xagg2, _bd2(p['Wc2'].T), c5)
    st6 = st6r[:, :D] + st6r[:, D:]
    a6, b6 = _bn_affine(p['gc2'], p['bc2'], st6[0], st6[1], N)

    ce = jnp.stack([_dup(a1), _dup(b1), _dup(a6), _dup(b6)])
    out = _pass_e3(fpre2, x22, ce).reshape(N, D)
    return out.T[None, :, :, None]

# --- scband reference (transcript-rebuilt; emitter-appended) ---
"""Pipeline reference for scband-lfa-10445360464114 (READ-ONLY COPY).

The authoritative reference and input builder live on the scoring server;
editing this copy changes nothing except your own understanding.
"""

import jax, jax.numpy as jnp
import numpy as np

B, N, K = 1, 50000, 16
D_IN, D = 64, 64

def conv1x1(x, W, b=None):
    y = jnp.einsum('bcnk,oc->bonk', x, W)
    if b is not None:
        y = y + b[None, :, None, None]
    return y

def bn2d(x, g, b, eps=1e-5):
    m = x.mean(axis=(0, 2, 3), keepdims=True)
    v = x.var(axis=(0, 2, 3), keepdims=True)
    return (x - m) / jnp.sqrt(v + eps) * g[None, :, None, None] + b[None, :, None, None]

def gather_neighbour(pc, idx):
    b, n, d = pc.shape
    k = idx.shape[-1]
    flat = idx.reshape(b, n * k, 1)
    out = jnp.take_along_axis(pc, flat, axis=1)
    return out.reshape(b, n, k, d)

def setup_inputs(seed: int = 0) -> dict:
    key = jax.random.key(seed)
    ks = jax.random.split(key, 12)
    def w(i, *shape):
        return jax.random.normal(ks[i], shape, dtype=jnp.float32) * 0.05
    params = {
        'W1': w(0, D, D_IN), 'g1': jnp.ones(D, jnp.float32), 'b1': jnp.zeros(D, jnp.float32),
        'Wq': w(1, D, D), 'bq': jnp.zeros(D, jnp.float32),
        'Wk': w(2, D, D), 'bk': jnp.zeros(D, jnp.float32),
        'Wv': w(3, D, D), 'bv': jnp.zeros(D, jnp.float32),
        'Wp1': w(4, 3, 3), 'gp1': jnp.ones(3, jnp.float32), 'bp1': jnp.zeros(3, jnp.float32),
        'Wp2': w(5, D, 3), 'bp2': jnp.zeros(D, jnp.float32),
        'gw0': jnp.ones(D, jnp.float32), 'bw0': jnp.zeros(D, jnp.float32),
        'Ww1': w(6, D // 8, D), 'gw1': jnp.ones(D // 8, jnp.float32), 'bw1': jnp.zeros(D // 8, jnp.float32),
        'Ww2': w(7, D // 8, D // 8), 'bw2': jnp.zeros(D // 8, jnp.float32),
        'g_bn': jnp.ones(D, jnp.float32), 'b_bn': jnp.zeros(D, jnp.float32),
        'Wc2': w(8, D, D), 'gc2': jnp.ones(D, jnp.float32), 'bc2': jnp.zeros(D, jnp.float32),
    }
    feature = jax.random.normal(ks[9], (B, D_IN, N, 1), dtype=jnp.float32)
    xyz = jax.random.normal(ks[10], (B, N, 3), dtype=jnp.float32)
    neigh_idx = jax.random.randint(ks[11], (B, N, K), 0, N)
    return {'feature': feature, 'xyz': xyz, 'params': params, 'neigh_idx': neigh_idx}

def reference(feature, xyz, params, neigh_idx):
    p = params
    lrelu = lambda t: jax.nn.leaky_relu(t, 0.2)
    f = jax.nn.relu(bn2d(conv1x1(feature, p['W1']), p['g1'], p['b1']))
    x_q = conv1x1(f, p['Wq'], p['bq'])
    xk = conv1x1(f, p['Wk'], p['bk'])[:, :, :, 0].transpose(0, 2, 1)
    x_k = gather_neighbour(xk, neigh_idx).transpose(0, 3, 1, 2)
    xv = conv1x1(f, p['Wv'], p['bv'])[:, :, :, 0].transpose(0, 2, 1)
    x_v = gather_neighbour(xv, neigh_idx).transpose(0, 3, 1, 2)
    p_r = gather_neighbour(xyz, neigh_idx).transpose(0, 3, 1, 2)
    p_r = jax.nn.relu(bn2d(conv1x1(p_r, p['Wp1']), p['gp1'], p['bp1']))
    p_r = conv1x1(p_r, p['Wp2'], p['bp2'])
    r_qk = x_k - x_q + p_r
    w_ = lrelu(bn2d(r_qk, p['gw0'], p['bw0']))
    w_ = jax.nn.relu(bn2d(conv1x1(w_, p['Ww1']), p['gw1'], p['bw1']))
    w_ = conv1x1(w_, p['Ww2'], p['bw2'])
    w_ = jax.nn.softmax(w_, axis=-1)
    b, d, n, k = x_v.shape
    xp = (x_v + p_r).transpose(0, 2, 3, 1).reshape(b, n, k, 8, d // 8)
    w_ = w_.transpose(0, 2, 3, 1)[:, :, :, None, :]
    x = (xp * w_).sum(axis=2).reshape(b, n, d)
    x = x.transpose(0, 2, 1)[:, :, :, None]
    x = lrelu(bn2d(x, p['g_bn'], p['b_bn']))
    x = bn2d(conv1x1(x, p['Wc2']), p['gc2'], p['bc2'])
    return lrelu(f + x)

if __name__ == "__main__":
    import jax
    _d = setup_inputs()
    print(jax.jit(kernel)(*tuple(_d.values())))

</pallas_src>

<mosaic_0001>
#map = affine_map<(d0, d1) -> (0, 0)>
#map1 = affine_map<(d0, d1) -> (0)>
module attributes {stable_mosaic.version = 14 : i64} {
  func.func @k(%arg0: i32, %arg1: i32, %arg2: memref<50000x64xf32, #tpu.memory_space<hbm>>, %arg3: memref<800000xi32, #tpu.memory_space<hbm>>, %arg4: memref<800000x64xf32, #tpu.memory_space<hbm>>, %arg5: memref<128xi32, #tpu.memory_space<vmem>>, %arg6: memref<128xi32, #tpu.memory_space<vmem>>, %arg7: memref<128xi32, #tpu.memory_space<vmem>>, %arg8: memref<128xi32, #tpu.memory_space<vmem>>, %arg9: memref<128xi32, #tpu.memory_space<vmem>>, %arg10: memref<128xi32, #tpu.memory_space<vmem>>, %arg11: memref<128xi32, #tpu.memory_space<vmem>>, %arg12: memref<128xi32, #tpu.memory_space<vmem>>, %arg13: memref<128x64xf32, #tpu.memory_space<vmem>>, %arg14: memref<128x64xf32, #tpu.memory_space<vmem>>, %arg15: memref<128x64xf32, #tpu.memory_space<vmem>>, %arg16: memref<128x64xf32, #tpu.memory_space<vmem>>, %arg17: memref<128x64xf32, #tpu.memory_space<vmem>>, %arg18: memref<128x64xf32, #tpu.memory_space<vmem>>, %arg19: memref<128x64xf32, #tpu.memory_space<vmem>>, %arg20: memref<128x64xf32, #tpu.memory_space<vmem>>, %arg21: memref<!tpu.dma_semaphore, #tpu.memory_space<semaphore_mem>>, %arg22: memref<!tpu.dma_semaphore, #tpu.memory_space<semaphore_mem>>, %arg23: memref<!tpu.dma_semaphore, #tpu.memory_space<semaphore_mem>>, %arg24: memref<!tpu.dma_semaphore, #tpu.memory_space<semaphore_mem>>, %arg25: memref<!tpu.dma_semaphore, #tpu.memory_space<semaphore_mem>>, %arg26: memref<!tpu.dma_semaphore, #tpu.memory_space<semaphore_mem>>, %arg27: memref<!tpu.dma_semaphore, #tpu.memory_space<semaphore_mem>>, %arg28: memref<!tpu.dma_semaphore, #tpu.memory_space<semaphore_mem>>) attributes {dimension_semantics = [#tpu.dimension_semantics<core_parallel>, #tpu.dimension_semantics<subcore_parallel>], iteration_bounds = array<i64: 2, 16>, scalar_prefetch = 0 : i64, scratch_operands = 24 : i64, tpu.core_type = #tpu.core_type<sc_vector_subcore>, window_params = [{transform_indices = #map}, {transform_indices = #map1}, {transform_indices = #map}]} {
    %mul3A = arith.constant 2 : i32
    %mul3A_0 = arith.muli %arg1, %mul3A : i32
    %add3A = arith.addi %mul3A_0, %arg0 : i32
    %add3A_1 = arith.constant 0 : i32
    %add3A_2 = arith.addi %add3A_1, %add3A : i32
    %lt3A = arith.constant 6250 : i32
    %lt3A_3 = arith.cmpi slt, %add3A_2, %lt3A : i32
    %convert_element_type3A = arith.extui %lt3A_3 : i1 to i32
    %cond3A = arith.constant 0 : i32
    %cond3A_4 = arith.cmpi ne, %convert_element_type3A, %cond3A : i32
    scf.if %cond3A_4 {
      %mul3A_52 = arith.constant 128 : i32
      %mul3A_53 = arith.muli %add3A_2, %mul3A_52 : i32
      "tpu.region"() ({
        %run_scoped3A = tpu.sem_alloc : memref<!tpu.dma_semaphore, #tpu.memory_space<semaphore_mem>>
        %dma_start3A_56 = tpu.memref_slice %arg3[%mul3A_53] : memref<800000xi32, #tpu.memory_space<hbm>> -> memref<128xi32, #tpu.memory_space<hbm>>
        %dma_start3A_57 = tpu.memref_slice %arg3[%mul3A_53] : memref<800000xi32, #tpu.memory_space<hbm>> -> memref<128xi32, #tpu.memory_space<hbm>>
        tpu.enqueue_dma source(%dma_start3A_57 : memref<128xi32, #tpu.memory_space<hbm>>) target(%arg5 : memref<128xi32, #tpu.memory_space<vmem>>) target_semaphore(%run_scoped3A : memref<!tpu.dma_semaphore, #tpu.memory_space<semaphore_mem>>)
        %dma_wait3A = tpu.memref_slice %arg3[%mul3A_53] : memref<800000xi32, #tpu.memory_space<hbm>> -> memref<128xi32, #tpu.memory_space<hbm>>
        %dma_wait3A_58 = tpu.memref_slice %arg3[%mul3A_53] : memref<800000xi32, #tpu.memory_space<hbm>> -> memref<128xi32, #tpu.memory_space<hbm>>
        tpu.wait_dma2 semaphore(%run_scoped3A : memref<!tpu.dma_semaphore, #tpu.memory_space<semaphore_mem>>) src(%dma_wait3A_58 : memref<128xi32, #tpu.memory_space<hbm>>) dst(%arg5 : memref<128xi32, #tpu.memory_space<vmem>>)
        tpu.yield
      }) : () -> ()
      %dma_start3A = arith.constant 0 : i32
      %dma_start3A_54 = arith.constant 0 : i32
      %dma_start3A_55 = tpu.memref_slice %arg2[%dma_start3A, %dma_start3A_54] : memref<50000x64xf32, #tpu.memory_space<hbm>> -> memref<50000x64xf32, #tpu.memory_space<hbm>>
      tpu.enqueue_indirect_dma source(%dma_start3A_55 : memref<50000x64xf32, #tpu.memory_space<hbm>>) target(%arg13 : memref<128x64xf32, #tpu.memory_space<vmem>>) offsets(%arg5 : memref<128xi32, #tpu.memory_space<vmem>>) semaphore(%arg21 : memref<!tpu.dma_semaphore, #tpu.memory_space<semaphore_mem>>)
    } else {
    }
    %add3A_5 = arith.constant 32 : i32
    %add3A_6 = arith.addi %add3A_5, %add3A : i32
    %lt3A_7 = arith.constant 6250 : i32
    %lt3A_8 = arith.cmpi slt, %add3A_6, %lt3A_7 : i32
    %convert_element_type3A_9 = arith.extui %lt3A_8 : i1 to i32
    %cond3A_10 = arith.constant 0 : i32
    %cond3A_11 = arith.cmpi ne, %convert_element_type3A_9, %cond3A_10 : i32
    scf.if %cond3A_11 {
      %mul3A_52 = arith.constant 128 : i32
      %mul3A_53 = arith.muli %add3A_6, %mul3A_52 : i32
      "tpu.region"() ({
        %run_scoped3A = tpu.sem_alloc : memref<!tpu.dma_semaphore, #tpu.memory_space<semaphore_mem>>
        %dma_start3A_56 = tpu.memref_slice %arg3[%mul3A_53] : memref<800000xi32, #tpu.memory_space<hbm>> -> memref<128xi32, #tpu.memory_space<hbm>>
        %dma_start3A_57 = tpu.memref_slice %arg3[%mul3A_53] : memref<800000xi32, #tpu.memory_space<hbm>> -> memref<128xi32, #tpu.memory_space<hbm>>
        tpu.enqueue_dma source(%dma_start3A_57 : memref<128xi32, #tpu.memory_space<hbm>>) target(%arg6 : memref<128xi32, #tpu.memory_space<vmem>>) target_semaphore(%run_scoped3A : memref<!tpu.dma_semaphore, #tpu.memory_space<semaphore_mem>>)
        %dma_wait3A = tpu.memref_slice %arg3[%mul3A_53] : memref<800000xi32, #tpu.memory_space<hbm>> -> memref<128xi32, #tpu.memory_space<hbm>>
        %dma_wait3A_58 = tpu.memref_slice %arg3[%mul3A_53] : memref<800000xi32, #tpu.memory_space<hbm>> -> memref<128xi32, #tpu.memory_space<hbm>>
        tpu.wait_dma2 semaphore(%run_scoped3A : memref<!tpu.dma_semaphore, #tpu.memory_space<semaphore_mem>>) src(%dma_wait3A_58 : memref<128xi32, #tpu.memory_space<hbm>>) dst(%arg6 : memref<128xi32, #tpu.memory_space<vmem>>)
        tpu.yield
      }) : () -> ()
      %dma_start3A = arith.constant 0 : i32
      %dma_start3A_54 = arith.constant 0 : i32
      %dma_start3A_55 = tpu.memref_slice %arg2[%dma_start3A, %dma_start3A_54] : memref<50000x64xf32, #tpu.memory_space<hbm>> -> memref<50000x64xf32, #tpu.memory_space<hbm>>
      tpu.enqueue_indirect_dma source(%dma_start3A_55 : memref<50000x64xf32, #tpu.memory_space<hbm>>) target(%arg14 : memref<128x64xf32, #tpu.memory_space<vmem>>) offsets(%arg6 : memref<128xi32, #tpu.memory_space<vmem>>) semaphore(%arg22 : memref<!tpu.dma_semaphore, #tpu.memory_space<semaphore_mem>>)
    } else {
    }
    %add3A_12 = arith.constant 64 : i32
    %add3A_13 = arith.addi %add3A_12, %add3A : i32
    %lt3A_14 = arith.constant 6250 : i32
    %lt3A_15 = arith.cmpi slt, %add3A_13, %lt3A_14 : i32
    %convert_element_type3A_16 = arith.extui %lt3A_15 : i1 to i32
    %cond3A_17 = arith.constant 0 : i32
    %cond3A_18 = arith.cmpi ne, %convert_element_type3A_16, %cond3A_17 : i32
    scf.if %cond3A_18 {
      %mul3A_52 = arith.constant 128 : i32
      %mul3A_53 = arith.muli %add3A_13, %mul3A_52 : i32
      "tpu.region"() ({
        %run_scoped3A = tpu.sem_alloc : memref<!tpu.dma_semaphore, #tpu.memory_space<semaphore_mem>>
        %dma_start3A_56 = tpu.memref_slice %arg3[%mul3A_53] : memref<800000xi32, #tpu.memory_space<hbm>> -> memref<128xi32, #tpu.memory_space<hbm>>
        %dma_start3A_57 = tpu.memref_slice %arg3[%mul3A_53] : memref<800000xi32, #tpu.memory_space<hbm>> -> memref<128xi32, #tpu.memory_space<hbm>>
        tpu.enqueue_dma source(%dma_start3A_57 : memref<128xi32, #tpu.memory_space<hbm>>) target(%arg7 : memref<128xi32, #tpu.memory_space<vmem>>) target_semaphore(%run_scoped3A : memref<!tpu.dma_semaphore, #tpu.memory_space<semaphore_mem>>)
        %dma_wait3A = tpu.memref_slice %arg3[%mul3A_53] : memref<800000xi32, #tpu.memory_space<hbm>> -> memref<128xi32, #tpu.memory_space<hbm>>
        %dma_wait3A_58 = tpu.memref_slice %arg3[%mul3A_53] : memref<800000xi32, #tpu.memory_space<hbm>> -> memref<128xi32, #tpu.memory_space<hbm>>
        tpu.wait_dma2 semaphore(%run_scoped3A : memref<!tpu.dma_semaphore, #tpu.memory_space<semaphore_mem>>) src(%dma_wait3A_58 : memref<128xi32, #tpu.memory_space<hbm>>) dst(%arg7 : memref<128xi32, #tpu.memory_space<vmem>>)
        tpu.yield
      }) : () -> ()
      %dma_start3A = arith.constant 0 : i32
      %dma_start3A_54 = arith.constant 0 : i32
      %dma_start3A_55 = tpu.memref_slice %arg2[%dma_start3A, %dma_start3A_54] : memref<50000x64xf32, #tpu.memory_space<hbm>> -> memref<50000x64xf32, #tpu.memory_space<hbm>>
      tpu.enqueue_indirect_dma source(%dma_start3A_55 : memref<50000x64xf32, #tpu.memory_space<hbm>>) target(%arg15 : memref<128x64xf32, #tpu.memory_space<vmem>>) offsets(%arg7 : memref<128xi32, #tpu.memory_space<vmem>>) semaphore(%arg23 : memref<!tpu.dma_semaphore, #tpu.memory_space<semaphore_mem>>)
    } else {
    }
    %add3A_19 = arith.constant 96 : i32
    %add3A_20 = arith.addi %add3A_19, %add3A : i32
    %lt3A_21 = arith.constant 6250 : i32
    %lt3A_22 = arith.cmpi slt, %add3A_20, %lt3A_21 : i32
    %convert_element_type3A_23 = arith.extui %lt3A_22 : i1 to i32
    %cond3A_24 = arith.constant 0 : i32
    %cond3A_25 = arith.cmpi ne, %convert_element_type3A_23, %cond3A_24 : i32
    scf.if %cond3A_25 {
      %mul3A_52 = arith.constant 128 : i32
      %mul3A_53 = arith.muli %add3A_20, %mul3A_52 : i32
      "tpu.region"() ({
        %run_scoped3A = tpu.sem_alloc : memref<!tpu.dma_semaphore, #tpu.memory_space<semaphore_mem>>
        %dma_start3A_56 = tpu.memref_slice %arg3[%mul3A_53] : memref<800000xi32, #tpu.memory_space<hbm>> -> memref<128xi32, #tpu.memory_space<hbm>>
        %dma_start3A_57 = tpu.memref_slice %arg3[%mul3A_53] : memref<800000xi32, #tpu.memory_space<hbm>> -> memref<128xi32, #tpu.memory_space<hbm>>
        tpu.enqueue_dma source(%dma_start3A_57 : memref<128xi32, #tpu.memory_space<hbm>>) target(%arg8 : memref<128xi32, #tpu.memory_space<vmem>>) target_semaphore(%run_scoped3A : memref<!tpu.dma_semaphore, #tpu.memory_space<semaphore_mem>>)
        %dma_wait3A = tpu.memref_slice %arg3[%mul3A_53] : memref<800000xi32, #tpu.memory_space<hbm>> -> memref<128xi32, #tpu.memory_space<hbm>>
        %dma_wait3A_58 = tpu.memref_slice %arg3[%mul3A_53] : memref<800000xi32, #tpu.memory_space<hbm>> -> memref<128xi32, #tpu.memory_space<hbm>>
        tpu.wait_dma2 semaphore(%run_scoped3A : memref<!tpu.dma_semaphore, #tpu.memory_space<semaphore_mem>>) src(%dma_wait3A_58 : memref<128xi32, #tpu.memory_space<hbm>>) dst(%arg8 : memref<128xi32, #tpu.memory_space<vmem>>)
        tpu.yield
      }) : () -> ()
      %dma_start3A = arith.constant 0 : i32
      %dma_start3A_54 = arith.constant 0 : i32
      %dma_start3A_55 = tpu.memref_slice %arg2[%dma_start3A, %dma_start3A_54] : memref<50000x64xf32, #tpu.memory_space<hbm>> -> memref<50000x64xf32, #tpu.memory_space<hbm>>
      tpu.enqueue_indirect_dma source(%dma_start3A_55 : memref<50000x64xf32, #tpu.memory_space<hbm>>) target(%arg16 : memref<128x64xf32, #tpu.memory_space<vmem>>) offsets(%arg8 : memref<128xi32, #tpu.memory_space<vmem>>) semaphore(%arg24 : memref<!tpu.dma_semaphore, #tpu.memory_space<semaphore_mem>>)
    } else {
    }
    %add3A_26 = arith.constant 128 : i32
    %add3A_27 = arith.addi %add3A_26, %add3A : i32
    %lt3A_28 = arith.constant 6250 : i32
    %lt3A_29 = arith.cmpi slt, %add3A_27, %lt3A_28 : i32
    %convert_element_type3A_30 = arith.extui %lt3A_29 : i1 to i32
    %cond3A_31 = arith.constant 0 : i32
    %cond3A_32 = arith.cmpi ne, %convert_element_type3A_30, %cond3A_31 : i32
    scf.if %cond3A_32 {
      %mul3A_52 = arith.constant 128 : i32
      %mul3A_53 = arith.muli %add3A_27, %mul3A_52 : i32
      "tpu.region"() ({
        %run_scoped3A = tpu.sem_alloc : memref<!tpu.dma_semaphore, #tpu.memory_space<semaphore_mem>>
        %dma_start3A_56 = tpu.memref_slice %arg3[%mul3A_53] : memref<800000xi32, #tpu.memory_space<hbm>> -> memref<128xi32, #tpu.memory_space<hbm>>
        %dma_start3A_57 = tpu.memref_slice %arg3[%mul3A_53] : memref<800000xi32, #tpu.memory_space<hbm>> -> memref<128xi32, #tpu.memory_space<hbm>>
        tpu.enqueue_dma source(%dma_start3A_57 : memref<128xi32, #tpu.memory_space<hbm>>) target(%arg9 : memref<128xi32, #tpu.memory_space<vmem>>) target_semaphore(%run_scoped3A : memref<!tpu.dma_semaphore, #tpu.memory_space<semaphore_mem>>)
        %dma_wait3A = tpu.memref_slice %arg3[%mul3A_53] : memref<800000xi32, #tpu.memory_space<hbm>> -> memref<128xi32, #tpu.memory_space<hbm>>
        %dma_wait3A_58 = tpu.memref_slice %arg3[%mul3A_53] : memref<800000xi32, #tpu.memory_space<hbm>> -> memref<128xi32, #tpu.memory_space<hbm>>
        tpu.wait_dma2 semaphore(%run_scoped3A : memref<!tpu.dma_semaphore, #tpu.memory_space<semaphore_mem>>) src(%dma_wait3A_58 : memref<128xi32, #tpu.memory_space<hbm>>) dst(%arg9 : memref<128xi32, #tpu.memory_space<vmem>>)
        tpu.yield
      }) : () -> ()
      %dma_start3A = arith.constant 0 : i32
      %dma_start3A_54 = arith.constant 0 : i32
      %dma_start3A_55 = tpu.memref_slice %arg2[%dma_start3A, %dma_start3A_54] : memref<50000x64xf32, #tpu.memory_space<hbm>> -> memref<50000x64xf32, #tpu.memory_space<hbm>>
      tpu.enqueue_indirect_dma source(%dma_start3A_55 : memref<50000x64xf32, #tpu.memory_space<hbm>>) target(%arg17 : memref<128x64xf32, #tpu.memory_space<vmem>>) offsets(%arg9 : memref<128xi32, #tpu.memory_space<vmem>>) semaphore(%arg25 : memref<!tpu.dma_semaphore, #tpu.memory_space<semaphore_mem>>)
    } else {
    }
    %add3A_33 = arith.constant 160 : i32
    %add3A_34 = arith.addi %add3A_33, %add3A : i32
    %lt3A_35 = arith.constant 6250 : i32
    %lt3A_36 = arith.cmpi slt, %add3A_34, %lt3A_35 : i32
    %convert_element_type3A_37 = arith.extui %lt3A_36 : i1 to i32
    %cond3A_38 = arith.constant 0 : i32
    %cond3A_39 = arith.cmpi ne, %convert_element_type3A_37, %cond3A_38 : i32
    scf.if %cond3A_39 {
      %mul3A_52 = arith.constant 128 : i32
      %mul3A_53 = arith.muli %add3A_34, %mul3A_52 : i32
      "tpu.region"() ({
        %run_scoped3A = tpu.sem_alloc : memref<!tpu.dma_semaphore, #tpu.memory_space<semaphore_mem>>
        %dma_start3A_56 = tpu.memref_slice %arg3[%mul3A_53] : memref<800000xi32, #tpu.memory_space<hbm>> -> memref<128xi32, #tpu.memory_space<hbm>>
        %dma_start3A_57 = tpu.memref_slice %arg3[%mul3A_53] : memref<800000xi32, #tpu.memory_space<hbm>> -> memref<128xi32, #tpu.memory_space<hbm>>
        tpu.enqueue_dma source(%dma_start3A_57 : memref<128xi32, #tpu.memory_space<hbm>>) target(%arg10 : memref<128xi32, #tpu.memory_space<vmem>>) target_semaphore(%run_scoped3A : memref<!tpu.dma_semaphore, #tpu.memory_space<semaphore_mem>>)
        %dma_wait3A = tpu.memref_slice %arg3[%mul3A_53] : memref<800000xi32, #tpu.memory_space<hbm>> -> memref<128xi32, #tpu.memory_space<hbm>>
        %dma_wait3A_58 = tpu.memref_slice %arg3[%mul3A_53] : memref<800000xi32, #tpu.memory_space<hbm>> -> memref<128xi32, #tpu.memory_space<hbm>>
        tpu.wait_dma2 semaphore(%run_scoped3A : memref<!tpu.dma_semaphore, #tpu.memory_space<semaphore_mem>>) src(%dma_wait3A_58 : memref<128xi32, #tpu.memory_space<hbm>>) dst(%arg10 : memref<128xi32, #tpu.memory_space<vmem>>)
        tpu.yield
      }) : () -> ()
      %dma_start3A = arith.constant 0 : i32
      %dma_start3A_54 = arith.constant 0 : i32
      %dma_start3A_55 = tpu.memref_slice %arg2[%dma_start3A, %dma_start3A_54] : memref<50000x64xf32, #tpu.memory_space<hbm>> -> memref<50000x64xf32, #tpu.memory_space<hbm>>
      tpu.enqueue_indirect_dma source(%dma_start3A_55 : memref<50000x64xf32, #tpu.memory_space<hbm>>) target(%arg18 : memref<128x64xf32, #tpu.memory_space<vmem>>) offsets(%arg10 : memref<128xi32, #tpu.memory_space<vmem>>) semaphore(%arg26 : memref<!tpu.dma_semaphore, #tpu.memory_space<semaphore_mem>>)
    } else {
    }
    %add3A_40 = arith.constant 192 : i32
    %add3A_41 = arith.addi %add3A_40, %add3A : i32
    %lt3A_42 = arith.constant 6250 : i32
    %lt3A_43 = arith.cmpi slt, %add3A_41, %lt3A_42 : i32
    %convert_element_type3A_44 = arith.extui %lt3A_43 : i1 to i32
    %cond3A_45 = arith.constant 0 : i32
    %cond3A_46 = arith.cmpi ne, %convert_element_type3A_44, %cond3A_45 : i32
    scf.if %cond3A_46 {
      %mul3A_52 = arith.constant 128 : i32
      %mul3A_53 = arith.muli %add3A_41, %mul3A_52 : i32
      "tpu.region"() ({
        %run_scoped3A = tpu.sem_alloc : memref<!tpu.dma_semaphore, #tpu.memory_space<semaphore_mem>>
        %dma_start3A_56 = tpu.memref_slice %arg3[%mul3A_53] : memref<800000xi32, #tpu.memory_space<hbm>> -> memref<128xi32, #tpu.memory_space<hbm>>
        %dma_start3A_57 = tpu.memref_slice %arg3[%mul3A_53] : memref<800000xi32, #tpu.memory_space<hbm>> -> memref<128xi32, #tpu.memory_space<hbm>>
        tpu.enqueue_dma source(%dma_start3A_57 : memref<128xi32, #tpu.memory_space<hbm>>) target(%arg11 : memref<128xi32, #tpu.memory_space<vmem>>) target_semaphore(%run_scoped3A : memref<!tpu.dma_semaphore, #tpu.memory_space<semaphore_mem>>)
        %dma_wait3A = tpu.memref_slice %arg3[%mul3A_53] : memref<800000xi32, #tpu.memory_space<hbm>> -> memref<128xi32, #tpu.memory_space<hbm>>
        %dma_wait3A_58 = tpu.memref_slice %arg3[%mul3A_53] : memref<800000xi32, #tpu.memory_space<hbm>> -> memref<128xi32, #tpu.memory_space<hbm>>
        tpu.wait_dma2 semaphore(%run_scoped3A : memref<!tpu.dma_semaphore, #tpu.memory_space<semaphore_mem>>) src(%dma_wait3A_58 : memref<128xi32, #tpu.memory_space<hbm>>) dst(%arg11 : memref<128xi32, #tpu.memory_space<vmem>>)
        tpu.yield
      }) : () -> ()
      %dma_start3A = arith.constant 0 : i32
      %dma_start3A_54 = arith.constant 0 : i32
      %dma_start3A_55 = tpu.memref_slice %arg2[%dma_start3A, %dma_start3A_54] : memref<50000x64xf32, #tpu.memory_space<hbm>> -> memref<50000x64xf32, #tpu.memory_space<hbm>>
      tpu.enqueue_indirect_dma source(%dma_start3A_55 : memref<50000x64xf32, #tpu.memory_space<hbm>>) target(%arg19 : memref<128x64xf32, #tpu.memory_space<vmem>>) offsets(%arg11 : memref<128xi32, #tpu.memory_space<vmem>>) semaphore(%arg27 : memref<!tpu.dma_semaphore, #tpu.memory_space<semaphore_mem>>)
    } else {
    }
    %scan3A = arith.constant 0 : i32
    %scan3A_47 = arith.constant 0 : i32
    %scan3A_48 = arith.constant 25 : i32
    %scan3A_49 = arith.addi %scan3A_47, %scan3A_48 : i32
    %scan3A_50 = arith.constant 1 : i32
    scf.for %scan3A_52 = %scan3A_47 to %scan3A_49 step %scan3A_50  : i32 {
      %mul3A_53 = arith.constant 8 : i32
      %mul3A_54 = arith.muli %scan3A_52, %mul3A_53 : i32
      %add3A_55 = arith.constant 0 : i32
      %add3A_56 = arith.addi %mul3A_54, %add3A_55 : i32
      %add3A_57 = arith.constant 8 : i32
      %add3A_58 = arith.addi %add3A_56, %add3A_57 : i32
      %sub3A = arith.constant 1 : i32
      %sub3A_59 = arith.subi %add3A_58, %sub3A : i32
      %mul3A_60 = arith.constant 32 : i32
      %mul3A_61 = arith.muli %sub3A_59, %mul3A_60 : i32
      %add3A_62 = arith.addi %mul3A_61, %add3A : i32
      %lt3A_63 = arith.constant 6250 : i32
      %lt3A_64 = arith.cmpi slt, %add3A_62, %lt3A_63 : i32
      %convert_element_type3A_65 = arith.extui %lt3A_64 : i1 to i32
      %cond3A_66 = arith.constant 0 : i32
      %cond3A_67 = arith.cmpi ne, %convert_element_type3A_65, %cond3A_66 : i32
      scf.if %cond3A_67 {
        %mul3A_246 = arith.constant 128 : i32
        %mul3A_247 = arith.muli %add3A_62, %mul3A_246 : i32
        "tpu.region"() ({
          %run_scoped3A = tpu.sem_alloc : memref<!tpu.dma_semaphore, #tpu.memory_space<semaphore_mem>>
          %dma_start3A_250 = tpu.memref_slice %arg3[%mul3A_247] : memref<800000xi32, #tpu.memory_space<hbm>> -> memref<128xi32, #tpu.memory_space<hbm>>
          %dma_start3A_251 = tpu.memref_slice %arg3[%mul3A_247] : memref<800000xi32, #tpu.memory_space<hbm>> -> memref<128xi32, #tpu.memory_space<hbm>>
          tpu.enqueue_dma source(%dma_start3A_251 : memref<128xi32, #tpu.memory_space<hbm>>) target(%arg12 : memref<128xi32, #tpu.memory_space<vmem>>) target_semaphore(%run_scoped3A : memref<!tpu.dma_semaphore, #tpu.memory_space<semaphore_mem>>)
          %dma_wait3A = tpu.memref_slice %arg3[%mul3A_247] : memref<800000xi32, #tpu.memory_space<hbm>> -> memref<128xi32, #tpu.memory_space<hbm>>
          %dma_wait3A_252 = tpu.memref_slice %arg3[%mul3A_247] : memref<800000xi32, #tpu.memory_space<hbm>> -> memref<128xi32, #tpu.memory_space<hbm>>
          tpu.wait_dma2 semaphore(%run_scoped3A : memref<!tpu.dma_semaphore, #tpu.memory_space<semaphore_mem>>) src(%dma_wait3A_252 : memref<128xi32, #tpu.memory_space<hbm>>) dst(%arg12 : memref<128xi32, #tpu.memory_space<vmem>>)
          tpu.yield
        }) : () -> ()
        %dma_start3A = arith.constant 0 : i32
        %dma_start3A_248 = arith.constant 0 : i32
        %dma_start3A_249 = tpu.memref_slice %arg2[%dma_start3A, %dma_start3A_248] : memref<50000x64xf32, #tpu.memory_space<hbm>> -> memref<50000x64xf32, #tpu.memory_space<hbm>>
        tpu.enqueue_indirect_dma source(%dma_start3A_249 : memref<50000x64xf32, #tpu.memory_space<hbm>>) target(%arg20 : memref<128x64xf32, #tpu.memory_space<vmem>>) offsets(%arg12 : memref<128xi32, #tpu.memory_space<vmem>>) semaphore(%arg28 : memref<!tpu.dma_semaphore, #tpu.memory_space<semaphore_mem>>)
      } else {
      }
      %add3A_68 = arith.constant 0 : i32
      %add3A_69 = arith.addi %mul3A_54, %add3A_68 : i32
      %mul3A_70 = arith.constant 32 : i32
      %mul3A_71 = arith.muli %add3A_69, %mul3A_70 : i32
      %add3A_72 = arith.addi %mul3A_71, %add3A : i32
      %lt3A_73 = arith.constant 6250 : i32
      %lt3A_74 = arith.cmpi slt, %add3A_72, %lt3A_73 : i32
      %convert_element_type3A_75 = arith.extui %lt3A_74 : i1 to i32
      %cond3A_76 = arith.constant 0 : i32
      %cond3A_77 = arith.cmpi ne, %convert_element_type3A_75, %cond3A_76 : i32
      scf.if %cond3A_77 {
        %mul3A_246 = arith.constant 128 : i32
        %mul3A_247 = arith.muli %add3A_72, %mul3A_246 : i32
        %dma_wait3A = arith.constant 0 : i32
        %dma_wait3A_248 = arith.constant 0 : i32
        %dma_wait3A_249 = tpu.memref_slice %arg2[%dma_wait3A, %dma_wait3A_248] : memref<50000x64xf32, #tpu.memory_space<hbm>> -> memref<50000x64xf32, #tpu.memory_space<hbm>>
        tpu.wait_indirect_dma semaphore(%arg21 : memref<!tpu.dma_semaphore, #tpu.memory_space<semaphore_mem>>) src(%dma_wait3A_249 : memref<50000x64xf32, #tpu.memory_space<hbm>>) dst(%arg13 : memref<128x64xf32, #tpu.memory_space<vmem>>)
        "tpu.region"() ({
          %run_scoped3A = tpu.sem_alloc : memref<!tpu.dma_semaphore, #tpu.memory_space<semaphore_mem>>
          %dma_start3A = arith.constant 0 : i32
          %dma_start3A_250 = tpu.memref_slice %arg4[%mul3A_247, %dma_start3A] : memref<800000x64xf32, #tpu.memory_space<hbm>> -> memref<128x64xf32, #tpu.memory_space<hbm>>
          %dma_start3A_251 = arith.constant 0 : i32
          %dma_start3A_252 = tpu.memref_slice %arg4[%mul3A_247, %dma_start3A_251] : memref<800000x64xf32, #tpu.memory_space<hbm>> -> memref<128x64xf32, #tpu.memory_space<hbm>>
          tpu.enqueue_dma source(%arg13 : memref<128x64xf32, #tpu.memory_space<vmem>>) target(%dma_start3A_252 : memref<128x64xf32, #tpu.memory_space<hbm>>) target_semaphore(%run_scoped3A : memref<!tpu.dma_semaphore, #tpu.memory_space<semaphore_mem>>)
          %dma_wait3A_253 = arith.constant 0 : i32
          %dma_wait3A_254 = tpu.memref_slice %arg4[%mul3A_247, %dma_wait3A_253] : memref<800000x64xf32, #tpu.memory_space<hbm>> -> memref<128x64xf32, #tpu.memory_space<hbm>>
          %dma_wait3A_255 = arith.constant 0 : i32
          %dma_wait3A_256 = tpu.memref_slice %arg4[%mul3A_247, %dma_wait3A_255] : memref<800000x64xf32, #tpu.memory_space<hbm>> -> memref<128x64xf32, #tpu.memory_space<hbm>>
          tpu.wait_dma2 semaphore(%run_scoped3A : memref<!tpu.dma_semaphore, #tpu.memory_space<semaphore_mem>>) src(%arg13 : memref<128x64xf32, #tpu.memory_space<vmem>>) dst(%dma_wait3A_256 : memref<128x64xf32, #tpu.memory_space<hbm>>)
          tpu.yield
        }) : () -> ()
      } else {
      }
      %add3A_78 = arith.constant 1 : i32
      %add3A_79 = arith.addi %mul3A_54, %add3A_78 : i32
      %add3A_80 = arith.constant 8 : i32
      %add3A_81 = arith.addi %add3A_79, %add3A_80 : i32
      %sub3A_82 = arith.constant 1 : i32
      %sub3A_83 = arith.subi %add3A_81, %sub3A_82 : i32
      %mul3A_84 = arith.constant 32 : i32
      %mul3A_85 = arith.muli %sub3A_83, %mul3A_84 : i32
      %add3A_86 = arith.addi %mul3A_85, %add3A : i32
      %lt3A_87 = arith.constant 6250 : i32
      %lt3A_88 = arith.cmpi slt, %add3A_86, %lt3A_87 : i32
      %convert_element_type3A_89 = arith.extui %lt3A_88 : i1 to i32
      %cond3A_90 = arith.constant 0 : i32
      %cond3A_91 = arith.cmpi ne, %convert_element_type3A_89, %cond3A_90 : i32
      scf.if %cond3A_91 {
        %mul3A_246 = arith.constant 128 : i32
        %mul3A_247 = arith.muli %add3A_86, %mul3A_246 : i32
        "tpu.region"() ({
          %run_scoped3A = tpu.sem_alloc : memref<!tpu.dma_semaphore, #tpu.memory_space<semaphore_mem>>
          %dma_start3A_250 = tpu.memref_slice %arg3[%mul3A_247] : memref<800000xi32, #tpu.memory_space<hbm>> -> memref<128xi32, #tpu.memory_space<hbm>>
          %dma_start3A_251 = tpu.memref_slice %arg3[%mul3A_247] : memref<800000xi32, #tpu.memory_space<hbm>> -> memref<128xi32, #tpu.memory_space<hbm>>
          tpu.enqueue_dma source(%dma_start3A_251 : memref<128xi32, #tpu.memory_space<hbm>>) target(%arg5 : memref<128xi32, #tpu.memory_space<vmem>>) target_semaphore(%run_scoped3A : memref<!tpu.dma_semaphore, #tpu.memory_space<semaphore_mem>>)
          %dma_wait3A = tpu.memref_slice %arg3[%mul3A_247] : memref<800000xi32, #tpu.memory_space<hbm>> -> memref<128xi32, #tpu.memory_space<hbm>>
          %dma_wait3A_252 = tpu.memref_slice %arg3[%mul3A_247] : memref<800000xi32, #tpu.memory_space<hbm>> -> memref<128xi32, #tpu.memory_space<hbm>>
          tpu.wait_dma2 semaphore(%run_scoped3A : memref<!tpu.dma_semaphore, #tpu.memory_space<semaphore_mem>>) src(%dma_wait3A_252 : memref<128xi32, #tpu.memory_space<hbm>>) dst(%arg5 : memref<128xi32, #tpu.memory_space<vmem>>)
          tpu.yield
        }) : () -> ()
        %dma_start3A = arith.constant 0 : i32
        %dma_start3A_248 = arith.constant 0 : i32
        %dma_start3A_249 = tpu.memref_slice %arg2[%dma_start3A, %dma_start3A_248] : memref<50000x64xf32, #tpu.memory_space<hbm>> -> memref<50000x64xf32, #tpu.memory_space<hbm>>
        tpu.enqueue_indirect_dma source(%dma_start3A_249 : memref<50000x64xf32, #tpu.memory_space<hbm>>) target(%arg13 : memref<128x64xf32, #tpu.memory_space<vmem>>) offsets(%arg5 : memref<128xi32, #tpu.memory_space<vmem>>) semaphore(%arg21 : memref<!tpu.dma_semaphore, #tpu.memory_space<semaphore_mem>>)
      } else {
      }
      %add3A_92 = arith.constant 1 : i32
      %add3A_93 = arith.addi %mul3A_54, %add3A_92 : i32
      %mul3A_94 = arith.constant 32 : i32
      %mul3A_95 = arith.muli %add3A_93, %mul3A_94 : i32
      %add3A_96 = arith.addi %mul3A_95, %add3A : i32
      %lt3A_97 = arith.constant 6250 : i32
      %lt3A_98 = arith.cmpi slt, %add3A_96, %lt3A_97 : i32
      %convert_element_type3A_99 = arith.extui %lt3A_98 : i1 to i32
      %cond3A_100 = arith.constant 0 : i32
      %cond3A_101 = arith.cmpi ne, %convert_element_type3A_99, %cond3A_100 : i32
      scf.if %cond3A_101 {
        %mul3A_246 = arith.constant 128 : i32
        %mul3A_247 = arith.muli %add3A_96, %mul3A_246 : i32
        %dma_wait3A = arith.constant 0 : i32
        %dma_wait3A_248 = arith.constant 0 : i32
        %dma_wait3A_249 = tpu.memref_slice %arg2[%dma_wait3A, %dma_wait3A_248] : memref<50000x64xf32, #tpu.memory_space<hbm>> -> memref<50000x64xf32, #tpu.memory_space<hbm>>
        tpu.wait_indirect_dma semaphore(%arg22 : memref<!tpu.dma_semaphore, #tpu.memory_space<semaphore_mem>>) src(%dma_wait3A_249 : memref<50000x64xf32, #tpu.memory_space<hbm>>) dst(%arg14 : memref<128x64xf32, #tpu.memory_space<vmem>>)
        "tpu.region"() ({
          %run_scoped3A = tpu.sem_alloc : memref<!tpu.dma_semaphore, #tpu.memory_space<semaphore_mem>>
          %dma_start3A = arith.constant 0 : i32
          %dma_start3A_250 = tpu.memref_slice %arg4[%mul3A_247, %dma_start3A] : memref<800000x64xf32, #tpu.memory_space<hbm>> -> memref<128x64xf32, #tpu.memory_space<hbm>>
          %dma_start3A_251 = arith.constant 0 : i32
          %dma_start3A_252 = tpu.memref_slice %arg4[%mul3A_247, %dma_start3A_251] : memref<800000x64xf32, #tpu.memory_space<hbm>> -> memref<128x64xf32, #tpu.memory_space<hbm>>
          tpu.enqueue_dma source(%arg14 : memref<128x64xf32, #tpu.memory_space<vmem>>) target(%dma_start3A_252 : memref<128x64xf32, #tpu.memory_space<hbm>>) target_semaphore(%run_scoped3A : memref<!tpu.dma_semaphore, #tpu.memory_space<semaphore_mem>>)
          %dma_wait3A_253 = arith.constant 0 : i32
          %dma_wait3A_254 = tpu.memref_slice %arg4[%mul3A_247, %dma_wait3A_253] : memref<800000x64xf32, #tpu.memory_space<hbm>> -> memref<128x64xf32, #tpu.memory_space<hbm>>
          %dma_wait3A_255 = arith.constant 0 : i32
          %dma_wait3A_256 = tpu.memref_slice %arg4[%mul3A_247, %dma_wait3A_255] : memref<800000x64xf32, #tpu.memory_space<hbm>> -> memref<128x64xf32, #tpu.memory_space<hbm>>
          tpu.wait_dma2 semaphore(%run_scoped3A : memref<!tpu.dma_semaphore, #tpu.memory_space<semaphore_mem>>) src(%arg14 : memref<128x64xf32, #tpu.memory_space<vmem>>) dst(%dma_wait3A_256 : memref<128x64xf32, #tpu.memory_space<hbm>>)
          tpu.yield
        }) : () -> ()
      } else {
      }
      %add3A_102 = arith.constant 2 : i32
      %add3A_103 = arith.addi %mul3A_54, %add3A_102 : i32
      %add3A_104 = arith.constant 8 : i32
      %add3A_105 = arith.addi %add3A_103, %add3A_104 : i32
      %sub3A_106 = arith.constant 1 : i32
      %sub3A_107 = arith.subi %add3A_105, %sub3A_106 : i32
      %mul3A_108 = arith.constant 32 : i32
      %mul3A_109 = arith.muli %sub3A_107, %mul3A_108 : i32
      %add3A_110 = arith.addi %mul3A_109, %add3A : i32
      %lt3A_111 = arith.constant 6250 : i32
      %lt3A_112 = arith.cmpi slt, %add3A_110, %lt3A_111 : i32
      %convert_element_type3A_113 = arith.extui %lt3A_112 : i1 to i32
      %cond3A_114 = arith.constant 0 : i32
      %cond3A_115 = arith.cmpi ne, %convert_element_type3A_113, %cond3A_114 : i32
      scf.if %cond3A_115 {
        %mul3A_246 = arith.constant 128 : i32
        %mul3A_247 = arith.muli %add3A_110, %mul3A_246 : i32
        "tpu.region"() ({
          %run_scoped3A = tpu.sem_alloc : memref<!tpu.dma_semaphore, #tpu.memory_space<semaphore_mem>>
          %dma_start3A_250 = tpu.memref_slice %arg3[%mul3A_247] : memref<800000xi32, #tpu.memory_space<hbm>> -> memref<128xi32, #tpu.memory_space<hbm>>
          %dma_start3A_251 = tpu.memref_slice %arg3[%mul3A_247] : memref<800000xi32, #tpu.memory_space<hbm>> -> memref<128xi32, #tpu.memory_space<hbm>>
          tpu.enqueue_dma source(%dma_start3A_251 : memref<128xi32, #tpu.memory_space<hbm>>) target(%arg6 : memref<128xi32, #tpu.memory_space<vmem>>) target_semaphore(%run_scoped3A : memref<!tpu.dma_semaphore, #tpu.memory_space<semaphore_mem>>)
          %dma_wait3A = tpu.memref_slice %arg3[%mul3A_247] : memref<800000xi32, #tpu.memory_space<hbm>> -> memref<128xi32, #tpu.memory_space<hbm>>
          %dma_wait3A_252 = tpu.memref_slice %arg3[%mul3A_247] : memref<800000xi32, #tpu.memory_space<hbm>> -> memref<128xi32, #tpu.memory_space<hbm>>
          tpu.wait_dma2 semaphore(%run_scoped3A : memref<!tpu.dma_semaphore, #tpu.memory_space<semaphore_mem>>) src(%dma_wait3A_252 : memref<128xi32, #tpu.memory_space<hbm>>) dst(%arg6 : memref<128xi32, #tpu.memory_space<vmem>>)
          tpu.yield
        }) : () -> ()
        %dma_start3A = arith.constant 0 : i32
        %dma_start3A_248 = arith.constant 0 : i32
        %dma_start3A_249 = tpu.memref_slice %arg2[%dma_start3A, %dma_start3A_248] : memref<50000x64xf32, #tpu.memory_space<hbm>> -> memref<50000x64xf32, #tpu.memory_space<hbm>>
        tpu.enqueue_indirect_dma source(%dma_start3A_249 : memref<50000x64xf32, #tpu.memory_space<hbm>>) target(%arg14 : memref<128x64xf32, #tpu.memory_space<vmem>>) offsets(%arg6 : memref<128xi32, #tpu.memory_space<vmem>>) semaphore(%arg22 : memref<!tpu.dma_semaphore, #tpu.memory_space<semaphore_mem>>)
      } else {
      }
      %add3A_116 = arith.constant 2 : i32
      %add3A_117 = arith.addi %mul3A_54, %add3A_116 : i32
      %mul3A_118 = arith.constant 32 : i32
      %mul3A_119 = arith.muli %add3A_117, %mul3A_118 : i32
      %add3A_120 = arith.addi %mul3A_119, %add3A : i32
      %lt3A_121 = arith.constant 6250 : i32
      %lt3A_122 = arith.cmpi slt, %add3A_120, %lt3A_121 : i32
      %convert_element_type3A_123 = arith.extui %lt3A_122 : i1 to i32
      %cond3A_124 = arith.constant 0 : i32
      %cond3A_125 = arith.cmpi ne, %convert_element_type3A_123, %cond3A_124 : i32
      scf.if %cond3A_125 {
        %mul3A_246 = arith.constant 128 : i32
        %mul3A_247 = arith.muli %add3A_120, %mul3A_246 : i32
        %dma_wait3A = arith.constant 0 : i32
        %dma_wait3A_248 = arith.constant 0 : i32
        %dma_wait3A_249 = tpu.memref_slice %arg2[%dma_wait3A, %dma_wait3A_248] : memref<50000x64xf32, #tpu.memory_space<hbm>> -> memref<50000x64xf32, #tpu.memory_space<hbm>>
        tpu.wait_indirect_dma semaphore(%arg23 : memref<!tpu.dma_semaphore, #tpu.memory_space<semaphore_mem>>) src(%dma_wait3A_249 : memref<50000x64xf32, #tpu.memory_space<hbm>>) dst(%arg15 : memref<128x64xf32, #tpu.memory_space<vmem>>)
        "tpu.region"() ({
          %run_scoped3A = tpu.sem_alloc : memref<!tpu.dma_semaphore, #tpu.memory_space<semaphore_mem>>
          %dma_start3A = arith.constant 0 : i32
          %dma_start3A_250 = tpu.memref_slice %arg4[%mul3A_247, %dma_start3A] : memref<800000x64xf32, #tpu.memory_space<hbm>> -> memref<128x64xf32, #tpu.memory_space<hbm>>
          %dma_start3A_251 = arith.constant 0 : i32
          %dma_start3A_252 = tpu.memref_slice %arg4[%mul3A_247, %dma_start3A_251] : memref<800000x64xf32, #tpu.memory_space<hbm>> -> memref<128x64xf32, #tpu.memory_space<hbm>>
          tpu.enqueue_dma source(%arg15 : memref<128x64xf32, #tpu.memory_space<vmem>>) target(%dma_start3A_252 : memref<128x64xf32, #tpu.memory_space<hbm>>) target_semaphore(%run_scoped3A : memref<!tpu.dma_semaphore, #tpu.memory_space<semaphore_mem>>)
          %dma_wait3A_253 = arith.constant 0 : i32
          %dma_wait3A_254 = tpu.memref_slice %arg4[%mul3A_247, %dma_wait3A_253] : memref<800000x64xf32, #tpu.memory_space<hbm>> -> memref<128x64xf32, #tpu.memory_space<hbm>>
          %dma_wait3A_255 = arith.constant 0 : i32
          %dma_wait3A_256 = tpu.memref_slice %arg4[%mul3A_247, %dma_wait3A_255] : memref<800000x64xf32, #tpu.memory_space<hbm>> -> memref<128x64xf32, #tpu.memory_space<hbm>>
          tpu.wait_dma2 semaphore(%run_scoped3A : memref<!tpu.dma_semaphore, #tpu.memory_space<semaphore_mem>>) src(%arg15 : memref<128x64xf32, #tpu.memory_space<vmem>>) dst(%dma_wait3A_256 : memref<128x64xf32, #tpu.memory_space<hbm>>)
          tpu.yield
        }) : () -> ()
      } else {
      }
      %add3A_126 = arith.constant 3 : i32
      %add3A_127 = arith.addi %mul3A_54, %add3A_126 : i32
      %add3A_128 = arith.constant 8 : i32
      %add3A_129 = arith.addi %add3A_127, %add3A_128 : i32
      %sub3A_130 = arith.constant 1 : i32
      %sub3A_131 = arith.subi %add3A_129, %sub3A_130 : i32
      %mul3A_132 = arith.constant 32 : i32
      %mul3A_133 = arith.muli %sub3A_131, %mul3A_132 : i32
      %add3A_134 = arith.addi %mul3A_133, %add3A : i32
      %lt3A_135 = arith.constant 6250 : i32
      %lt3A_136 = arith.cmpi slt, %add3A_134, %lt3A_135 : i32
      %convert_element_type3A_137 = arith.extui %lt3A_136 : i1 to i32
      %cond3A_138 = arith.constant 0 : i32
      %cond3A_139 = arith.cmpi ne, %convert_element_type3A_137, %cond3A_138 : i32
      scf.if %cond3A_139 {
        %mul3A_246 = arith.constant 128 : i32
        %mul3A_247 = arith.muli %add3A_134, %mul3A_246 : i32
        "tpu.region"() ({
          %run_scoped3A = tpu.sem_alloc : memref<!tpu.dma_semaphore, #tpu.memory_space<semaphore_mem>>
          %dma_start3A_250 = tpu.memref_slice %arg3[%mul3A_247] : memref<800000xi32, #tpu.memory_space<hbm>> -> memref<128xi32, #tpu.memory_space<hbm>>
          %dma_start3A_251 = tpu.memref_slice %arg3[%mul3A_247] : memref<800000xi32, #tpu.memory_space<hbm>> -> memref<128xi32, #tpu.memory_space<hbm>>
          tpu.enqueue_dma source(%dma_start3A_251 : memref<128xi32, #tpu.memory_space<hbm>>) target(%arg7 : memref<128xi32, #tpu.memory_space<vmem>>) target_semaphore(%run_scoped3A : memref<!tpu.dma_semaphore, #tpu.memory_space<semaphore_mem>>)
          %dma_wait3A = tpu.memref_slice %arg3[%mul3A_247] : memref<800000xi32, #tpu.memory_space<hbm>> -> memref<128xi32, #tpu.memory_space<hbm>>
          %dma_wait3A_252 = tpu.memref_slice %arg3[%mul3A_247] : memref<800000xi32, #tpu.memory_space<hbm>> -> memref<128xi32, #tpu.memory_space<hbm>>
          tpu.wait_dma2 semaphore(%run_scoped3A : memref<!tpu.dma_semaphore, #tpu.memory_space<semaphore_mem>>) src(%dma_wait3A_252 : memref<128xi32, #tpu.memory_space<hbm>>) dst(%arg7 : memref<128xi32, #tpu.memory_space<vmem>>)
          tpu.yield
        }) : () -> ()
        %dma_start3A = arith.constant 0 : i32
        %dma_start3A_248 = arith.constant 0 : i32
        %dma_start3A_249 = tpu.memref_slice %arg2[%dma_start3A, %dma_start3A_248] : memref<50000x64xf32, #tpu.memory_space<hbm>> -> memref<50000x64xf32, #tpu.memory_space<hbm>>
        tpu.enqueue_indirect_dma source(%dma_start3A_249 : memref<50000x64xf32, #tpu.memory_space<hbm>>) target(%arg15 : memref<128x64xf32, #tpu.memory_space<vmem>>) offsets(%arg7 : memref<128xi32, #tpu.memory_space<vmem>>) semaphore(%arg23 : memref<!tpu.dma_semaphore, #tpu.memory_space<semaphore_mem>>)
      } else {
      }
      %add3A_140 = arith.constant 3 : i32
      %add3A_141 = arith.addi %mul3A_54, %add3A_140 : i32
      %mul3A_142 = arith.constant 32 : i32
      %mul3A_143 = arith.muli %add3A_141, %mul3A_142 : i32
      %add3A_144 = arith.addi %mul3A_143, %add3A : i32
      %lt3A_145 = arith.constant 6250 : i32
      %lt3A_146 = arith.cmpi slt, %add3A_144, %lt3A_145 : i32
      %convert_element_type3A_147 = arith.extui %lt3A_146 : i1 to i32
      %cond3A_148 = arith.constant 0 : i32
      %cond3A_149 = arith.cmpi ne, %convert_element_type3A_147, %cond3A_148 : i32
      scf.if %cond3A_149 {
        %mul3A_246 = arith.constant 128 : i32
        %mul3A_247 = arith.muli %add3A_144, %mul3A_246 : i32
        %dma_wait3A = arith.constant 0 : i32
        %dma_wait3A_248 = arith.constant 0 : i32
        %dma_wait3A_249 = tpu.memref_slice %arg2[%dma_wait3A, %dma_wait3A_248] : memref<50000x64xf32, #tpu.memory_space<hbm>> -> memref<50000x64xf32, #tpu.memory_space<hbm>>
        tpu.wait_indirect_dma semaphore(%arg24 : memref<!tpu.dma_semaphore, #tpu.memory_space<semaphore_mem>>) src(%dma_wait3A_249 : memref<50000x64xf32, #tpu.memory_space<hbm>>) dst(%arg16 : memref<128x64xf32, #tpu.memory_space<vmem>>)
        "tpu.region"() ({
          %run_scoped3A = tpu.sem_alloc : memref<!tpu.dma_semaphore, #tpu.memory_space<semaphore_mem>>
          %dma_start3A = arith.constant 0 : i32
          %dma_start3A_250 = tpu.memref_slice %arg4[%mul3A_247, %dma_start3A] : memref<800000x64xf32, #tpu.memory_space<hbm>> -> memref<128x64xf32, #tpu.memory_space<hbm>>
          %dma_start3A_251 = arith.constant 0 : i32
          %dma_start3A_252 = tpu.memref_slice %arg4[%mul3A_247, %dma_start3A_251] : memref<800000x64xf32, #tpu.memory_space<hbm>> -> memref<128x64xf32, #tpu.memory_space<hbm>>
          tpu.enqueue_dma source(%arg16 : memref<128x64xf32, #tpu.memory_space<vmem>>) target(%dma_start3A_252 : memref<128x64xf32, #tpu.memory_space<hbm>>) target_semaphore(%run_scoped3A : memref<!tpu.dma_semaphore, #tpu.memory_space<semaphore_mem>>)
          %dma_wait3A_253 = arith.constant 0 : i32
          %dma_wait3A_254 = tpu.memref_slice %arg4[%mul3A_247, %dma_wait3A_253] : memref<800000x64xf32, #tpu.memory_space<hbm>> -> memref<128x64xf32, #tpu.memory_space<hbm>>
          %dma_wait3A_255 = arith.constant 0 : i32
          %dma_wait3A_256 = tpu.memref_slice %arg4[%mul3A_247, %dma_wait3A_255] : memref<800000x64xf32, #tpu.memory_space<hbm>> -> memref<128x64xf32, #tpu.memory_space<hbm>>
          tpu.wait_dma2 semaphore(%run_scoped3A : memref<!tpu.dma_semaphore, #tpu.memory_space<semaphore_mem>>) src(%arg16 : memref<128x64xf32, #tpu.memory_space<vmem>>) dst(%dma_wait3A_256 : memref<128x64xf32, #tpu.memory_space<hbm>>)
          tpu.yield
        }) : () -> ()
      } else {
      }
      %add3A_150 = arith.constant 4 : i32
      %add3A_151 = arith.addi %mul3A_54, %add3A_150 : i32
      %add3A_152 = arith.constant 8 : i32
      %add3A_153 = arith.addi %add3A_151, %add3A_152 : i32
      %sub3A_154 = arith.constant 1 : i32
      %sub3A_155 = arith.subi %add3A_153, %sub3A_154 : i32
      %mul3A_156 = arith.constant 32 : i32
      %mul3A_157 = arith.muli %sub3A_155, %mul3A_156 : i32
      %add3A_158 = arith.addi %mul3A_157, %add3A : i32
      %lt3A_159 = arith.constant 6250 : i32
      %lt3A_160 = arith.cmpi slt, %add3A_158, %lt3A_159 : i32
      %convert_element_type3A_161 = arith.extui %lt3A_160 : i1 to i32
      %cond3A_162 = arith.constant 0 : i32
      %cond3A_163 = arith.cmpi ne, %convert_element_type3A_161, %cond3A_162 : i32
      scf.if %cond3A_163 {
        %mul3A_246 = arith.constant 128 : i32
        %mul3A_247 = arith.muli %add3A_158, %mul3A_246 : i32
        "tpu.region"() ({
          %run_scoped3A = tpu.sem_alloc : memref<!tpu.dma_semaphore, #tpu.memory_space<semaphore_mem>>
          %dma_start3A_250 = tpu.memref_slice %arg3[%mul3A_247] : memref<800000xi32, #tpu.memory_space<hbm>> -> memref<128xi32, #tpu.memory_space<hbm>>
          %dma_start3A_251 = tpu.memref_slice %arg3[%mul3A_247] : memref<800000xi32, #tpu.memory_space<hbm>> -> memref<128xi32, #tpu.memory_space<hbm>>
          tpu.enqueue_dma source(%dma_start3A_251 : memref<128xi32, #tpu.memory_space<hbm>>) target(%arg8 : memref<128xi32, #tpu.memory_space<vmem>>) target_semaphore(%run_scoped3A : memref<!tpu.dma_semaphore, #tpu.memory_space<semaphore_mem>>)
          %dma_wait3A = tpu.memref_slice %arg3[%mul3A_247] : memref<800000xi32, #tpu.memory_space<hbm>> -> memref<128xi32, #tpu.memory_space<hbm>>
          %dma_wait3A_252 = tpu.memref_slice %arg3[%mul3A_247] : memref<800000xi32, #tpu.memory_space<hbm>> -> memref<128xi32, #tpu.memory_space<hbm>>
          tpu.wait_dma2 semaphore(%run_scoped3A : memref<!tpu.dma_semaphore, #tpu.memory_space<semaphore_mem>>) src(%dma_wait3A_252 : memref<128xi32, #tpu.memory_space<hbm>>) dst(%arg8 : memref<128xi32, #tpu.memory_space<vmem>>)
          tpu.yield
        }) : () -> ()
        %dma_start3A = arith.constant 0 : i32
        %dma_start3A_248 = arith.constant 0 : i32
        %dma_start3A_249 = tpu.memref_slice %arg2[%dma_start3A, %dma_start3A_248] : memref<50000x64xf32, #tpu.memory_space<hbm>> -> memref<50000x64xf32, #tpu.memory_space<hbm>>
        tpu.enqueue_indirect_dma source(%dma_start3A_249 : memref<50000x64xf32, #tpu.memory_space<hbm>>) target(%arg16 : memref<128x64xf32, #tpu.memory_space<vmem>>) offsets(%arg8 : memref<128xi32, #tpu.memory_space<vmem>>) semaphore(%arg24 : memref<!tpu.dma_semaphore, #tpu.memory_space<semaphore_mem>>)
      } else {
      }
      %add3A_164 = arith.constant 4 : i32
      %add3A_165 = arith.addi %mul3A_54, %add3A_164 : i32
      %mul3A_166 = arith.constant 32 : i32
      %mul3A_167 = arith.muli %add3A_165, %mul3A_166 : i32
      %add3A_168 = arith.addi %mul3A_167, %add3A : i32
      %lt3A_169 = arith.constant 6250 : i32
      %lt3A_170 = arith.cmpi slt, %add3A_168, %lt3A_169 : i32
      %convert_element_type3A_171 = arith.extui %lt3A_170 : i1 to i32
      %cond3A_172 = arith.constant 0 : i32
      %cond3A_173 = arith.cmpi ne, %convert_element_type3A_171, %cond3A_172 : i32
      scf.if %cond3A_173 {
        %mul3A_246 = arith.constant 128 : i32
        %mul3A_247 = arith.muli %add3A_168, %mul3A_246 : i32
        %dma_wait3A = arith.constant 0 : i32
        %dma_wait3A_248 = arith.constant 0 : i32
        %dma_wait3A_249 = tpu.memref_slice %arg2[%dma_wait3A, %dma_wait3A_248] : memref<50000x64xf32, #tpu.memory_space<hbm>> -> memref<50000x64xf32, #tpu.memory_space<hbm>>
        tpu.wait_indirect_dma semaphore(%arg25 : memref<!tpu.dma_semaphore, #tpu.memory_space<semaphore_mem>>) src(%dma_wait3A_249 : memref<50000x64xf32, #tpu.memory_space<hbm>>) dst(%arg17 : memref<128x64xf32, #tpu.memory_space<vmem>>)
        "tpu.region"() ({
          %run_scoped3A = tpu.sem_alloc : memref<!tpu.dma_semaphore, #tpu.memory_space<semaphore_mem>>
          %dma_start3A = arith.constant 0 : i32
          %dma_start3A_250 = tpu.memref_slice %arg4[%mul3A_247, %dma_start3A] : memref<800000x64xf32, #tpu.memory_space<hbm>> -> memref<128x64xf32, #tpu.memory_space<hbm>>
          %dma_start3A_251 = arith.constant 0 : i32
          %dma_start3A_252 = tpu.memref_slice %arg4[%mul3A_247, %dma_start3A_251] : memref<800000x64xf32, #tpu.memory_space<hbm>> -> memref<128x64xf32, #tpu.memory_space<hbm>>
          tpu.enqueue_dma source(%arg17 : memref<128x64xf32, #tpu.memory_space<vmem>>) target(%dma_start3A_252 : memref<128x64xf32, #tpu.memory_space<hbm>>) target_semaphore(%run_scoped3A : memref<!tpu.dma_semaphore, #tpu.memory_space<semaphore_mem>>)
          %dma_wait3A_253 = arith.constant 0 : i32
          %dma_wait3A_254 = tpu.memref_slice %arg4[%mul3A_247, %dma_wait3A_253] : memref<800000x64xf32, #tpu.memory_space<hbm>> -> memref<128x64xf32, #tpu.memory_space<hbm>>
          %dma_wait3A_255 = arith.constant 0 : i32
          %dma_wait3A_256 = tpu.memref_slice %arg4[%mul3A_247, %dma_wait3A_255] : memref<800000x64xf32, #tpu.memory_space<hbm>> -> memref<128x64xf32, #tpu.memory_space<hbm>>
          tpu.wait_dma2 semaphore(%run_scoped3A : memref<!tpu.dma_semaphore, #tpu.memory_space<semaphore_mem>>) src(%arg17 : memref<128x64xf32, #tpu.memory_space<vmem>>) dst(%dma_wait3A_256 : memref<128x64xf32, #tpu.memory_space<hbm>>)
          tpu.yield
        }) : () -> ()
      } else {
      }
      %add3A_174 = arith.constant 5 : i32
      %add3A_175 = arith.addi %mul3A_54, %add3A_174 : i32
      %add3A_176 = arith.constant 8 : i32
      %add3A_177 = arith.addi %add3A_175, %add3A_176 : i32
      %sub3A_178 = arith.constant 1 : i32
      %sub3A_179 = arith.subi %add3A_177, %sub3A_178 : i32
      %mul3A_180 = arith.constant 32 : i32
      %mul3A_181 = arith.muli %sub3A_179, %mul3A_180 : i32
      %add3A_182 = arith.addi %mul3A_181, %add3A : i32
      %lt3A_183 = arith.constant 6250 : i32
      %lt3A_184 = arith.cmpi slt, %add3A_182, %lt3A_183 : i32
      %convert_element_type3A_185 = arith.extui %lt3A_184 : i1 to i32
      %cond3A_186 = arith.constant 0 : i32
      %cond3A_187 = arith.cmpi ne, %convert_element_type3A_185, %cond3A_186 : i32
      scf.if %cond3A_187 {
        %mul3A_246 = arith.constant 128 : i32
        %mul3A_247 = arith.muli %add3A_182, %mul3A_246 : i32
        "tpu.region"() ({
          %run_scoped3A = tpu.sem_alloc : memref<!tpu.dma_semaphore, #tpu.memory_space<semaphore_mem>>
          %dma_start3A_250 = tpu.memref_slice %arg3[%mul3A_247] : memref<800000xi32, #tpu.memory_space<hbm>> -> memref<128xi32, #tpu.memory_space<hbm>>
          %dma_start3A_251 = tpu.memref_slice %arg3[%mul3A_247] : memref<800000xi32, #tpu.memory_space<hbm>> -> memref<128xi32, #tpu.memory_space<hbm>>
          tpu.enqueue_dma source(%dma_start3A_251 : memref<128xi32, #tpu.memory_space<hbm>>) target(%arg9 : memref<128xi32, #tpu.memory_space<vmem>>) target_semaphore(%run_scoped3A : memref<!tpu.dma_semaphore, #tpu.memory_space<semaphore_mem>>)
          %dma_wait3A = tpu.memref_slice %arg3[%mul3A_247] : memref<800000xi32, #tpu.memory_space<hbm>> -> memref<128xi32, #tpu.memory_space<hbm>>
          %dma_wait3A_252 = tpu.memref_slice %arg3[%mul3A_247] : memref<800000xi32, #tpu.memory_space<hbm>> -> memref<128xi32, #tpu.memory_space<hbm>>
          tpu.wait_dma2 semaphore(%run_scoped3A : memref<!tpu.dma_semaphore, #tpu.memory_space<semaphore_mem>>) src(%dma_wait3A_252 : memref<128xi32, #tpu.memory_space<hbm>>) dst(%arg9 : memref<128xi32, #tpu.memory_space<vmem>>)
          tpu.yield
        }) : () -> ()
        %dma_start3A = arith.constant 0 : i32
        %dma_start3A_248 = arith.constant 0 : i32
        %dma_start3A_249 = tpu.memref_slice %arg2[%dma_start3A, %dma_start3A_248] : memref<50000x64xf32, #tpu.memory_space<hbm>> -> memref<50000x64xf32, #tpu.memory_space<hbm>>
        tpu.enqueue_indirect_dma source(%dma_start3A_249 : memref<50000x64xf32, #tpu.memory_space<hbm>>) target(%arg17 : memref<128x64xf32, #tpu.memory_space<vmem>>) offsets(%arg9 : memref<128xi32, #tpu.memory_space<vmem>>) semaphore(%arg25 : memref<!tpu.dma_semaphore, #tpu.memory_space<semaphore_mem>>)
      } else {
      }
      %add3A_188 = arith.constant 5 : i32
      %add3A_189 = arith.addi %mul3A_54, %add3A_188 : i32
      %mul3A_190 = arith.constant 32 : i32
      %mul3A_191 = arith.muli %add3A_189, %mul3A_190 : i32
      %add3A_192 = arith.addi %mul3A_191, %add3A : i32
      %lt3A_193 = arith.constant 6250 : i32
      %lt3A_194 = arith.cmpi slt, %add3A_192, %lt3A_193 : i32
      %convert_element_type3A_195 = arith.extui %lt3A_194 : i1 to i32
      %cond3A_196 = arith.constant 0 : i32
      %cond3A_197 = arith.cmpi ne, %convert_element_type3A_195, %cond3A_196 : i32
      scf.if %cond3A_197 {
        %mul3A_246 = arith.constant 128 : i32
        %mul3A_247 = arith.muli %add3A_192, %mul3A_246 : i32
        %dma_wait3A = arith.constant 0 : i32
        %dma_wait3A_248 = arith.constant 0 : i32
        %dma_wait3A_249 = tpu.memref_slice %arg2[%dma_wait3A, %dma_wait3A_248] : memref<50000x64xf32, #tpu.memory_space<hbm>> -> memref<50000x64xf32, #tpu.memory_space<hbm>>
        tpu.wait_indirect_dma semaphore(%arg26 : memref<!tpu.dma_semaphore, #tpu.memory_space<semaphore_mem>>) src(%dma_wait3A_249 : memref<50000x64xf32, #tpu.memory_space<hbm>>) dst(%arg18 : memref<128x64xf32, #tpu.memory_space<vmem>>)
        "tpu.region"() ({
          %run_scoped3A = tpu.sem_alloc : memref<!tpu.dma_semaphore, #tpu.memory_space<semaphore_mem>>
          %dma_start3A = arith.constant 0 : i32
          %dma_start3A_250 = tpu.memref_slice %arg4[%mul3A_247, %dma_start3A] : memref<800000x64xf32, #tpu.memory_space<hbm>> -> memref<128x64xf32, #tpu.memory_space<hbm>>
          %dma_start3A_251 = arith.constant 0 : i32
          %dma_start3A_252 = tpu.memref_slice %arg4[%mul3A_247, %dma_start3A_251] : memref<800000x64xf32, #tpu.memory_space<hbm>> -> memref<128x64xf32, #tpu.memory_space<hbm>>
          tpu.enqueue_dma source(%arg18 : memref<128x64xf32, #tpu.memory_space<vmem>>) target(%dma_start3A_252 : memref<128x64xf32, #tpu.memory_space<hbm>>) target_semaphore(%run_scoped3A : memref<!tpu.dma_semaphore, #tpu.memory_space<semaphore_mem>>)
          %dma_wait3A_253 = arith.constant 0 : i32
          %dma_wait3A_254 = tpu.memref_slice %arg4[%mul3A_247, %dma_wait3A_253] : memref<800000x64xf32, #tpu.memory_space<hbm>> -> memref<128x64xf32, #tpu.memory_space<hbm>>
          %dma_wait3A_255 = arith.constant 0 : i32
          %dma_wait3A_256 = tpu.memref_slice %arg4[%mul3A_247, %dma_wait3A_255] : memref<800000x64xf32, #tpu.memory_space<hbm>> -> memref<128x64xf32, #tpu.memory_space<hbm>>
          tpu.wait_dma2 semaphore(%run_scoped3A : memref<!tpu.dma_semaphore, #tpu.memory_space<semaphore_mem>>) src(%arg18 : memref<128x64xf32, #tpu.memory_space<vmem>>) dst(%dma_wait3A_256 : memref<128x64xf32, #tpu.memory_space<hbm>>)
          tpu.yield
        }) : () -> ()
      } else {
      }
      %add3A_198 = arith.constant 6 : i32
      %add3A_199 = arith.addi %mul3A_54, %add3A_198 : i32
      %add3A_200 = arith.constant 8 : i32
      %add3A_201 = arith.addi %add3A_199, %add3A_200 : i32
      %sub3A_202 = arith.constant 1 : i32
      %sub3A_203 = arith.subi %add3A_201, %sub3A_202 : i32
      %mul3A_204 = arith.constant 32 : i32
      %mul3A_205 = arith.muli %sub3A_203, %mul3A_204 : i32
      %add3A_206 = arith.addi %mul3A_205, %add3A : i32
      %lt3A_207 = arith.constant 6250 : i32
      %lt3A_208 = arith.cmpi slt, %add3A_206, %lt3A_207 : i32
      %convert_element_type3A_209 = arith.extui %lt3A_208 : i1 to i32
      %cond3A_210 = arith.constant 0 : i32
      %cond3A_211 = arith.cmpi ne, %convert_element_type3A_209, %cond3A_210 : i32
      scf.if %cond3A_211 {
        %mul3A_246 = arith.constant 128 : i32
        %mul3A_247 = arith.muli %add3A_206, %mul3A_246 : i32
        "tpu.region"() ({
          %run_scoped3A = tpu.sem_alloc : memref<!tpu.dma_semaphore, #tpu.memory_space<semaphore_mem>>
          %dma_start3A_250 = tpu.memref_slice %arg3[%mul3A_247] : memref<800000xi32, #tpu.memory_space<hbm>> -> memref<128xi32, #tpu.memory_space<hbm>>
          %dma_start3A_251 = tpu.memref_slice %arg3[%mul3A_247] : memref<800000xi32, #tpu.memory_space<hbm>> -> memref<128xi32, #tpu.memory_space<hbm>>
          tpu.enqueue_dma source(%dma_start3A_251 : memref<128xi32, #tpu.memory_space<hbm>>) target(%arg10 : memref<128xi32, #tpu.memory_space<vmem>>) target_semaphore(%run_scoped3A : memref<!tpu.dma_semaphore, #tpu.memory_space<semaphore_mem>>)
          %dma_wait3A = tpu.memref_slice %arg3[%mul3A_247] : memref<800000xi32, #tpu.memory_space<hbm>> -> memref<128xi32, #tpu.memory_space<hbm>>
          %dma_wait3A_252 = tpu.memref_slice %arg3[%mul3A_247] : memref<800000xi32, #tpu.memory_space<hbm>> -> memref<128xi32, #tpu.memory_space<hbm>>
          tpu.wait_dma2 semaphore(%run_scoped3A : memref<!tpu.dma_semaphore, #tpu.memory_space<semaphore_mem>>) src(%dma_wait3A_252 : memref<128xi32, #tpu.memory_space<hbm>>) dst(%arg10 : memref<128xi32, #tpu.memory_space<vmem>>)
          tpu.yield
        }) : () -> ()
        %dma_start3A = arith.constant 0 : i32
        %dma_start3A_248 = arith.constant 0 : i32
        %dma_start3A_249 = tpu.memref_slice %arg2[%dma_start3A, %dma_start3A_248] : memref<50000x64xf32, #tpu.memory_space<hbm>> -> memref<50000x64xf32, #tpu.memory_space<hbm>>
        tpu.enqueue_indirect_dma source(%dma_start3A_249 : memref<50000x64xf32, #tpu.memory_space<hbm>>) target(%arg18 : memref<128x64xf32, #tpu.memory_space<vmem>>) offsets(%arg10 : memref<128xi32, #tpu.memory_space<vmem>>) semaphore(%arg26 : memref<!tpu.dma_semaphore, #tpu.memory_space<semaphore_mem>>)
      } else {
      }
      %add3A_212 = arith.constant 6 : i32
      %add3A_213 = arith.addi %mul3A_54, %add3A_212 : i32
      %mul3A_214 = arith.constant 32 : i32
      %mul3A_215 = arith.muli %add3A_213, %mul3A_214 : i32
      %add3A_216 = arith.addi %mul3A_215, %add3A : i32
      %lt3A_217 = arith.constant 6250 : i32
      %lt3A_218 = arith.cmpi slt, %add3A_216, %lt3A_217 : i32
      %convert_element_type3A_219 = arith.extui %lt3A_218 : i1 to i32
      %cond3A_220 = arith.constant 0 : i32
      %cond3A_221 = arith.cmpi ne, %convert_element_type3A_219, %cond3A_220 : i32
      scf.if %cond3A_221 {
        %mul3A_246 = arith.constant 128 : i32
        %mul3A_247 = arith.muli %add3A_216, %mul3A_246 : i32
        %dma_wait3A = arith.constant 0 : i32
        %dma_wait3A_248 = arith.constant 0 : i32
        %dma_wait3A_249 = tpu.memref_slice %arg2[%dma_wait3A, %dma_wait3A_248] : memref<50000x64xf32, #tpu.memory_space<hbm>> -> memref<50000x64xf32, #tpu.memory_space<hbm>>
        tpu.wait_indirect_dma semaphore(%arg27 : memref<!tpu.dma_semaphore, #tpu.memory_space<semaphore_mem>>) src(%dma_wait3A_249 : memref<50000x64xf32, #tpu.memory_space<hbm>>) dst(%arg19 : memref<128x64xf32, #tpu.memory_space<vmem>>)
        "tpu.region"() ({
          %run_scoped3A = tpu.sem_alloc : memref<!tpu.dma_semaphore, #tpu.memory_space<semaphore_mem>>
          %dma_start3A = arith.constant 0 : i32
          %dma_start3A_250 = tpu.memref_slice %arg4[%mul3A_247, %dma_start3A] : memref<800000x64xf32, #tpu.memory_space<hbm>> -> memref<128x64xf32, #tpu.memory_space<hbm>>
          %dma_start3A_251 = arith.constant 0 : i32
          %dma_start3A_252 = tpu.memref_slice %arg4[%mul3A_247, %dma_start3A_251] : memref<800000x64xf32, #tpu.memory_space<hbm>> -> memref<128x64xf32, #tpu.memory_space<hbm>>
          tpu.enqueue_dma source(%arg19 : memref<128x64xf32, #tpu.memory_space<vmem>>) target(%dma_start3A_252 : memref<128x64xf32, #tpu.memory_space<hbm>>) target_semaphore(%run_scoped3A : memref<!tpu.dma_semaphore, #tpu.memory_space<semaphore_mem>>)
          %dma_wait3A_253 = arith.constant 0 : i32
          %dma_wait3A_254 = tpu.memref_slice %arg4[%mul3A_247, %dma_wait3A_253] : memref<800000x64xf32, #tpu.memory_space<hbm>> -> memref<128x64xf32, #tpu.memory_space<hbm>>
          %dma_wait3A_255 = arith.constant 0 : i32
          %dma_wait3A_256 = tpu.memref_slice %arg4[%mul3A_247, %dma_wait3A_255] : memref<800000x64xf32, #tpu.memory_space<hbm>> -> memref<128x64xf32, #tpu.memory_space<hbm>>
          tpu.wait_dma2 semaphore(%run_scoped3A : memref<!tpu.dma_semaphore, #tpu.memory_space<semaphore_mem>>) src(%arg19 : memref<128x64xf32, #tpu.memory_space<vmem>>) dst(%dma_wait3A_256 : memref<128x64xf32, #tpu.memory_space<hbm>>)
          tpu.yield
        }) : () -> ()
      } else {
      }
      %add3A_222 = arith.constant 7 : i32
      %add3A_223 = arith.addi %mul3A_54, %add3A_222 : i32
      %add3A_224 = arith.constant 8 : i32
      %add3A_225 = arith.addi %add3A_223, %add3A_224 : i32
      %sub3A_226 = arith.constant 1 : i32
      %sub3A_227 = arith.subi %add3A_225, %sub3A_226 : i32
      %mul3A_228 = arith.constant 32 : i32
      %mul3A_229 = arith.muli %sub3A_227, %mul3A_228 : i32
      %add3A_230 = arith.addi %mul3A_229, %add3A : i32
      %lt3A_231 = arith.constant 6250 : i32
      %lt3A_232 = arith.cmpi slt, %add3A_230, %lt3A_231 : i32
      %convert_element_type3A_233 = arith.extui %lt3A_232 : i1 to i32
      %cond3A_234 = arith.constant 0 : i32
      %cond3A_235 = arith.cmpi ne, %convert_element_type3A_233, %cond3A_234 : i32
      scf.if %cond3A_235 {
        %mul3A_246 = arith.constant 128 : i32
        %mul3A_247 = arith.muli %add3A_230, %mul3A_246 : i32
        "tpu.region"() ({
          %run_scoped3A = tpu.sem_alloc : memref<!tpu.dma_semaphore, #tpu.memory_space<semaphore_mem>>
          %dma_start3A_250 = tpu.memref_slice %arg3[%mul3A_247] : memref<800000xi32, #tpu.memory_space<hbm>> -> memref<128xi32, #tpu.memory_space<hbm>>
          %dma_start3A_251 = tpu.memref_slice %arg3[%mul3A_247] : memref<800000xi32, #tpu.memory_space<hbm>> -> memref<128xi32, #tpu.memory_space<hbm>>
          tpu.enqueue_dma source(%dma_start3A_251 : memref<128xi32, #tpu.memory_space<hbm>>) target(%arg11 : memref<128xi32, #tpu.memory_space<vmem>>) target_semaphore(%run_scoped3A : memref<!tpu.dma_semaphore, #tpu.memory_space<semaphore_mem>>)
          %dma_wait3A = tpu.memref_slice %arg3[%mul3A_247] : memref<800000xi32, #tpu.memory_space<hbm>> -> memref<128xi32, #tpu.memory_space<hbm>>
          %dma_wait3A_252 = tpu.memref_slice %arg3[%mul3A_247] : memref<800000xi32, #tpu.memory_space<hbm>> -> memref<128xi32, #tpu.memory_space<hbm>>
          tpu.wait_dma2 semaphore(%run_scoped3A : memref<!tpu.dma_semaphore, #tpu.memory_space<semaphore_mem>>) src(%dma_wait3A_252 : memref<128xi32, #tpu.memory_space<hbm>>) dst(%arg11 : memref<128xi32, #tpu.memory_space<vmem>>)
          tpu.yield
        }) : () -> ()
        %dma_start3A = arith.constant 0 : i32
        %dma_start3A_248 = arith.constant 0 : i32
        %dma_start3A_249 = tpu.memref_slice %arg2[%dma_start3A, %dma_start3A_248] : memref<50000x64xf32, #tpu.memory_space<hbm>> -> memref<50000x64xf32, #tpu.memory_space<hbm>>
        tpu.enqueue_indirect_dma source(%dma_start3A_249 : memref<50000x64xf32, #tpu.memory_space<hbm>>) target(%arg19 : memref<128x64xf32, #tpu.memory_space<vmem>>) offsets(%arg11 : memref<128xi32, #tpu.memory_space<vmem>>) semaphore(%arg27 : memref<!tpu.dma_semaphore, #tpu.memory_space<semaphore_mem>>)
      } else {
      }
      %add3A_236 = arith.constant 7 : i32
      %add3A_237 = arith.addi %mul3A_54, %add3A_236 : i32
      %mul3A_238 = arith.constant 32 : i32
      %mul3A_239 = arith.muli %add3A_237, %mul3A_238 : i32
      %add3A_240 = arith.addi %mul3A_239, %add3A : i32
      %lt3A_241 = arith.constant 6250 : i32
      %lt3A_242 = arith.cmpi slt, %add3A_240, %lt3A_241 : i32
      %convert_element_type3A_243 = arith.extui %lt3A_242 : i1 to i32
      %cond3A_244 = arith.constant 0 : i32
      %cond3A_245 = arith.cmpi ne, %convert_element_type3A_243, %cond3A_244 : i32
      scf.if %cond3A_245 {
        %mul3A_246 = arith.constant 128 : i32
        %mul3A_247 = arith.muli %add3A_240, %mul3A_246 : i32
        %dma_wait3A = arith.constant 0 : i32
        %dma_wait3A_248 = arith.constant 0 : i32
        %dma_wait3A_249 = tpu.memref_slice %arg2[%dma_wait3A, %dma_wait3A_248] : memref<50000x64xf32, #tpu.memory_space<hbm>> -> memref<50000x64xf32, #tpu.memory_space<hbm>>
        tpu.wait_indirect_dma semaphore(%arg28 : memref<!tpu.dma_semaphore, #tpu.memory_space<semaphore_mem>>) src(%dma_wait3A_249 : memref<50000x64xf32, #tpu.memory_space<hbm>>) dst(%arg20 : memref<128x64xf32, #tpu.memory_space<vmem>>)
        "tpu.region"() ({
          %run_scoped3A = tpu.sem_alloc : memref<!tpu.dma_semaphore, #tpu.memory_space<semaphore_mem>>
          %dma_start3A = arith.constant 0 : i32
          %dma_start3A_250 = tpu.memref_slice %arg4[%mul3A_247, %dma_start3A] : memref<800000x64xf32, #tpu.memory_space<hbm>> -> memref<128x64xf32, #tpu.memory_space<hbm>>
          %dma_start3A_251 = arith.constant 0 : i32
          %dma_start3A_252 = tpu.memref_slice %arg4[%mul3A_247, %dma_start3A_251] : memref<800000x64xf32, #tpu.memory_space<hbm>> -> memref<128x64xf32, #tpu.memory_space<hbm>>
          tpu.enqueue_dma source(%arg20 : memref<128x64xf32, #tpu.memory_space<vmem>>) target(%dma_start3A_252 : memref<128x64xf32, #tpu.memory_space<hbm>>) target_semaphore(%run_scoped3A : memref<!tpu.dma_semaphore, #tpu.memory_space<semaphore_mem>>)
          %dma_wait3A_253 = arith.constant 0 : i32
          %dma_wait3A_254 = tpu.memref_slice %arg4[%mul3A_247, %dma_wait3A_253] : memref<800000x64xf32, #tpu.memory_space<hbm>> -> memref<128x64xf32, #tpu.memory_space<hbm>>
          %dma_wait3A_255 = arith.constant 0 : i32
          %dma_wait3A_256 = tpu.memref_slice %arg4[%mul3A_247, %dma_wait3A_255] : memref<800000x64xf32, #tpu.memory_space<hbm>> -> memref<128x64xf32, #tpu.memory_space<hbm>>
          tpu.wait_dma2 semaphore(%run_scoped3A : memref<!tpu.dma_semaphore, #tpu.memory_space<semaphore_mem>>) src(%arg20 : memref<128x64xf32, #tpu.memory_space<vmem>>) dst(%dma_wait3A_256 : memref<128x64xf32, #tpu.memory_space<hbm>>)
          tpu.yield
        }) : () -> ()
      } else {
      }
    }
    %scan3A_51 = arith.constant 25 : i32
    return
  }
}

#map = affine_map<(d0, d1) -> (0, 0)>
#map1 = affine_map<(d0, d1) -> (0)>
module attributes {stable_mosaic.version = 14 : i64} {
  func.func @k(%arg0: i32, %arg1: i32, %arg2: memref<50000x16xf32, #tpu.memory_space<hbm>>, %arg3: memref<800000xi32, #tpu.memory_space<hbm>>, %arg4: memref<800000x16xf32, #tpu.memory_space<hbm>>, %arg5: memref<128xi32, #tpu.memory_space<vmem>>, %arg6: memref<128xi32, #tpu.memory_space<vmem>>, %arg7: memref<128xi32, #tpu.memory_space<vmem>>, %arg8: memref<128xi32, #tpu.memory_space<vmem>>, %arg9: memref<128xi32, #tpu.memory_space<vmem>>, %arg10: memref<128xi32, #tpu.memory_space<vmem>>, %arg11: memref<128xi32, #tpu.memory_space<vmem>>, %arg12: memref<128xi32, #tpu.memory_space<vmem>>, %arg13: memref<128x16xf32, #tpu.memory_space<vmem>>, %arg14: memref<128x16xf32, #tpu.memory_space<vmem>>, %arg15: memref<128x16xf32, #tpu.memory_space<vmem>>, %arg16: memref<128x16xf32, #tpu.memory_space<vmem>>, %arg17: memref<128x16xf32, #tpu.memory_space<vmem>>, %arg18: memref<128x16xf32, #tpu.memory_space<vmem>>, %arg19: memref<128x16xf32, #tpu.memory_space<vmem>>, %arg20: memref<128x16xf32, #tpu.memory_space<vmem>>, %arg21: memref<!tpu.dma_semaphore, #tpu.memory_space<semaphore_mem>>, %arg22: memref<!tpu.dma_semaphore, #tpu.memory_space<semaphore_mem>>, %arg23: memref<!tpu.dma_semaphore, #tpu.memory_space<semaphore_mem>>, %arg24: memref<!tpu.dma_semaphore, #tpu.memory_space<semaphore_mem>>, %arg25: memref<!tpu.dma_semaphore, #tpu.memory_space<semaphore_mem>>, %arg26: memref<!tpu.dma_semaphore, #tpu.memory_space<semaphore_mem>>, %arg27: memref<!tpu.dma_semaphore, #tpu.memory_space<semaphore_mem>>, %arg28: memref<!tpu.dma_semaphore, #tpu.memory_space<semaphore_mem>>) attributes {dimension_semantics = [#tpu.dimension_semantics<core_parallel>, #tpu.dimension_semantics<subcore_parallel>], iteration_bounds = array<i64: 2, 16>, scalar_prefetch = 0 : i64, scratch_operands = 24 : i64, tpu.core_type = #tpu.core_type<sc_vector_subcore>, window_params = [{transform_indices = #map}, {transform_indices = #map1}, {transform_indices = #map}]} {
    %mul3A = arith.constant 2 : i32
    %mul3A_0 = arith.muli %arg1, %mul3A : i32
    %add3A = arith.addi %mul3A_0, %arg0 : i32
    %add3A_1 = arith.constant 0 : i32
    %add3A_2 = arith.addi %add3A_1, %add3A : i32
    %lt3A = arith.constant 6250 : i32
    %lt3A_3 = arith.cmpi slt, %add3A_2, %lt3A : i32
    %convert_element_type3A = arith.extui %lt3A_3 : i1 to i32
    %cond3A = arith.constant 0 : i32
    %cond3A_4 = arith.cmpi ne, %convert_element_type3A, %cond3A : i32
    scf.if %cond3A_4 {
      %mul3A_52 = arith.constant 128 : i32
      %mul3A_53 = arith.muli %add3A_2, %mul3A_52 : i32
      "tpu.region"() ({
        %run_scoped3A = tpu.sem_alloc : memref<!tpu.dma_semaphore, #tpu.memory_space<semaphore_mem>>
        %dma_start3A_56 = tpu.memref_slice %arg3[%mul3A_53] : memref<800000xi32, #tpu.memory_space<hbm>> -> memref<128xi32, #tpu.memory_space<hbm>>
        %dma_start3A_57 = tpu.memref_slice %arg3[%mul3A_53] : memref<800000xi32, #tpu.memory_space<hbm>> -> memref<128xi32, #tpu.memory_space<hbm>>
        tpu.enqueue_dma source(%dma_start3A_57 : memref<128xi32, #tpu.memory_space<hbm>>) target(%arg5 : memref<128xi32, #tpu.memory_space<vmem>>) target_semaphore(%run_scoped3A : memref<!tpu.dma_semaphore, #tpu.memory_space<semaphore_mem>>)
        %dma_wait3A = tpu.memref_slice %arg3[%mul3A_53] : memref<800000xi32, #tpu.memory_space<hbm>> -> memref<128xi32, #tpu.memory_space<hbm>>
        %dma_wait3A_58 = tpu.memref_slice %arg3[%mul3A_53] : memref<800000xi32, #tpu.memory_space<hbm>> -> memref<128xi32, #tpu.memory_space<hbm>>
        tpu.wait_dma2 semaphore(%run_scoped3A : memref<!tpu.dma_semaphore, #tpu.memory_space<semaphore_mem>>) src(%dma_wait3A_58 : memref<128xi32, #tpu.memory_space<hbm>>) dst(%arg5 : memref<128xi32, #tpu.memory_space<vmem>>)
        tpu.yield
      }) : () -> ()
      %dma_start3A = arith.constant 0 : i32
      %dma_start3A_54 = arith.constant 0 : i32
      %dma_start3A_55 = tpu.memref_slice %arg2[%dma_start3A, %dma_start3A_54] : memref<50000x16xf32, #tpu.memory_space<hbm>> -> memref<50000x16xf32, #tpu.memory_space<hbm>>
      tpu.enqueue_indirect_dma source(%dma_start3A_55 : memref<50000x16xf32, #tpu.memory_space<hbm>>) target(%arg13 : memref<128x16xf32, #tpu.memory_space<vmem>>) offsets(%arg5 : memref<128xi32, #tpu.memory_space<vmem>>) semaphore(%arg21 : memref<!tpu.dma_semaphore, #tpu.memory_space<semaphore_mem>>)
    } else {
    }
    %add3A_5 = arith.constant 32 : i32
    %add3A_6 = arith.addi %add3A_5, %add3A : i32
    %lt3A_7 = arith.constant 6250 : i32
    %lt3A_8 = arith.cmpi slt, %add3A_6, %lt3A_7 : i32
    %convert_element_type3A_9 = arith.extui %lt3A_8 : i1 to i32
    %cond3A_10 = arith.constant 0 : i32
    %cond3A_11 = arith.cmpi ne, %convert_element_type3A_9, %cond3A_10 : i32
    scf.if %cond3A_11 {
      %mul3A_52 = arith.constant 128 : i32
      %mul3A_53 = arith.muli %add3A_6, %mul3A_52 : i32
      "tpu.region"() ({
        %run_scoped3A = tpu.sem_alloc : memref<!tpu.dma_semaphore, #tpu.memory_space<semaphore_mem>>
        %dma_start3A_56 = tpu.memref_slice %arg3[%mul3A_53] : memref<800000xi32, #tpu.memory_space<hbm>> -> memref<128xi32, #tpu.memory_space<hbm>>
        %dma_start3A_57 = tpu.memref_slice %arg3[%mul3A_53] : memref<800000xi32, #tpu.memory_space<hbm>> -> memref<128xi32, #tpu.memory_space<hbm>>
        tpu.enqueue_dma source(%dma_start3A_57 : memref<128xi32, #tpu.memory_space<hbm>>) target(%arg6 : memref<128xi32, #tpu.memory_space<vmem>>) target_semaphore(%run_scoped3A : memref<!tpu.dma_semaphore, #tpu.memory_space<semaphore_mem>>)
        %dma_wait3A = tpu.memref_slice %arg3[%mul3A_53] : memref<800000xi32, #tpu.memory_space<hbm>> -> memref<128xi32, #tpu.memory_space<hbm>>
        %dma_wait3A_58 = tpu.memref_slice %arg3[%mul3A_53] : memref<800000xi32, #tpu.memory_space<hbm>> -> memref<128xi32, #tpu.memory_space<hbm>>
        tpu.wait_dma2 semaphore(%run_scoped3A : memref<!tpu.dma_semaphore, #tpu.memory_space<semaphore_mem>>) src(%dma_wait3A_58 : memref<128xi32, #tpu.memory_space<hbm>>) dst(%arg6 : memref<128xi32, #tpu.memory_space<vmem>>)
        tpu.yield
      }) : () -> ()
      %dma_start3A = arith.constant 0 : i32
      %dma_start3A_54 = arith.constant 0 : i32
      %dma_start3A_55 = tpu.memref_slice %arg2[%dma_start3A, %dma_start3A_54] : memref<50000x16xf32, #tpu.memory_space<hbm>> -> memref<50000x16xf32, #tpu.memory_space<hbm>>
      tpu.enqueue_indirect_dma source(%dma_start3A_55 : memref<50000x16xf32, #tpu.memory_space<hbm>>) target(%arg14 : memref<128x16xf32, #tpu.memory_space<vmem>>) offsets(%arg6 : memref<128xi32, #tpu.memory_space<vmem>>) semaphore(%arg22 : memref<!tpu.dma_semaphore, #tpu.memory_space<semaphore_mem>>)
    } else {
    }
    %add3A_12 = arith.constant 64 : i32
    %add3A_13 = arith.addi %add3A_12, %add3A : i32
    %lt3A_14 = arith.constant 6250 : i32
    %lt3A_15 = arith.cmpi slt, %add3A_13, %lt3A_14 : i32
    %convert_element_type3A_16 = arith.extui %lt3A_15 : i1 to i32
    %cond3A_17 = arith.constant 0 : i32
    %cond3A_18 = arith.cmpi ne, %convert_element_type3A_16, %cond3A_17 : i32
    scf.if %cond3A_18 {
      %mul3A_52 = arith.constant 128 : i32
      %mul3A_53 = arith.muli %add3A_13, %mul3A_52 : i32
      "tpu.region"() ({
        %run_scoped3A = tpu.sem_alloc : memref<!tpu.dma_semaphore, #tpu.memory_space<semaphore_mem>>
        %dma_start3A_56 = tpu.memref_slice %arg3[%mul3A_53] : memref<800000xi32, #tpu.memory_space<hbm>> -> memref<128xi32, #tpu.memory_space<hbm>>
        %dma_start3A_57 = tpu.memref_slice %arg3[%mul3A_53] : memref<800000xi32, #tpu.memory_space<hbm>> -> memref<128xi32, #tpu.memory_space<hbm>>
        tpu.enqueue_dma source(%dma_start3A_57 : memref<128xi32, #tpu.memory_space<hbm>>) target(%arg7 : memref<128xi32, #tpu.memory_space<vmem>>) target_semaphore(%run_scoped3A : memref<!tpu.dma_semaphore, #tpu.memory_space<semaphore_mem>>)
        %dma_wait3A = tpu.memref_slice %arg3[%mul3A_53] : memref<800000xi32, #tpu.memory_space<hbm>> -> memref<128xi32, #tpu.memory_space<hbm>>
        %dma_wait3A_58 = tpu.memref_slice %arg3[%mul3A_53] : memref<800000xi32, #tpu.memory_space<hbm>> -> memref<128xi32, #tpu.memory_space<hbm>>
        tpu.wait_dma2 semaphore(%run_scoped3A : memref<!tpu.dma_semaphore, #tpu.memory_space<semaphore_mem>>) src(%dma_wait3A_58 : memref<128xi32, #tpu.memory_space<hbm>>) dst(%arg7 : memref<128xi32, #tpu.memory_space<vmem>>)
        tpu.yield
      }) : () -> ()
      %dma_start3A = arith.constant 0 : i32
      %dma_start3A_54 = arith.constant 0 : i32
      %dma_start3A_55 = tpu.memref_slice %arg2[%dma_start3A, %dma_start3A_54] : memref<50000x16xf32, #tpu.memory_space<hbm>> -> memref<50000x16xf32, #tpu.memory_space<hbm>>
      tpu.enqueue_indirect_dma source(%dma_start3A_55 : memref<50000x16xf32, #tpu.memory_space<hbm>>) target(%arg15 : memref<128x16xf32, #tpu.memory_space<vmem>>) offsets(%arg7 : memref<128xi32, #tpu.memory_space<vmem>>) semaphore(%arg23 : memref<!tpu.dma_semaphore, #tpu.memory_space<semaphore_mem>>)
    } else {
    }
    %add3A_19 = arith.constant 96 : i32
    %add3A_20 = arith.addi %add3A_19, %add3A : i32
    %lt3A_21 = arith.constant 6250 : i32
    %lt3A_22 = arith.cmpi slt, %add3A_20, %lt3A_21 : i32
    %convert_element_type3A_23 = arith.extui %lt3A_22 : i1 to i32
    %cond3A_24 = arith.constant 0 : i32
    %cond3A_25 = arith.cmpi ne, %convert_element_type3A_23, %cond3A_24 : i32
    scf.if %cond3A_25 {
      %mul3A_52 = arith.constant 128 : i32
      %mul3A_53 = arith.muli %add3A_20, %mul3A_52 : i32
      "tpu.region"() ({
        %run_scoped3A = tpu.sem_alloc : memref<!tpu.dma_semaphore, #tpu.memory_space<semaphore_mem>>
        %dma_start3A_56 = tpu.memref_slice %arg3[%mul3A_53] : memref<800000xi32, #tpu.memory_space<hbm>> -> memref<128xi32, #tpu.memory_space<hbm>>
        %dma_start3A_57 = tpu.memref_slice %arg3[%mul3A_53] : memref<800000xi32, #tpu.memory_space<hbm>> -> memref<128xi32, #tpu.memory_space<hbm>>
        tpu.enqueue_dma source(%dma_start3A_57 : memref<128xi32, #tpu.memory_space<hbm>>) target(%arg8 : memref<128xi32, #tpu.memory_space<vmem>>) target_semaphore(%run_scoped3A : memref<!tpu.dma_semaphore, #tpu.memory_space<semaphore_mem>>)
        %dma_wait3A = tpu.memref_slice %arg3[%mul3A_53] : memref<800000xi32, #tpu.memory_space<hbm>> -> memref<128xi32, #tpu.memory_space<hbm>>
        %dma_wait3A_58 = tpu.memref_slice %arg3[%mul3A_53] : memref<800000xi32, #tpu.memory_space<hbm>> -> memref<128xi32, #tpu.memory_space<hbm>>
        tpu.wait_dma2 semaphore(%run_scoped3A : memref<!tpu.dma_semaphore, #tpu.memory_space<semaphore_mem>>) src(%dma_wait3A_58 : memref<128xi32, #tpu.memory_space<hbm>>) dst(%arg8 : memref<128xi32, #tpu.memory_space<vmem>>)
        tpu.yield
      }) : () -> ()
      %dma_start3A = arith.constant 0 : i32
      %dma_start3A_54 = arith.constant 0 : i32
      %dma_start3A_55 = tpu.memref_slice %arg2[%dma_start3A, %dma_start3A_54] : memref<50000x16xf32, #tpu.memory_space<hbm>> -> memref<50000x16xf32, #tpu.memory_space<hbm>>
      tpu.enqueue_indirect_dma source(%dma_start3A_55 : memref<50000x16xf32, #tpu.memory_space<hbm>>) target(%arg16 : memref<128x16xf32, #tpu.memory_space<vmem>>) offsets(%arg8 : memref<128xi32, #tpu.memory_space<vmem>>) semaphore(%arg24 : memref<!tpu.dma_semaphore, #tpu.memory_space<semaphore_mem>>)
    } else {
    }
    %add3A_26 = arith.constant 128 : i32
    %add3A_27 = arith.addi %add3A_26, %add3A : i32
    %lt3A_28 = arith.constant 6250 : i32
    %lt3A_29 = arith.cmpi slt, %add3A_27, %lt3A_28 : i32
    %convert_element_type3A_30 = arith.extui %lt3A_29 : i1 to i32
    %cond3A_31 = arith.constant 0 : i32
    %cond3A_32 = arith.cmpi ne, %convert_element_type3A_30, %cond3A_31 : i32
    scf.if %cond3A_32 {
      %mul3A_52 = arith.constant 128 : i32
      %mul3A_53 = arith.muli %add3A_27, %mul3A_52 : i32
      "tpu.region"() ({
        %run_scoped3A = tpu.sem_alloc : memref<!tpu.dma_semaphore, #tpu.memory_space<semaphore_mem>>
        %dma_start3A_56 = tpu.memref_slice %arg3[%mul3A_53] : memref<800000xi32, #tpu.memory_space<hbm>> -> memref<128xi32, #tpu.memory_space<hbm>>
        %dma_start3A_57 = tpu.memref_slice %arg3[%mul3A_53] : memref<800000xi32, #tpu.memory_space<hbm>> -> memref<128xi32, #tpu.memory_space<hbm>>
        tpu.enqueue_dma source(%dma_start3A_57 : memref<128xi32, #tpu.memory_space<hbm>>) target(%arg9 : memref<128xi32, #tpu.memory_space<vmem>>) target_semaphore(%run_scoped3A : memref<!tpu.dma_semaphore, #tpu.memory_space<semaphore_mem>>)
        %dma_wait3A = tpu.memref_slice %arg3[%mul3A_53] : memref<800000xi32, #tpu.memory_space<hbm>> -> memref<128xi32, #tpu.memory_space<hbm>>
        %dma_wait3A_58 = tpu.memref_slice %arg3[%mul3A_53] : memref<800000xi32, #tpu.memory_space<hbm>> -> memref<128xi32, #tpu.memory_space<hbm>>
        tpu.wait_dma2 semaphore(%run_scoped3A : memref<!tpu.dma_semaphore, #tpu.memory_space<semaphore_mem>>) src(%dma_wait3A_58 : memref<128xi32, #tpu.memory_space<hbm>>) dst(%arg9 : memref<128xi32, #tpu.memory_space<vmem>>)
        tpu.yield
      }) : () -> ()
      %dma_start3A = arith.constant 0 : i32
      %dma_start3A_54 = arith.constant 0 : i32
      %dma_start3A_55 = tpu.memref_slice %arg2[%dma_start3A, %dma_start3A_54] : memref<50000x16xf32, #tpu.memory_space<hbm>> -> memref<50000x16xf32, #tpu.memory_space<hbm>>
      tpu.enqueue_indirect_dma source(%dma_start3A_55 : memref<50000x16xf32, #tpu.memory_space<hbm>>) target(%arg17 : memref<128x16xf32, #tpu.memory_space<vmem>>) offsets(%arg9 : memref<128xi32, #tpu.memory_space<vmem>>) semaphore(%arg25 : memref<!tpu.dma_semaphore, #tpu.memory_space<semaphore_mem>>)
    } else {
    }
    %add3A_33 = arith.constant 160 : i32
    %add3A_34 = arith.addi %add3A_33, %add3A : i32
    %lt3A_35 = arith.constant 6250 : i32
    %lt3A_36 = arith.cmpi slt, %add3A_34, %lt3A_35 : i32
    %convert_element_type3A_37 = arith.extui %lt3A_36 : i1 to i32
    %cond3A_38 = arith.constant 0 : i32
    %cond3A_39 = arith.cmpi ne, %convert_element_type3A_37, %cond3A_38 : i32
    scf.if %cond3A_39 {
      %mul3A_52 = arith.constant 128 : i32
      %mul3A_53 = arith.muli %add3A_34, %mul3A_52 : i32
      "tpu.region"() ({
        %run_scoped3A = tpu.sem_alloc : memref<!tpu.dma_semaphore, #tpu.memory_space<semaphore_mem>>
        %dma_start3A_56 = tpu.memref_slice %arg3[%mul3A_53] : memref<800000xi32, #tpu.memory_space<hbm>> -> memref<128xi32, #tpu.memory_space<hbm>>
        %dma_start3A_57 = tpu.memref_slice %arg3[%mul3A_53] : memref<800000xi32, #tpu.memory_space<hbm>> -> memref<128xi32, #tpu.memory_space<hbm>>
        tpu.enqueue_dma source(%dma_start3A_57 : memref<128xi32, #tpu.memory_space<hbm>>) target(%arg10 : memref<128xi32, #tpu.memory_space<vmem>>) target_semaphore(%run_scoped3A : memref<!tpu.dma_semaphore, #tpu.memory_space<semaphore_mem>>)
        %dma_wait3A = tpu.memref_slice %arg3[%mul3A_53] : memref<800000xi32, #tpu.memory_space<hbm>> -> memref<128xi32, #tpu.memory_space<hbm>>
        %dma_wait3A_58 = tpu.memref_slice %arg3[%mul3A_53] : memref<800000xi32, #tpu.memory_space<hbm>> -> memref<128xi32, #tpu.memory_space<hbm>>
        tpu.wait_dma2 semaphore(%run_scoped3A : memref<!tpu.dma_semaphore, #tpu.memory_space<semaphore_mem>>) src(%dma_wait3A_58 : memref<128xi32, #tpu.memory_space<hbm>>) dst(%arg10 : memref<128xi32, #tpu.memory_space<vmem>>)
        tpu.yield
      }) : () -> ()
      %dma_start3A = arith.constant 0 : i32
      %dma_start3A_54 = arith.constant 0 : i32
      %dma_start3A_55 = tpu.memref_slice %arg2[%dma_start3A, %dma_start3A_54] : memref<50000x16xf32, #tpu.memory_space<hbm>> -> memref<50000x16xf32, #tpu.memory_space<hbm>>
      tpu.enqueue_indirect_dma source(%dma_start3A_55 : memref<50000x16xf32, #tpu.memory_space<hbm>>) target(%arg18 : memref<128x16xf32, #tpu.memory_space<vmem>>) offsets(%arg10 : memref<128xi32, #tpu.memory_space<vmem>>) semaphore(%arg26 : memref<!tpu.dma_semaphore, #tpu.memory_space<semaphore_mem>>)
    } else {
    }
    %add3A_40 = arith.constant 192 : i32
    %add3A_41 = arith.addi %add3A_40, %add3A : i32
    %lt3A_42 = arith.constant 6250 : i32
    %lt3A_43 = arith.cmpi slt, %add3A_41, %lt3A_42 : i32
    %convert_element_type3A_44 = arith.extui %lt3A_43 : i1 to i32
    %cond3A_45 = arith.constant 0 : i32
    %cond3A_46 = arith.cmpi ne, %convert_element_type3A_44, %cond3A_45 : i32
    scf.if %cond3A_46 {
      %mul3A_52 = arith.constant 128 : i32
      %mul3A_53 = arith.muli %add3A_41, %mul3A_52 : i32
      "tpu.region"() ({
        %run_scoped3A = tpu.sem_alloc : memref<!tpu.dma_semaphore, #tpu.memory_space<semaphore_mem>>
        %dma_start3A_56 = tpu.memref_slice %arg3[%mul3A_53] : memref<800000xi32, #tpu.memory_space<hbm>> -> memref<128xi32, #tpu.memory_space<hbm>>
        %dma_start3A_57 = tpu.memref_slice %arg3[%mul3A_53] : memref<800000xi32, #tpu.memory_space<hbm>> -> memref<128xi32, #tpu.memory_space<hbm>>
        tpu.enqueue_dma source(%dma_start3A_57 : memref<128xi32, #tpu.memory_space<hbm>>) target(%arg11 : memref<128xi32, #tpu.memory_space<vmem>>) target_semaphore(%run_scoped3A : memref<!tpu.dma_semaphore, #tpu.memory_space<semaphore_mem>>)
        %dma_wait3A = tpu.memref_slice %arg3[%mul3A_53] : memref<800000xi32, #tpu.memory_space<hbm>> -> memref<128xi32, #tpu.memory_space<hbm>>
        %dma_wait3A_58 = tpu.memref_slice %arg3[%mul3A_53] : memref<800000xi32, #tpu.memory_space<hbm>> -> memref<128xi32, #tpu.memory_space<hbm>>
        tpu.wait_dma2 semaphore(%run_scoped3A : memref<!tpu.dma_semaphore, #tpu.memory_space<semaphore_mem>>) src(%dma_wait3A_58 : memref<128xi32, #tpu.memory_space<hbm>>) dst(%arg11 : memref<128xi32, #tpu.memory_space<vmem>>)
        tpu.yield
      }) : () -> ()
      %dma_start3A = arith.constant 0 : i32
      %dma_start3A_54 = arith.constant 0 : i32
      %dma_start3A_55 = tpu.memref_slice %arg2[%dma_start3A, %dma_start3A_54] : memref<50000x16xf32, #tpu.memory_space<hbm>> -> memref<50000x16xf32, #tpu.memory_space<hbm>>
      tpu.enqueue_indirect_dma source(%dma_start3A_55 : memref<50000x16xf32, #tpu.memory_space<hbm>>) target(%arg19 : memref<128x16xf32, #tpu.memory_space<vmem>>) offsets(%arg11 : memref<128xi32, #tpu.memory_space<vmem>>) semaphore(%arg27 : memref<!tpu.dma_semaphore, #tpu.memory_space<semaphore_mem>>)
    } else {
    }
    %scan3A = arith.constant 0 : i32
    %scan3A_47 = arith.constant 0 : i32
    %scan3A_48 = arith.constant 25 : i32
    %scan3A_49 = arith.addi %scan3A_47, %scan3A_48 : i32
    %scan3A_50 = arith.constant 1 : i32
    scf.for %scan3A_52 = %scan3A_47 to %scan3A_49 step %scan3A_50  : i32 {
      %mul3A_53 = arith.constant 8 : i32
      %mul3A_54 = arith.muli %scan3A_52, %mul3A_53 : i32
      %add3A_55 = arith.constant 0 : i32
      %add3A_56 = arith.addi %mul3A_54, %add3A_55 : i32
      %add3A_57 = arith.constant 8 : i32
      %add3A_58 = arith.addi %add3A_56, %add3A_57 : i32
      %sub3A = arith.constant 1 : i32
      %sub3A_59 = arith.subi %add3A_58, %sub3A : i32
      %mul3A_60 = arith.constant 32 : i32
      %mul3A_61 = arith.muli %sub3A_59, %mul3A_60 : i32
      %add3A_62 = arith.addi %mul3A_61, %add3A : i32
      %lt3A_63 = arith.constant 6250 : i32
      %lt3A_64 = arith.cmpi slt, %add3A_62, %lt3A_63 : i32
      %convert_element_type3A_65 = arith.extui %lt3A_64 : i1 to i32
      %cond3A_66 = arith.constant 0 : i32
      %cond3A_67 = arith.cmpi ne, %convert_element_type3A_65, %cond3A_66 : i32
      scf.if %cond3A_67 {
        %mul3A_246 = arith.constant 128 : i32
        %mul3A_247 = arith.muli %add3A_62, %mul3A_246 : i32
        "tpu.region"() ({
          %run_scoped3A = tpu.sem_alloc : memref<!tpu.dma_semaphore, #tpu.memory_space<semaphore_mem>>
          %dma_start3A_250 = tpu.memref_slice %arg3[%mul3A_247] : memref<800000xi32, #tpu.memory_space<hbm>> -> memref<128xi32, #tpu.memory_space<hbm>>
          %dma_start3A_251 = tpu.memref_slice %arg3[%mul3A_247] : memref<800000xi32, #tpu.memory_space<hbm>> -> memref<128xi32, #tpu.memory_space<hbm>>
          tpu.enqueue_dma source(%dma_start3A_251 : memref<128xi32, #tpu.memory_space<hbm>>) target(%arg12 : memref<128xi32, #tpu.memory_space<vmem>>) target_semaphore(%run_scoped3A : memref<!tpu.dma_semaphore, #tpu.memory_space<semaphore_mem>>)
          %dma_wait3A = tpu.memref_slice %arg3[%mul3A_247] : memref<800000xi32, #tpu.memory_space<hbm>> -> memref<128xi32, #tpu.memory_space<hbm>>
          %dma_wait3A_252 = tpu.memref_slice %arg3[%mul3A_247] : memref<800000xi32, #tpu.memory_space<hbm>> -> memref<128xi32, #tpu.memory_space<hbm>>
          tpu.wait_dma2 semaphore(%run_scoped3A : memref<!tpu.dma_semaphore, #tpu.memory_space<semaphore_mem>>) src(%dma_wait3A_252 : memref<128xi32, #tpu.memory_space<hbm>>) dst(%arg12 : memref<128xi32, #tpu.memory_space<vmem>>)
          tpu.yield
        }) : () -> ()
        %dma_start3A = arith.constant 0 : i32
        %dma_start3A_248 = arith.constant 0 : i32
        %dma_start3A_249 = tpu.memref_slice %arg2[%dma_start3A, %dma_start3A_248] : memref<50000x16xf32, #tpu.memory_space<hbm>> -> memref<50000x16xf32, #tpu.memory_space<hbm>>
        tpu.enqueue_indirect_dma source(%dma_start3A_249 : memref<50000x16xf32, #tpu.memory_space<hbm>>) target(%arg20 : memref<128x16xf32, #tpu.memory_space<vmem>>) offsets(%arg12 : memref<128xi32, #tpu.memory_space<vmem>>) semaphore(%arg28 : memref<!tpu.dma_semaphore, #tpu.memory_space<semaphore_mem>>)
      } else {
      }
      %add3A_68 = arith.constant 0 : i32
      %add3A_69 = arith.addi %mul3A_54, %add3A_68 : i32
      %mul3A_70 = arith.constant 32 : i32
      %mul3A_71 = arith.muli %add3A_69, %mul3A_70 : i32
      %add3A_72 = arith.addi %mul3A_71, %add3A : i32
      %lt3A_73 = arith.constant 6250 : i32
      %lt3A_74 = arith.cmpi slt, %add3A_72, %lt3A_73 : i32
      %convert_element_type3A_75 = arith.extui %lt3A_74 : i1 to i32
      %cond3A_76 = arith.constant 0 : i32
      %cond3A_77 = arith.cmpi ne, %convert_element_type3A_75, %cond3A_76 : i32
      scf.if %cond3A_77 {
        %mul3A_246 = arith.constant 128 : i32
        %mul3A_247 = arith.muli %add3A_72, %mul3A_246 : i32
        %dma_wait3A = arith.constant 0 : i32
        %dma_wait3A_248 = arith.constant 0 : i32
        %dma_wait3A_249 = tpu.memref_slice %arg2[%dma_wait3A, %dma_wait3A_248] : memref<50000x16xf32, #tpu.memory_space<hbm>> -> memref<50000x16xf32, #tpu.memory_space<hbm>>
        tpu.wait_indirect_dma semaphore(%arg21 : memref<!tpu.dma_semaphore, #tpu.memory_space<semaphore_mem>>) src(%dma_wait3A_249 : memref<50000x16xf32, #tpu.memory_space<hbm>>) dst(%arg13 : memref<128x16xf32, #tpu.memory_space<vmem>>)
        "tpu.region"() ({
          %run_scoped3A = tpu.sem_alloc : memref<!tpu.dma_semaphore, #tpu.memory_space<semaphore_mem>>
          %dma_start3A = arith.constant 0 : i32
          %dma_start3A_250 = tpu.memref_slice %arg4[%mul3A_247, %dma_start3A] : memref<800000x16xf32, #tpu.memory_space<hbm>> -> memref<128x16xf32, #tpu.memory_space<hbm>>
          %dma_start3A_251 = arith.constant 0 : i32
          %dma_start3A_252 = tpu.memref_slice %arg4[%mul3A_247, %dma_start3A_251] : memref<800000x16xf32, #tpu.memory_space<hbm>> -> memref<128x16xf32, #tpu.memory_space<hbm>>
          tpu.enqueue_dma source(%arg13 : memref<128x16xf32, #tpu.memory_space<vmem>>) target(%dma_start3A_252 : memref<128x16xf32, #tpu.memory_space<hbm>>) target_semaphore(%run_scoped3A : memref<!tpu.dma_semaphore, #tpu.memory_space<semaphore_mem>>)
          %dma_wait3A_253 = arith.constant 0 : i32
          %dma_wait3A_254 = tpu.memref_slice %arg4[%mul3A_247, %dma_wait3A_253] : memref<800000x16xf32, #tpu.memory_space<hbm>> -> memref<128x16xf32, #tpu.memory_space<hbm>>
          %dma_wait3A_255 = arith.constant 0 : i32
          %dma_wait3A_256 = tpu.memref_slice %arg4[%mul3A_247, %dma_wait3A_255] : memref<800000x16xf32, #tpu.memory_space<hbm>> -> memref<128x16xf32, #tpu.memory_space<hbm>>
          tpu.wait_dma2 semaphore(%run_scoped3A : memref<!tpu.dma_semaphore, #tpu.memory_space<semaphore_mem>>) src(%arg13 : memref<128x16xf32, #tpu.memory_space<vmem>>) dst(%dma_wait3A_256 : memref<128x16xf32, #tpu.memory_space<hbm>>)
          tpu.yield
        }) : () -> ()
      } else {
      }
      %add3A_78 = arith.constant 1 : i32
      %add3A_79 = arith.addi %mul3A_54, %add3A_78 : i32
      %add3A_80 = arith.constant 8 : i32
      %add3A_81 = arith.addi %add3A_79, %add3A_80 : i32
      %sub3A_82 = arith.constant 1 : i32
      %sub3A_83 = arith.subi %add3A_81, %sub3A_82 : i32
      %mul3A_84 = arith.constant 32 : i32
      %mul3A_85 = arith.muli %sub3A_83, %mul3A_84 : i32
      %add3A_86 = arith.addi %mul3A_85, %add3A : i32
      %lt3A_87 = arith.constant 6250 : i32
      %lt3A_88 = arith.cmpi slt, %add3A_86, %lt3A_87 : i32
      %convert_element_type3A_89 = arith.extui %lt3A_88 : i1 to i32
      %cond3A_90 = arith.constant 0 : i32
      %cond3A_91 = arith.cmpi ne, %convert_element_type3A_89, %cond3A_90 : i32
      scf.if %cond3A_91 {
        %mul3A_246 = arith.constant 128 : i32
        %mul3A_247 = arith.muli %add3A_86, %mul3A_246 : i32
        "tpu.region"() ({
          %run_scoped3A = tpu.sem_alloc : memref<!tpu.dma_semaphore, #tpu.memory_space<semaphore_mem>>
          %dma_start3A_250 = tpu.memref_slice %arg3[%mul3A_247] : memref<800000xi32, #tpu.memory_space<hbm>> -> memref<128xi32, #tpu.memory_space<hbm>>
          %dma_start3A_251 = tpu.memref_slice %arg3[%mul3A_247] : memref<800000xi32, #tpu.memory_space<hbm>> -> memref<128xi32, #tpu.memory_space<hbm>>
          tpu.enqueue_dma source(%dma_start3A_251 : memref<128xi32, #tpu.memory_space<hbm>>) target(%arg5 : memref<128xi32, #tpu.memory_space<vmem>>) target_semaphore(%run_scoped3A : memref<!tpu.dma_semaphore, #tpu.memory_space<semaphore_mem>>)
          %dma_wait3A = tpu.memref_slice %arg3[%mul3A_247] : memref<800000xi32, #tpu.memory_space<hbm>> -> memref<128xi32, #tpu.memory_space<hbm>>
          %dma_wait3A_252 = tpu.memref_slice %arg3[%mul3A_247] : memref<800000xi32, #tpu.memory_space<hbm>> -> memref<128xi32, #tpu.memory_space<hbm>>
          tpu.wait_dma2 semaphore(%run_scoped3A : memref<!tpu.dma_semaphore, #tpu.memory_space<semaphore_mem>>) src(%dma_wait3A_252 : memref<128xi32, #tpu.memory_space<hbm>>) dst(%arg5 : memref<128xi32, #tpu.memory_space<vmem>>)
          tpu.yield
        }) : () -> ()
        %dma_start3A = arith.constant 0 : i32
        %dma_start3A_248 = arith.constant 0 : i32
        %dma_start3A_249 = tpu.memref_slice %arg2[%dma_start3A, %dma_start3A_248] : memref<50000x16xf32, #tpu.memory_space<hbm>> -> memref<50000x16xf32, #tpu.memory_space<hbm>>
        tpu.enqueue_indirect_dma source(%dma_start3A_249 : memref<50000x16xf32, #tpu.memory_space<hbm>>) target(%arg13 : memref<128x16xf32, #tpu.memory_space<vmem>>) offsets(%arg5 : memref<128xi32, #tpu.memory_space<vmem>>) semaphore(%arg21 : memref<!tpu.dma_semaphore, #tpu.memory_space<semaphore_mem>>)
      } else {
      }
      %add3A_92 = arith.constant 1 : i32
      %add3A_93 = arith.addi %mul3A_54, %add3A_92 : i32
      %mul3A_94 = arith.constant 32 : i32
      %mul3A_95 = arith.muli %add3A_93, %mul3A_94 : i32
      %add3A_96 = arith.addi %mul3A_95, %add3A : i32
      %lt3A_97 = arith.constant 6250 : i32
      %lt3A_98 = arith.cmpi slt, %add3A_96, %lt3A_97 : i32
      %convert_element_type3A_99 = arith.extui %lt3A_98 : i1 to i32
      %cond3A_100 = arith.constant 0 : i32
      %cond3A_101 = arith.cmpi ne, %convert_element_type3A_99, %cond3A_100 : i32
      scf.if %cond3A_101 {
        %mul3A_246 = arith.constant 128 : i32
        %mul3A_247 = arith.muli %add3A_96, %mul3A_246 : i32
        %dma_wait3A = arith.constant 0 : i32
        %dma_wait3A_248 = arith.constant 0 : i32
        %dma_wait3A_249 = tpu.memref_slice %arg2[%dma_wait3A, %dma_wait3A_248] : memref<50000x16xf32, #tpu.memory_space<hbm>> -> memref<50000x16xf32, #tpu.memory_space<hbm>>
        tpu.wait_indirect_dma semaphore(%arg22 : memref<!tpu.dma_semaphore, #tpu.memory_space<semaphore_mem>>) src(%dma_wait3A_249 : memref<50000x16xf32, #tpu.memory_space<hbm>>) dst(%arg14 : memref<128x16xf32, #tpu.memory_space<vmem>>)
        "tpu.region"() ({
          %run_scoped3A = tpu.sem_alloc : memref<!tpu.dma_semaphore, #tpu.memory_space<semaphore_mem>>
          %dma_start3A = arith.constant 0 : i32
          %dma_start3A_250 = tpu.memref_slice %arg4[%mul3A_247, %dma_start3A] : memref<800000x16xf32, #tpu.memory_space<hbm>> -> memref<128x16xf32, #tpu.memory_space<hbm>>
          %dma_start3A_251 = arith.constant 0 : i32
          %dma_start3A_252 = tpu.memref_slice %arg4[%mul3A_247, %dma_start3A_251] : memref<800000x16xf32, #tpu.memory_space<hbm>> -> memref<128x16xf32, #tpu.memory_space<hbm>>
          tpu.enqueue_dma source(%arg14 : memref<128x16xf32, #tpu.memory_space<vmem>>) target(%dma_start3A_252 : memref<128x16xf32, #tpu.memory_space<hbm>>) target_semaphore(%run_scoped3A : memref<!tpu.dma_semaphore, #tpu.memory_space<semaphore_mem>>)
          %dma_wait3A_253 = arith.constant 0 : i32
          %dma_wait3A_254 = tpu.memref_slice %arg4[%mul3A_247, %dma_wait3A_253] : memref<800000x16xf32, #tpu.memory_space<hbm>> -> memref<128x16xf32, #tpu.memory_space<hbm>>
          %dma_wait3A_255 = arith.constant 0 : i32
          %dma_wait3A_256 = tpu.memref_slice %arg4[%mul3A_247, %dma_wait3A_255] : memref<800000x16xf32, #tpu.memory_space<hbm>> -> memref<128x16xf32, #tpu.memory_space<hbm>>
          tpu.wait_dma2 semaphore(%run_scoped3A : memref<!tpu.dma_semaphore, #tpu.memory_space<semaphore_mem>>) src(%arg14 : memref<128x16xf32, #tpu.memory_space<vmem>>) dst(%dma_wait3A_256 : memref<128x16xf32, #tpu.memory_space<hbm>>)
          tpu.yield
        }) : () -> ()
      } else {
      }
      %add3A_102 = arith.constant 2 : i32
      %add3A_103 = arith.addi %mul3A_54, %add3A_102 : i32
      %add3A_104 = arith.constant 8 : i32
      %add3A_105 = arith.addi %add3A_103, %add3A_104 : i32
      %sub3A_106 = arith.constant 1 : i32
      %sub3A_107 = arith.subi %add3A_105, %sub3A_106 : i32
      %mul3A_108 = arith.constant 32 : i32
      %mul3A_109 = arith.muli %sub3A_107, %mul3A_108 : i32
      %add3A_110 = arith.addi %mul3A_109, %add3A : i32
      %lt3A_111 = arith.constant 6250 : i32
      %lt3A_112 = arith.cmpi slt, %add3A_110, %lt3A_111 : i32
      %convert_element_type3A_113 = arith.extui %lt3A_112 : i1 to i32
      %cond3A_114 = arith.constant 0 : i32
      %cond3A_115 = arith.cmpi ne, %convert_element_type3A_113, %cond3A_114 : i32
      scf.if %cond3A_115 {
        %mul3A_246 = arith.constant 128 : i32
        %mul3A_247 = arith.muli %add3A_110, %mul3A_246 : i32
        "tpu.region"() ({
          %run_scoped3A = tpu.sem_alloc : memref<!tpu.dma_semaphore, #tpu.memory_space<semaphore_mem>>
          %dma_start3A_250 = tpu.memref_slice %arg3[%mul3A_247] : memref<800000xi32, #tpu.memory_space<hbm>> -> memref<128xi32, #tpu.memory_space<hbm>>
          %dma_start3A_251 = tpu.memref_slice %arg3[%mul3A_247] : memref<800000xi32, #tpu.memory_space<hbm>> -> memref<128xi32, #tpu.memory_space<hbm>>
          tpu.enqueue_dma source(%dma_start3A_251 : memref<128xi32, #tpu.memory_space<hbm>>) target(%arg6 : memref<128xi32, #tpu.memory_space<vmem>>) target_semaphore(%run_scoped3A : memref<!tpu.dma_semaphore, #tpu.memory_space<semaphore_mem>>)
          %dma_wait3A = tpu.memref_slice %arg3[%mul3A_247] : memref<800000xi32, #tpu.memory_space<hbm>> -> memref<128xi32, #tpu.memory_space<hbm>>
          %dma_wait3A_252 = tpu.memref_slice %arg3[%mul3A_247] : memref<800000xi32, #tpu.memory_space<hbm>> -> memref<128xi32, #tpu.memory_space<hbm>>
          tpu.wait_dma2 semaphore(%run_scoped3A : memref<!tpu.dma_semaphore, #tpu.memory_space<semaphore_mem>>) src(%dma_wait3A_252 : memref<128xi32, #tpu.memory_space<hbm>>) dst(%arg6 : memref<128xi32, #tpu.memory_space<vmem>>)
          tpu.yield
        }) : () -> ()
        %dma_start3A = arith.constant 0 : i32
        %dma_start3A_248 = arith.constant 0 : i32
        %dma_start3A_249 = tpu.memref_slice %arg2[%dma_start3A, %dma_start3A_248] : memref<50000x16xf32, #tpu.memory_space<hbm>> -> memref<50000x16xf32, #tpu.memory_space<hbm>>
        tpu.enqueue_indirect_dma source(%dma_start3A_249 : memref<50000x16xf32, #tpu.memory_space<hbm>>) target(%arg14 : memref<128x16xf32, #tpu.memory_space<vmem>>) offsets(%arg6 : memref<128xi32, #tpu.memory_space<vmem>>) semaphore(%arg22 : memref<!tpu.dma_semaphore, #tpu.memory_space<semaphore_mem>>)
      } else {
      }
      %add3A_116 = arith.constant 2 : i32
      %add3A_117 = arith.addi %mul3A_54, %add3A_116 : i32
      %mul3A_118 = arith.constant 32 : i32
      %mul3A_119 = arith.muli %add3A_117, %mul3A_118 : i32
      %add3A_120 = arith.addi %mul3A_119, %add3A : i32
      %lt3A_121 = arith.constant 6250 : i32
      %lt3A_122 = arith.cmpi slt, %add3A_120, %lt3A_121 : i32
      %convert_element_type3A_123 = arith.extui %lt3A_122 : i1 to i32
      %cond3A_124 = arith.constant 0 : i32
      %cond3A_125 = arith.cmpi ne, %convert_element_type3A_123, %cond3A_124 : i32
      scf.if %cond3A_125 {
        %mul3A_246 = arith.constant 128 : i32
        %mul3A_247 = arith.muli %add3A_120, %mul3A_246 : i32
        %dma_wait3A = arith.constant 0 : i32
        %dma_wait3A_248 = arith.constant 0 : i32
        %dma_wait3A_249 = tpu.memref_slice %arg2[%dma_wait3A, %dma_wait3A_248] : memref<50000x16xf32, #tpu.memory_space<hbm>> -> memref<50000x16xf32, #tpu.memory_space<hbm>>
        tpu.wait_indirect_dma semaphore(%arg23 : memref<!tpu.dma_semaphore, #tpu.memory_space<semaphore_mem>>) src(%dma_wait3A_249 : memref<50000x16xf32, #tpu.memory_space<hbm>>) dst(%arg15 : memref<128x16xf32, #tpu.memory_space<vmem>>)
        "tpu.region"() ({
          %run_scoped3A = tpu.sem_alloc : memref<!tpu.dma_semaphore, #tpu.memory_space<semaphore_mem>>
          %dma_start3A = arith.constant 0 : i32
          %dma_start3A_250 = tpu.memref_slice %arg4[%mul3A_247, %dma_start3A] : memref<800000x16xf32, #tpu.memory_space<hbm>> -> memref<128x16xf32, #tpu.memory_space<hbm>>
          %dma_start3A_251 = arith.constant 0 : i32
          %dma_start3A_252 = tpu.memref_slice %arg4[%mul3A_247, %dma_start3A_251] : memref<800000x16xf32, #tpu.memory_space<hbm>> -> memref<128x16xf32, #tpu.memory_space<hbm>>
          tpu.enqueue_dma source(%arg15 : memref<128x16xf32, #tpu.memory_space<vmem>>) target(%dma_start3A_252 : memref<128x16xf32, #tpu.memory_space<hbm>>) target_semaphore(%run_scoped3A : memref<!tpu.dma_semaphore, #tpu.memory_space<semaphore_mem>>)
          %dma_wait3A_253 = arith.constant 0 : i32
          %dma_wait3A_254 = tpu.memref_slice %arg4[%mul3A_247, %dma_wait3A_253] : memref<800000x16xf32, #tpu.memory_space<hbm>> -> memref<128x16xf32, #tpu.memory_space<hbm>>
          %dma_wait3A_255 = arith.constant 0 : i32
          %dma_wait3A_256 = tpu.memref_slice %arg4[%mul3A_247, %dma_wait3A_255] : memref<800000x16xf32, #tpu.memory_space<hbm>> -> memref<128x16xf32, #tpu.memory_space<hbm>>
          tpu.wait_dma2 semaphore(%run_scoped3A : memref<!tpu.dma_semaphore, #tpu.memory_space<semaphore_mem>>) src(%arg15 : memref<128x16xf32, #tpu.memory_space<vmem>>) dst(%dma_wait3A_256 : memref<128x16xf32, #tpu.memory_space<hbm>>)
          tpu.yield
        }) : () -> ()
      } else {
      }
      %add3A_126 = arith.constant 3 : i32
      %add3A_127 = arith.addi %mul3A_54, %add3A_126 : i32
      %add3A_128 = arith.constant 8 : i32
      %add3A_129 = arith.addi %add3A_127, %add3A_128 : i32
      %sub3A_130 = arith.constant 1 : i32
      %sub3A_131 = arith.subi %add3A_129, %sub3A_130 : i32
      %mul3A_132 = arith.constant 32 : i32
      %mul3A_133 = arith.muli %sub3A_131, %mul3A_132 : i32
      %add3A_134 = arith.addi %mul3A_133, %add3A : i32
      %lt3A_135 = arith.constant 6250 : i32
      %lt3A_136 = arith.cmpi slt, %add3A_134, %lt3A_135 : i32
      %convert_element_type3A_137 = arith.extui %lt3A_136 : i1 to i32
      %cond3A_138 = arith.constant 0 : i32
      %cond3A_139 = arith.cmpi ne, %convert_element_type3A_137, %cond3A_138 : i32
      scf.if %cond3A_139 {
        %mul3A_246 = arith.constant 128 : i32
        %mul3A_247 = arith.muli %add3A_134, %mul3A_246 : i32
        "tpu.region"() ({
          %run_scoped3A = tpu.sem_alloc : memref<!tpu.dma_semaphore, #tpu.memory_space<semaphore_mem>>
          %dma_start3A_250 = tpu.memref_slice %arg3[%mul3A_247] : memref<800000xi32, #tpu.memory_space<hbm>> -> memref<128xi32, #tpu.memory_space<hbm>>
          %dma_start3A_251 = tpu.memref_slice %arg3[%mul3A_247] : memref<800000xi32, #tpu.memory_space<hbm>> -> memref<128xi32, #tpu.memory_space<hbm>>
          tpu.enqueue_dma source(%dma_start3A_251 : memref<128xi32, #tpu.memory_space<hbm>>) target(%arg7 : memref<128xi32, #tpu.memory_space<vmem>>) target_semaphore(%run_scoped3A : memref<!tpu.dma_semaphore, #tpu.memory_space<semaphore_mem>>)
          %dma_wait3A = tpu.memref_slice %arg3[%mul3A_247] : memref<800000xi32, #tpu.memory_space<hbm>> -> memref<128xi32, #tpu.memory_space<hbm>>
          %dma_wait3A_252 = tpu.memref_slice %arg3[%mul3A_247] : memref<800000xi32, #tpu.memory_space<hbm>> -> memref<128xi32, #tpu.memory_space<hbm>>
          tpu.wait_dma2 semaphore(%run_scoped3A : memref<!tpu.dma_semaphore, #tpu.memory_space<semaphore_mem>>) src(%dma_wait3A_252 : memref<128xi32, #tpu.memory_space<hbm>>) dst(%arg7 : memref<128xi32, #tpu.memory_space<vmem>>)
          tpu.yield
        }) : () -> ()
        %dma_start3A = arith.constant 0 : i32
        %dma_start3A_248 = arith.constant 0 : i32
        %dma_start3A_249 = tpu.memref_slice %arg2[%dma_start3A, %dma_start3A_248] : memref<50000x16xf32, #tpu.memory_space<hbm>> -> memref<50000x16xf32, #tpu.memory_space<hbm>>
        tpu.enqueue_indirect_dma source(%dma_start3A_249 : memref<50000x16xf32, #tpu.memory_space<hbm>>) target(%arg15 : memref<128x16xf32, #tpu.memory_space<vmem>>) offsets(%arg7 : memref<128xi32, #tpu.memory_space<vmem>>) semaphore(%arg23 : memref<!tpu.dma_semaphore, #tpu.memory_space<semaphore_mem>>)
      } else {
      }
      %add3A_140 = arith.constant 3 : i32
      %add3A_141 = arith.addi %mul3A_54, %add3A_140 : i32
      %mul3A_142 = arith.constant 32 : i32
      %mul3A_143 = arith.muli %add3A_141, %mul3A_142 : i32
      %add3A_144 = arith.addi %mul3A_143, %add3A : i32
      %lt3A_145 = arith.constant 6250 : i32
      %lt3A_146 = arith.cmpi slt, %add3A_144, %lt3A_145 : i32
      %convert_element_type3A_147 = arith.extui %lt3A_146 : i1 to i32
      %cond3A_148 = arith.constant 0 : i32
      %cond3A_149 = arith.cmpi ne, %convert_element_type3A_147, %cond3A_148 : i32
      scf.if %cond3A_149 {
        %mul3A_246 = arith.constant 128 : i32
        %mul3A_247 = arith.muli %add3A_144, %mul3A_246 : i32
        %dma_wait3A = arith.constant 0 : i32
        %dma_wait3A_248 = arith.constant 0 : i32
        %dma_wait3A_249 = tpu.memref_slice %arg2[%dma_wait3A, %dma_wait3A_248] : memref<50000x16xf32, #tpu.memory_space<hbm>> -> memref<50000x16xf32, #tpu.memory_space<hbm>>
        tpu.wait_indirect_dma semaphore(%arg24 : memref<!tpu.dma_semaphore, #tpu.memory_space<semaphore_mem>>) src(%dma_wait3A_249 : memref<50000x16xf32, #tpu.memory_space<hbm>>) dst(%arg16 : memref<128x16xf32, #tpu.memory_space<vmem>>)
        "tpu.region"() ({
          %run_scoped3A = tpu.sem_alloc : memref<!tpu.dma_semaphore, #tpu.memory_space<semaphore_mem>>
          %dma_start3A = arith.constant 0 : i32
          %dma_start3A_250 = tpu.memref_slice %arg4[%mul3A_247, %dma_start3A] : memref<800000x16xf32, #tpu.memory_space<hbm>> -> memref<128x16xf32, #tpu.memory_space<hbm>>
          %dma_start3A_251 = arith.constant 0 : i32
          %dma_start3A_252 = tpu.memref_slice %arg4[%mul3A_247, %dma_start3A_251] : memref<800000x16xf32, #tpu.memory_space<hbm>> -> memref<128x16xf32, #tpu.memory_space<hbm>>
          tpu.enqueue_dma source(%arg16 : memref<128x16xf32, #tpu.memory_space<vmem>>) target(%dma_start3A_252 : memref<128x16xf32, #tpu.memory_space<hbm>>) target_semaphore(%run_scoped3A : memref<!tpu.dma_semaphore, #tpu.memory_space<semaphore_mem>>)
          %dma_wait3A_253 = arith.constant 0 : i32
          %dma_wait3A_254 = tpu.memref_slice %arg4[%mul3A_247, %dma_wait3A_253] : memref<800000x16xf32, #tpu.memory_space<hbm>> -> memref<128x16xf32, #tpu.memory_space<hbm>>
          %dma_wait3A_255 = arith.constant 0 : i32
          %dma_wait3A_256 = tpu.memref_slice %arg4[%mul3A_247, %dma_wait3A_255] : memref<800000x16xf32, #tpu.memory_space<hbm>> -> memref<128x16xf32, #tpu.memory_space<hbm>>
          tpu.wait_dma2 semaphore(%run_scoped3A : memref<!tpu.dma_semaphore, #tpu.memory_space<semaphore_mem>>) src(%arg16 : memref<128x16xf32, #tpu.memory_space<vmem>>) dst(%dma_wait3A_256 : memref<128x16xf32, #tpu.memory_space<hbm>>)
          tpu.yield
        }) : () -> ()
      } else {
      }
      %add3A_150 = arith.constant 4 : i32
      %add3A_151 = arith.addi %mul3A_54, %add3A_150 : i32
      %add3A_152 = arith.constant 8 : i32
      %add3A_153 = arith.addi %add3A_151, %add3A_152 : i32
      %sub3A_154 = arith.constant 1 : i32
      %sub3A_155 = arith.subi %add3A_153, %sub3A_154 : i32
      %mul3A_156 = arith.constant 32 : i32
      %mul3A_157 = arith.muli %sub3A_155, %mul3A_156 : i32
      %add3A_158 = arith.addi %mul3A_157, %add3A : i32
      %lt3A_159 = arith.constant 6250 : i32
      %lt3A_160 = arith.cmpi slt, %add3A_158, %lt3A_159 : i32
      %convert_element_type3A_161 = arith.extui %lt3A_160 : i1 to i32
      %cond3A_162 = arith.constant 0 : i32
      %cond3A_163 = arith.cmpi ne, %convert_element_type3A_161, %cond3A_162 : i32
      scf.if %cond3A_163 {
        %mul3A_246 = arith.constant 128 : i32
        %mul3A_247 = arith.muli %add3A_158, %mul3A_246 : i32
        "tpu.region"() ({
          %run_scoped3A = tpu.sem_alloc : memref<!tpu.dma_semaphore, #tpu.memory_space<semaphore_mem>>
          %dma_start3A_250 = tpu.memref_slice %arg3[%mul3A_247] : memref<800000xi32, #tpu.memory_space<hbm>> -> memref<128xi32, #tpu.memory_space<hbm>>
          %dma_start3A_251 = tpu.memref_slice %arg3[%mul3A_247] : memref<800000xi32, #tpu.memory_space<hbm>> -> memref<128xi32, #tpu.memory_space<hbm>>
          tpu.enqueue_dma source(%dma_start3A_251 : memref<128xi32, #tpu.memory_space<hbm>>) target(%arg8 : memref<128xi32, #tpu.memory_space<vmem>>) target_semaphore(%run_scoped3A : memref<!tpu.dma_semaphore, #tpu.memory_space<semaphore_mem>>)
          %dma_wait3A = tpu.memref_slice %arg3[%mul3A_247] : memref<800000xi32, #tpu.memory_space<hbm>> -> memref<128xi32, #tpu.memory_space<hbm>>
          %dma_wait3A_252 = tpu.memref_slice %arg3[%mul3A_247] : memref<800000xi32, #tpu.memory_space<hbm>> -> memref<128xi32, #tpu.memory_space<hbm>>
          tpu.wait_dma2 semaphore(%run_scoped3A : memref<!tpu.dma_semaphore, #tpu.memory_space<semaphore_mem>>) src(%dma_wait3A_252 : memref<128xi32, #tpu.memory_space<hbm>>) dst(%arg8 : memref<128xi32, #tpu.memory_space<vmem>>)
          tpu.yield
        }) : () -> ()
        %dma_start3A = arith.constant 0 : i32
        %dma_start3A_248 = arith.constant 0 : i32
        %dma_start3A_249 = tpu.memref_slice %arg2[%dma_start3A, %dma_start3A_248] : memref<50000x16xf32, #tpu.memory_space<hbm>> -> memref<50000x16xf32, #tpu.memory_space<hbm>>
        tpu.enqueue_indirect_dma source(%dma_start3A_249 : memref<50000x16xf32, #tpu.memory_space<hbm>>) target(%arg16 : memref<128x16xf32, #tpu.memory_space<vmem>>) offsets(%arg8 : memref<128xi32, #tpu.memory_space<vmem>>) semaphore(%arg24 : memref<!tpu.dma_semaphore, #tpu.memory_space<semaphore_mem>>)
      } else {
      }
      %add3A_164 = arith.constant 4 : i32
      %add3A_165 = arith.addi %mul3A_54, %add3A_164 : i32
      %mul3A_166 = arith.constant 32 : i32
      %mul3A_167 = arith.muli %add3A_165, %mul3A_166 : i32
      %add3A_168 = arith.addi %mul3A_167, %add3A : i32
      %lt3A_169 = arith.constant 6250 : i32
      %lt3A_170 = arith.cmpi slt, %add3A_168, %lt3A_169 : i32
      %convert_element_type3A_171 = arith.extui %lt3A_170 : i1 to i32
      %cond3A_172 = arith.constant 0 : i32
      %cond3A_173 = arith.cmpi ne, %convert_element_type3A_171, %cond3A_172 : i32
      scf.if %cond3A_173 {
        %mul3A_246 = arith.constant 128 : i32
        %mul3A_247 = arith.muli %add3A_168, %mul3A_246 : i32
        %dma_wait3A = arith.constant 0 : i32
        %dma_wait3A_248 = arith.constant 0 : i32
        %dma_wait3A_249 = tpu.memref_slice %arg2[%dma_wait3A, %dma_wait3A_248] : memref<50000x16xf32, #tpu.memory_space<hbm>> -> memref<50000x16xf32, #tpu.memory_space<hbm>>
        tpu.wait_indirect_dma semaphore(%arg25 : memref<!tpu.dma_semaphore, #tpu.memory_space<semaphore_mem>>) src(%dma_wait3A_249 : memref<50000x16xf32, #tpu.memory_space<hbm>>) dst(%arg17 : memref<128x16xf32, #tpu.memory_space<vmem>>)
        "tpu.region"() ({
          %run_scoped3A = tpu.sem_alloc : memref<!tpu.dma_semaphore, #tpu.memory_space<semaphore_mem>>
          %dma_start3A = arith.constant 0 : i32
          %dma_start3A_250 = tpu.memref_slice %arg4[%mul3A_247, %dma_start3A] : memref<800000x16xf32, #tpu.memory_space<hbm>> -> memref<128x16xf32, #tpu.memory_space<hbm>>
          %dma_start3A_251 = arith.constant 0 : i32
          %dma_start3A_252 = tpu.memref_slice %arg4[%mul3A_247, %dma_start3A_251] : memref<800000x16xf32, #tpu.memory_space<hbm>> -> memref<128x16xf32, #tpu.memory_space<hbm>>
          tpu.enqueue_dma source(%arg17 : memref<128x16xf32, #tpu.memory_space<vmem>>) target(%dma_start3A_252 : memref<128x16xf32, #tpu.memory_space<hbm>>) target_semaphore(%run_scoped3A : memref<!tpu.dma_semaphore, #tpu.memory_space<semaphore_mem>>)
          %dma_wait3A_253 = arith.constant 0 : i32
          %dma_wait3A_254 = tpu.memref_slice %arg4[%mul3A_247, %dma_wait3A_253] : memref<800000x16xf32, #tpu.memory_space<hbm>> -> memref<128x16xf32, #tpu.memory_space<hbm>>
          %dma_wait3A_255 = arith.constant 0 : i32
          %dma_wait3A_256 = tpu.memref_slice %arg4[%mul3A_247, %dma_wait3A_255] : memref<800000x16xf32, #tpu.memory_space<hbm>> -> memref<128x16xf32, #tpu.memory_space<hbm>>
          tpu.wait_dma2 semaphore(%run_scoped3A : memref<!tpu.dma_semaphore, #tpu.memory_space<semaphore_mem>>) src(%arg17 : memref<128x16xf32, #tpu.memory_space<vmem>>) dst(%dma_wait3A_256 : memref<128x16xf32, #tpu.memory_space<hbm>>)
          tpu.yield
        }) : () -> ()
      } else {
      }
      %add3A_174 = arith.constant 5 : i32
      %add3A_175 = arith.addi %mul3A_54, %add3A_174 : i32
      %add3A_176 = arith.constant 8 : i32
      %add3A_177 = arith.addi %add3A_175, %add3A_176 : i32
      %sub3A_178 = arith.constant 1 : i32
      %sub3A_179 = arith.subi %add3A_177, %sub3A_178 : i32
      %mul3A_180 = arith.constant 32 : i32
      %mul3A_181 = arith.muli %sub3A_179, %mul3A_180 : i32
      %add3A_182 = arith.addi %mul3A_181, %add3A : i32
      %lt3A_183 = arith.constant 6250 : i32
      %lt3A_184 = arith.cmpi slt, %add3A_182, %lt3A_183 : i32
      %convert_element_type3A_185 = arith.extui %lt3A_184 : i1 to i32
      %cond3A_186 = arith.constant 0 : i32
      %cond3A_187 = arith.cmpi ne, %convert_element_type3A_185, %cond3A_186 : i32
      scf.if %cond3A_187 {
        %mul3A_246 = arith.constant 128 : i32
        %mul3A_247 = arith.muli %add3A_182, %mul3A_246 : i32
        "tpu.region"() ({
          %run_scoped3A = tpu.sem_alloc : memref<!tpu.dma_semaphore, #tpu.memory_space<semaphore_mem>>
          %dma_start3A_250 = tpu.memref_slice %arg3[%mul3A_247] : memref<800000xi32, #tpu.memory_space<hbm>> -> memref<128xi32, #tpu.memory_space<hbm>>
          %dma_start3A_251 = tpu.memref_slice %arg3[%mul3A_247] : memref<800000xi32, #tpu.memory_space<hbm>> -> memref<128xi32, #tpu.memory_space<hbm>>
          tpu.enqueue_dma source(%dma_start3A_251 : memref<128xi32, #tpu.memory_space<hbm>>) target(%arg9 : memref<128xi32, #tpu.memory_space<vmem>>) target_semaphore(%run_scoped3A : memref<!tpu.dma_semaphore, #tpu.memory_space<semaphore_mem>>)
          %dma_wait3A = tpu.memref_slice %arg3[%mul3A_247] : memref<800000xi32, #tpu.memory_space<hbm>> -> memref<128xi32, #tpu.memory_space<hbm>>
          %dma_wait3A_252 = tpu.memref_slice %arg3[%mul3A_247] : memref<800000xi32, #tpu.memory_space<hbm>> -> memref<128xi32, #tpu.memory_space<hbm>>
          tpu.wait_dma2 semaphore(%run_scoped3A : memref<!tpu.dma_semaphore, #tpu.memory_space<semaphore_mem>>) src(%dma_wait3A_252 : memref<128xi32, #tpu.memory_space<hbm>>) dst(%arg9 : memref<128xi32, #tpu.memory_space<vmem>>)
          tpu.yield
        }) : () -> ()
        %dma_start3A = arith.constant 0 : i32
        %dma_start3A_248 = arith.constant 0 : i32
        %dma_start3A_249 = tpu.memref_slice %arg2[%dma_start3A, %dma_start3A_248] : memref<50000x16xf32, #tpu.memory_space<hbm>> -> memref<50000x16xf32, #tpu.memory_space<hbm>>
        tpu.enqueue_indirect_dma source(%dma_start3A_249 : memref<50000x16xf32, #tpu.memory_space<hbm>>) target(%arg17 : memref<128x16xf32, #tpu.memory_space<vmem>>) offsets(%arg9 : memref<128xi32, #tpu.memory_space<vmem>>) semaphore(%arg25 : memref<!tpu.dma_semaphore, #tpu.memory_space<semaphore_mem>>)
      } else {
      }
      %add3A_188 = arith.constant 5 : i32
      %add3A_189 = arith.addi %mul3A_54, %add3A_188 : i32
      %mul3A_190 = arith.constant 32 : i32
      %mul3A_191 = arith.muli %add3A_189, %mul3A_190 : i32
      %add3A_192 = arith.addi %mul3A_191, %add3A : i32
      %lt3A_193 = arith.constant 6250 : i32
      %lt3A_194 = arith.cmpi slt, %add3A_192, %lt3A_193 : i32
      %convert_element_type3A_195 = arith.extui %lt3A_194 : i1 to i32
      %cond3A_196 = arith.constant 0 : i32
      %cond3A_197 = arith.cmpi ne, %convert_element_type3A_195, %cond3A_196 : i32
      scf.if %cond3A_197 {
        %mul3A_246 = arith.constant 128 : i32
        %mul3A_247 = arith.muli %add3A_192, %mul3A_246 : i32
        %dma_wait3A = arith.constant 0 : i32
        %dma_wait3A_248 = arith.constant 0 : i32
        %dma_wait3A_249 = tpu.memref_slice %arg2[%dma_wait3A, %dma_wait3A_248] : memref<50000x16xf32, #tpu.memory_space<hbm>> -> memref<50000x16xf32, #tpu.memory_space<hbm>>
        tpu.wait_indirect_dma semaphore(%arg26 : memref<!tpu.dma_semaphore, #tpu.memory_space<semaphore_mem>>) src(%dma_wait3A_249 : memref<50000x16xf32, #tpu.memory_space<hbm>>) dst(%arg18 : memref<128x16xf32, #tpu.memory_space<vmem>>)
        "tpu.region"() ({
          %run_scoped3A = tpu.sem_alloc : memref<!tpu.dma_semaphore, #tpu.memory_space<semaphore_mem>>
          %dma_start3A = arith.constant 0 : i32
          %dma_start3A_250 = tpu.memref_slice %arg4[%mul3A_247, %dma_start3A] : memref<800000x16xf32, #tpu.memory_space<hbm>> -> memref<128x16xf32, #tpu.memory_space<hbm>>
          %dma_start3A_251 = arith.constant 0 : i32
          %dma_start3A_252 = tpu.memref_slice %arg4[%mul3A_247, %dma_start3A_251] : memref<800000x16xf32, #tpu.memory_space<hbm>> -> memref<128x16xf32, #tpu.memory_space<hbm>>
          tpu.enqueue_dma source(%arg18 : memref<128x16xf32, #tpu.memory_space<vmem>>) target(%dma_start3A_252 : memref<128x16xf32, #tpu.memory_space<hbm>>) target_semaphore(%run_scoped3A : memref<!tpu.dma_semaphore, #tpu.memory_space<semaphore_mem>>)
          %dma_wait3A_253 = arith.constant 0 : i32
          %dma_wait3A_254 = tpu.memref_slice %arg4[%mul3A_247, %dma_wait3A_253] : memref<800000x16xf32, #tpu.memory_space<hbm>> -> memref<128x16xf32, #tpu.memory_space<hbm>>
          %dma_wait3A_255 = arith.constant 0 : i32
          %dma_wait3A_256 = tpu.memref_slice %arg4[%mul3A_247, %dma_wait3A_255] : memref<800000x16xf32, #tpu.memory_space<hbm>> -> memref<128x16xf32, #tpu.memory_space<hbm>>
          tpu.wait_dma2 semaphore(%run_scoped3A : memref<!tpu.dma_semaphore, #tpu.memory_space<semaphore_mem>>) src(%arg18 : memref<128x16xf32, #tpu.memory_space<vmem>>) dst(%dma_wait3A_256 : memref<128x16xf32, #tpu.memory_space<hbm>>)
          tpu.yield
        }) : () -> ()
      } else {
      }
      %add3A_198 = arith.constant 6 : i32
      %add3A_199 = arith.addi %mul3A_54, %add3A_198 : i32
      %add3A_200 = arith.constant 8 : i32
      %add3A_201 = arith.addi %add3A_199, %add3A_200 : i32
      %sub3A_202 = arith.constant 1 : i32
      %sub3A_203 = arith.subi %add3A_201, %sub3A_202 : i32
      %mul3A_204 = arith.constant 32 : i32
      %mul3A_205 = arith.muli %sub3A_203, %mul3A_204 : i32
      %add3A_206 = arith.addi %mul3A_205, %add3A : i32
      %lt3A_207 = arith.constant 6250 : i32
      %lt3A_208 = arith.cmpi slt, %add3A_206, %lt3A_207 : i32
      %convert_element_type3A_209 = arith.extui %lt3A_208 : i1 to i32
      %cond3A_210 = arith.constant 0 : i32
      %cond3A_211 = arith.cmpi ne, %convert_element_type3A_209, %cond3A_210 : i32
      scf.if %cond3A_211 {
        %mul3A_246 = arith.constant 128 : i32
        %mul3A_247 = arith.muli %add3A_206, %mul3A_246 : i32
        "tpu.region"() ({
          %run_scoped3A = tpu.sem_alloc : memref<!tpu.dma_semaphore, #tpu.memory_space<semaphore_mem>>
          %dma_start3A_250 = tpu.memref_slice %arg3[%mul3A_247] : memref<800000xi32, #tpu.memory_space<hbm>> -> memref<128xi32, #tpu.memory_space<hbm>>
          %dma_start3A_251 = tpu.memref_slice %arg3[%mul3A_247] : memref<800000xi32, #tpu.memory_space<hbm>> -> memref<128xi32, #tpu.memory_space<hbm>>
          tpu.enqueue_dma source(%dma_start3A_251 : memref<128xi32, #tpu.memory_space<hbm>>) target(%arg10 : memref<128xi32, #tpu.memory_space<vmem>>) target_semaphore(%run_scoped3A : memref<!tpu.dma_semaphore, #tpu.memory_space<semaphore_mem>>)
          %dma_wait3A = tpu.memref_slice %arg3[%mul3A_247] : memref<800000xi32, #tpu.memory_space<hbm>> -> memref<128xi32, #tpu.memory_space<hbm>>
          %dma_wait3A_252 = tpu.memref_slice %arg3[%mul3A_247] : memref<800000xi32, #tpu.memory_space<hbm>> -> memref<128xi32, #tpu.memory_space<hbm>>
          tpu.wait_dma2 semaphore(%run_scoped3A : memref<!tpu.dma_semaphore, #tpu.memory_space<semaphore_mem>>) src(%dma_wait3A_252 : memref<128xi32, #tpu.memory_space<hbm>>) dst(%arg10 : memref<128xi32, #tpu.memory_space<vmem>>)
          tpu.yield
        }) : () -> ()
        %dma_start3A = arith.constant 0 : i32
        %dma_start3A_248 = arith.constant 0 : i32
        %dma_start3A_249 = tpu.memref_slice %arg2[%dma_start3A, %dma_start3A_248] : memref<50000x16xf32, #tpu.memory_space<hbm>> -> memref<50000x16xf32, #tpu.memory_space<hbm>>
        tpu.enqueue_indirect_dma source(%dma_start3A_249 : memref<50000x16xf32, #tpu.memory_space<hbm>>) target(%arg18 : memref<128x16xf32, #tpu.memory_space<vmem>>) offsets(%arg10 : memref<128xi32, #tpu.memory_space<vmem>>) semaphore(%arg26 : memref<!tpu.dma_semaphore, #tpu.memory_space<semaphore_mem>>)
      } else {
      }
      %add3A_212 = arith.constant 6 : i32
      %add3A_213 = arith.addi %mul3A_54, %add3A_212 : i32
      %mul3A_214 = arith.constant 32 : i32
      %mul3A_215 = arith.muli %add3A_213, %mul3A_214 : i32
      %add3A_216 = arith.addi %mul3A_215, %add3A : i32
      %lt3A_217 = arith.constant 6250 : i32
      %lt3A_218 = arith.cmpi slt, %add3A_216, %lt3A_217 : i32
      %convert_element_type3A_219 = arith.extui %lt3A_218 : i1 to i32
      %cond3A_220 = arith.constant 0 : i32
      %cond3A_221 = arith.cmpi ne, %convert_element_type3A_219, %cond3A_220 : i32
      scf.if %cond3A_221 {
        %mul3A_246 = arith.constant 128 : i32
        %mul3A_247 = arith.muli %add3A_216, %mul3A_246 : i32
        %dma_wait3A = arith.constant 0 : i32
        %dma_wait3A_248 = arith.constant 0 : i32
        %dma_wait3A_249 = tpu.memref_slice %arg2[%dma_wait3A, %dma_wait3A_248] : memref<50000x16xf32, #tpu.memory_space<hbm>> -> memref<50000x16xf32, #tpu.memory_space<hbm>>
        tpu.wait_indirect_dma semaphore(%arg27 : memref<!tpu.dma_semaphore, #tpu.memory_space<semaphore_mem>>) src(%dma_wait3A_249 : memref<50000x16xf32, #tpu.memory_space<hbm>>) dst(%arg19 : memref<128x16xf32, #tpu.memory_space<vmem>>)
        "tpu.region"() ({
          %run_scoped3A = tpu.sem_alloc : memref<!tpu.dma_semaphore, #tpu.memory_space<semaphore_mem>>
          %dma_start3A = arith.constant 0 : i32
          %dma_start3A_250 = tpu.memref_slice %arg4[%mul3A_247, %dma_start3A] : memref<800000x16xf32, #tpu.memory_space<hbm>> -> memref<128x16xf32, #tpu.memory_space<hbm>>
          %dma_start3A_251 = arith.constant 0 : i32
          %dma_start3A_252 = tpu.memref_slice %arg4[%mul3A_247, %dma_start3A_251] : memref<800000x16xf32, #tpu.memory_space<hbm>> -> memref<128x16xf32, #tpu.memory_space<hbm>>
          tpu.enqueue_dma source(%arg19 : memref<128x16xf32, #tpu.memory_space<vmem>>) target(%dma_start3A_252 : memref<128x16xf32, #tpu.memory_space<hbm>>) target_semaphore(%run_scoped3A : memref<!tpu.dma_semaphore, #tpu.memory_space<semaphore_mem>>)
          %dma_wait3A_253 = arith.constant 0 : i32
          %dma_wait3A_254 = tpu.memref_slice %arg4[%mul3A_247, %dma_wait3A_253] : memref<800000x16xf32, #tpu.memory_space<hbm>> -> memref<128x16xf32, #tpu.memory_space<hbm>>
          %dma_wait3A_255 = arith.constant 0 : i32
          %dma_wait3A_256 = tpu.memref_slice %arg4[%mul3A_247, %dma_wait3A_255] : memref<800000x16xf32, #tpu.memory_space<hbm>> -> memref<128x16xf32, #tpu.memory_space<hbm>>
          tpu.wait_dma2 semaphore(%run_scoped3A : memref<!tpu.dma_semaphore, #tpu.memory_space<semaphore_mem>>) src(%arg19 : memref<128x16xf32, #tpu.memory_space<vmem>>) dst(%dma_wait3A_256 : memref<128x16xf32, #tpu.memory_space<hbm>>)
          tpu.yield
        }) : () -> ()
      } else {
      }
      %add3A_222 = arith.constant 7 : i32
      %add3A_223 = arith.addi %mul3A_54, %add3A_222 : i32
      %add3A_224 = arith.constant 8 : i32
      %add3A_225 = arith.addi %add3A_223, %add3A_224 : i32
      %sub3A_226 = arith.constant 1 : i32
      %sub3A_227 = arith.subi %add3A_225, %sub3A_226 : i32
      %mul3A_228 = arith.constant 32 : i32
      %mul3A_229 = arith.muli %sub3A_227, %mul3A_228 : i32
      %add3A_230 = arith.addi %mul3A_229, %add3A : i32
      %lt3A_231 = arith.constant 6250 : i32
      %lt3A_232 = arith.cmpi slt, %add3A_230, %lt3A_231 : i32
      %convert_element_type3A_233 = arith.extui %lt3A_232 : i1 to i32
      %cond3A_234 = arith.constant 0 : i32
      %cond3A_235 = arith.cmpi ne, %convert_element_type3A_233, %cond3A_234 : i32
      scf.if %cond3A_235 {
        %mul3A_246 = arith.constant 128 : i32
        %mul3A_247 = arith.muli %add3A_230, %mul3A_246 : i32
        "tpu.region"() ({
          %run_scoped3A = tpu.sem_alloc : memref<!tpu.dma_semaphore, #tpu.memory_space<semaphore_mem>>
          %dma_start3A_250 = tpu.memref_slice %arg3[%mul3A_247] : memref<800000xi32, #tpu.memory_space<hbm>> -> memref<128xi32, #tpu.memory_space<hbm>>
          %dma_start3A_251 = tpu.memref_slice %arg3[%mul3A_247] : memref<800000xi32, #tpu.memory_space<hbm>> -> memref<128xi32, #tpu.memory_space<hbm>>
          tpu.enqueue_dma source(%dma_start3A_251 : memref<128xi32, #tpu.memory_space<hbm>>) target(%arg11 : memref<128xi32, #tpu.memory_space<vmem>>) target_semaphore(%run_scoped3A : memref<!tpu.dma_semaphore, #tpu.memory_space<semaphore_mem>>)
          %dma_wait3A = tpu.memref_slice %arg3[%mul3A_247] : memref<800000xi32, #tpu.memory_space<hbm>> -> memref<128xi32, #tpu.memory_space<hbm>>
          %dma_wait3A_252 = tpu.memref_slice %arg3[%mul3A_247] : memref<800000xi32, #tpu.memory_space<hbm>> -> memref<128xi32, #tpu.memory_space<hbm>>
          tpu.wait_dma2 semaphore(%run_scoped3A : memref<!tpu.dma_semaphore, #tpu.memory_space<semaphore_mem>>) src(%dma_wait3A_252 : memref<128xi32, #tpu.memory_space<hbm>>) dst(%arg11 : memref<128xi32, #tpu.memory_space<vmem>>)
          tpu.yield
        }) : () -> ()
        %dma_start3A = arith.constant 0 : i32
        %dma_start3A_248 = arith.constant 0 : i32
        %dma_start3A_249 = tpu.memref_slice %arg2[%dma_start3A, %dma_start3A_248] : memref<50000x16xf32, #tpu.memory_space<hbm>> -> memref<50000x16xf32, #tpu.memory_space<hbm>>
        tpu.enqueue_indirect_dma source(%dma_start3A_249 : memref<50000x16xf32, #tpu.memory_space<hbm>>) target(%arg19 : memref<128x16xf32, #tpu.memory_space<vmem>>) offsets(%arg11 : memref<128xi32, #tpu.memory_space<vmem>>) semaphore(%arg27 : memref<!tpu.dma_semaphore, #tpu.memory_space<semaphore_mem>>)
      } else {
      }
      %add3A_236 = arith.constant 7 : i32
      %add3A_237 = arith.addi %mul3A_54, %add3A_236 : i32
      %mul3A_238 = arith.constant 32 : i32
      %mul3A_239 = arith.muli %add3A_237, %mul3A_238 : i32
      %add3A_240 = arith.addi %mul3A_239, %add3A : i32
      %lt3A_241 = arith.constant 6250 : i32
      %lt3A_242 = arith.cmpi slt, %add3A_240, %lt3A_241 : i32
      %convert_element_type3A_243 = arith.extui %lt3A_242 : i1 to i32
      %cond3A_244 = arith.constant 0 : i32
      %cond3A_245 = arith.cmpi ne, %convert_element_type3A_243, %cond3A_244 : i32
      scf.if %cond3A_245 {
        %mul3A_246 = arith.constant 128 : i32
        %mul3A_247 = arith.muli %add3A_240, %mul3A_246 : i32
        %dma_wait3A = arith.constant 0 : i32
        %dma_wait3A_248 = arith.constant 0 : i32
        %dma_wait3A_249 = tpu.memref_slice %arg2[%dma_wait3A, %dma_wait3A_248] : memref<50000x16xf32, #tpu.memory_space<hbm>> -> memref<50000x16xf32, #tpu.memory_space<hbm>>
        tpu.wait_indirect_dma semaphore(%arg28 : memref<!tpu.dma_semaphore, #tpu.memory_space<semaphore_mem>>) src(%dma_wait3A_249 : memref<50000x16xf32, #tpu.memory_space<hbm>>) dst(%arg20 : memref<128x16xf32, #tpu.memory_space<vmem>>)
        "tpu.region"() ({
          %run_scoped3A = tpu.sem_alloc : memref<!tpu.dma_semaphore, #tpu.memory_space<semaphore_mem>>
          %dma_start3A = arith.constant 0 : i32
          %dma_start3A_250 = tpu.memref_slice %arg4[%mul3A_247, %dma_start3A] : memref<800000x16xf32, #tpu.memory_space<hbm>> -> memref<128x16xf32, #tpu.memory_space<hbm>>
          %dma_start3A_251 = arith.constant 0 : i32
          %dma_start3A_252 = tpu.memref_slice %arg4[%mul3A_247, %dma_start3A_251] : memref<800000x16xf32, #tpu.memory_space<hbm>> -> memref<128x16xf32, #tpu.memory_space<hbm>>
          tpu.enqueue_dma source(%arg20 : memref<128x16xf32, #tpu.memory_space<vmem>>) target(%dma_start3A_252 : memref<128x16xf32, #tpu.memory_space<hbm>>) target_semaphore(%run_scoped3A : memref<!tpu.dma_semaphore, #tpu.memory_space<semaphore_mem>>)
          %dma_wait3A_253 = arith.constant 0 : i32
          %dma_wait3A_254 = tpu.memref_slice %arg4[%mul3A_247, %dma_wait3A_253] : memref<800000x16xf32, #tpu.memory_space<hbm>> -> memref<128x16xf32, #tpu.memory_space<hbm>>
          %dma_wait3A_255 = arith.constant 0 : i32
          %dma_wait3A_256 = tpu.memref_slice %arg4[%mul3A_247, %dma_wait3A_255] : memref<800000x16xf32, #tpu.memory_space<hbm>> -> memref<128x16xf32, #tpu.memory_space<hbm>>
          tpu.wait_dma2 semaphore(%run_scoped3A : memref<!tpu.dma_semaphore, #tpu.memory_space<semaphore_mem>>) src(%arg20 : memref<128x16xf32, #tpu.memory_space<vmem>>) dst(%dma_wait3A_256 : memref<128x16xf32, #tpu.memory_space<hbm>>)
          tpu.yield
        }) : () -> ()
      } else {
      }
    }
    %scan3A_51 = arith.constant 25 : i32
    return
  }
}

module attributes {stable_mosaic.version = 14 : i64} {
  func.func @body(%arg0: i32, %arg1: memref<1000x128xf32, #tpu.memory_space<vmem>>, %arg2: memref<128x128xf32, #tpu.memory_space<vmem>>, %arg3: memref<1000x128xf32, #tpu.memory_space<vmem>>, %arg4: memref<2x128xf32, #tpu.memory_space<vmem>>, %arg5: memref<2x128xf32, #tpu.memory_space<vmem>>) attributes {dimension_semantics = [#tpu.dimension_semantics<arbitrary>], iteration_bounds = array<i64: 25>, scalar_prefetch = 0 : i64, scratch_operands = 1 : i64, tpu.core_type = #tpu.core_type<tc>, window_params = [{transform_indices = @transform_0, window_bounds = array<i64: 1000, 128>}, {pipeline_mode = #tpu.pipeline_mode<synchronous>, transform_indices = @transform_1, window_bounds = array<i64: 128, 128>}, {transform_indices = @transform_2, window_bounds = array<i64: 1000, 128>}, {pipeline_mode = #tpu.pipeline_mode<synchronous>, transform_indices = @transform_3, window_bounds = array<i64: 2, 128>}]} {
    %get3A = arith.constant 0 : index
    %get3A_0 = arith.constant 0 : index
    %get3A_1 = vector.load %arg1[%get3A, %get3A_0] : memref<1000x128xf32, #tpu.memory_space<vmem>>, vector<1000x128xf32>
    %get3A_2 = arith.constant 0 : index
    %get3A_3 = arith.constant 0 : index
    %get3A_4 = vector.load %arg2[%get3A_2, %get3A_3] : memref<128x128xf32, #tpu.memory_space<vmem>>, vector<128x128xf32>
    %dot_general3A = arith.constant dense<0.000000e+00> : vector<1000x128xf32>
    %dot_general3A_5 = tpu.matmul %get3A_1, %get3A_4, %dot_general3A {dimension_numbers = #tpu.dot_dimension_numbers<[1], [0], [0], [1], [0, 0, 1, 1], [], []>, transpose_lhs_hint = false} : vector<1000x128xf32>, vector<128x128xf32>, vector<1000x128xf32> -> vector<1000x128xf32>
    %swap3A = arith.constant 0 : index
    %swap3A_6 = arith.constant 0 : index
    %swap3A_7 = vector.load %arg3[%swap3A, %swap3A_6] : memref<1000x128xf32, #tpu.memory_space<vmem>>, vector<1000x128xf32>
    tpu.vector_store %arg3[%swap3A, %swap3A_6], %dot_general3A_5 {strides = array<i32>} : memref<1000x128xf32, #tpu.memory_space<vmem>>, vector<1000x128xf32>,
    %reduce_sum3A = arith.constant dense<0.000000e+00> : vector<128xf32>
    %reduce_sum3A_8 = vector.multi_reduction <add>, %dot_general3A_5, %reduce_sum3A [0] : vector<1000x128xf32> to vector<128xf32>
    %broadcast_in_dim3A = vector.shape_cast %reduce_sum3A_8 : vector<128xf32> to vector<1x128xf32>
    %mul3A = arith.mulf %dot_general3A_5, %dot_general3A_5 : vector<1000x128xf32>
    %reduce_sum3A_9 = arith.constant dense<0.000000e+00> : vector<128xf32>
    %reduce_sum3A_10 = vector.multi_reduction <add>, %mul3A, %reduce_sum3A_9 [0] : vector<1000x128xf32> to vector<128xf32>
    %broadcast_in_dim3A_11 = vector.shape_cast %reduce_sum3A_10 : vector<128xf32> to vector<1x128xf32>
    %eq3A = arith.constant 0 : i32
    %eq3A_12 = arith.cmpi eq, %arg0, %eq3A : i32
    %convert_element_type3A = arith.extui %eq3A_12 : i1 to i32
    %cond3A = arith.constant 0 : i32
    %cond3A_13 = arith.cmpi ne, %convert_element_type3A, %cond3A : i32
    scf.if %cond3A_13 {
      %broadcast_in_dim3A_32 = arith.constant 0.000000e+00 : f32
      %broadcast_in_dim3A_33 = vector.broadcast %broadcast_in_dim3A_32 : f32 to vector<2x128xf32>
      %swap3A_34 = arith.constant 0 : index
      %swap3A_35 = arith.constant 0 : index
      %swap3A_36 = vector.load %arg5[%swap3A_34, %swap3A_35] : memref<2x128xf32, #tpu.memory_space<vmem>>, vector<2x128xf32>
      tpu.vector_store %arg5[%swap3A_34, %swap3A_35], %broadcast_in_dim3A_33 {strides = array<i32>} : memref<2x128xf32, #tpu.memory_space<vmem>>, vector<2x128xf32>,
    } else {
    }
    %get3A_14 = arith.constant 0 : index
    %get3A_15 = arith.constant 0 : index
    %get3A_16 = vector.load %arg5[%get3A_14, %get3A_15] : memref<2x128xf32, #tpu.memory_space<vmem>>, vector<1x128xf32>
    %add3A = arith.addf %get3A_16, %broadcast_in_dim3A : vector<1x128xf32>
    %swap3A_17 = arith.constant 0 : index
    %swap3A_18 = arith.constant 0 : index
    %swap3A_19 = vector.load %arg5[%swap3A_17, %swap3A_18] : memref<2x128xf32, #tpu.memory_space<vmem>>, vector<1x128xf32>
    tpu.vector_store %arg5[%swap3A_17, %swap3A_18], %add3A {strides = array<i32>} : memref<2x128xf32, #tpu.memory_space<vmem>>, vector<1x128xf32>,
    %get3A_20 = arith.constant 1 : index
    %get3A_21 = arith.constant 0 : index
    %get3A_22 = vector.load %arg5[%get3A_20, %get3A_21] : memref<2x128xf32, #tpu.memory_space<vmem>>, vector<1x128xf32>
    %add3A_23 = arith.addf %get3A_22, %broadcast_in_dim3A_11 : vector<1x128xf32>
    %swap3A_24 = arith.constant 1 : index
    %swap3A_25 = arith.constant 0 : index
    %swap3A_26 = vector.load %arg5[%swap3A_24, %swap3A_25] : memref<2x128xf32, #tpu.memory_space<vmem>>, vector<1x128xf32>
    tpu.vector_store %arg5[%swap3A_24, %swap3A_25], %add3A_23 {strides = array<i32>} : memref<2x128xf32, #tpu.memory_space<vmem>>, vector<1x128xf32>,
    %eq3A_27 = arith.constant 24 : i32
    %eq3A_28 = arith.cmpi eq, %arg0, %eq3A_27 : i32
    %convert_element_type3A_29 = arith.extui %eq3A_28 : i1 to i32
    %cond3A_30 = arith.constant 0 : i32
    %cond3A_31 = arith.cmpi ne, %convert_element_type3A_29, %cond3A_30 : i32
    scf.if %cond3A_31 {
      %get3A_32 = arith.constant 0 : index
      %get3A_33 = arith.constant 0 : index
      %get3A_34 = vector.load %arg5[%get3A_32, %get3A_33] : memref<2x128xf32, #tpu.memory_space<vmem>>, vector<2x128xf32>
      %swap3A_35 = arith.constant 0 : index
      %swap3A_36 = arith.constant 0 : index
      %swap3A_37 = vector.load %arg4[%swap3A_35, %swap3A_36] : memref<2x128xf32, #tpu.memory_space<vmem>>, vector<2x128xf32>
      tpu.vector_store %arg4[%swap3A_35, %swap3A_36], %get3A_34 {strides = array<i32>} : memref<2x128xf32, #tpu.memory_space<vmem>>, vector<2x128xf32>,
    } else {
    }
    return
  }
  func.func @transform_0(%arg0: i32) -> (i32, i32) {
    %c0_i32 = arith.constant 0 : i32
    %c0_i32_0 = arith.constant 0 : i32
    return %arg0, %c0_i32 : i32, i32
  }
  func.func @transform_1(%arg0: i32) -> (i32, i32) {
    %c0_i32 = arith.constant 0 : i32
    %c0_i32_0 = arith.constant 0 : i32
    %c0_i32_1 = arith.constant 0 : i32
    return %c0_i32, %c0_i32_0 : i32, i32
  }
  func.func @transform_2(%arg0: i32) -> (i32, i32) {
    %c0_i32 = arith.constant 0 : i32
    %c0_i32_0 = arith.constant 0 : i32
    return %arg0, %c0_i32 : i32, i32
  }
  func.func @transform_3(%arg0: i32) -> (i32, i32) {
    %c0_i32 = arith.constant 0 : i32
    %c0_i32_0 = arith.constant 0 : i32
    %c0_i32_1 = arith.constant 0 : i32
    return %c0_i32, %c0_i32_0 : i32, i32
  }
}

module attributes {stable_mosaic.version = 14 : i64} {
  func.func @body(%arg0: i32, %arg1: memref<4000x128xf32, #tpu.memory_space<vmem>>, %arg2: memref<128x32xf32, #tpu.memory_space<vmem>>, %arg3: memref<2x32xf32, #tpu.memory_space<vmem>>, %arg4: memref<2x32xf32, #tpu.memory_space<vmem>>) attributes {dimension_semantics = [#tpu.dimension_semantics<arbitrary>], iteration_bounds = array<i64: 25>, scalar_prefetch = 0 : i64, scratch_operands = 1 : i64, tpu.core_type = #tpu.core_type<tc>, window_params = [{transform_indices = @transform_0, window_bounds = array<i64: 4000, 128>}, {pipeline_mode = #tpu.pipeline_mode<synchronous>, transform_indices = @transform_1, window_bounds = array<i64: 128, 32>}, {pipeline_mode = #tpu.pipeline_mode<synchronous>, transform_indices = @transform_2, window_bounds = array<i64: 2, 32>}]} {
    %get3A = arith.constant 0 : index
    %get3A_0 = arith.constant 0 : index
    %get3A_1 = vector.load %arg1[%get3A, %get3A_0] : memref<4000x128xf32, #tpu.memory_space<vmem>>, vector<4000x128xf32>
    %get3A_2 = arith.constant 0 : index
    %get3A_3 = arith.constant 0 : index
    %get3A_4 = vector.load %arg2[%get3A_2, %get3A_3] : memref<128x32xf32, #tpu.memory_space<vmem>>, vector<128x32xf32>
    %dot_general3A = arith.constant dense<0.000000e+00> : vector<4000x32xf32>
    %dot_general3A_5 = tpu.matmul %get3A_1, %get3A_4, %dot_general3A {dimension_numbers = #tpu.dot_dimension_numbers<[1], [0], [0], [1], [0, 0, 1, 1], [], []>, transpose_lhs_hint = false} : vector<4000x128xf32>, vector<128x32xf32>, vector<4000x32xf32> -> vector<4000x32xf32>
    %reduce_sum3A = arith.constant dense<0.000000e+00> : vector<32xf32>
    %reduce_sum3A_6 = vector.multi_reduction <add>, %dot_general3A_5, %reduce_sum3A [0] : vector<4000x32xf32> to vector<32xf32>
    %broadcast_in_dim3A = vector.shape_cast %reduce_sum3A_6 : vector<32xf32> to vector<1x32xf32>
    %mul3A = arith.mulf %dot_general3A_5, %dot_general3A_5 : vector<4000x32xf32>
    %reduce_sum3A_7 = arith.constant dense<0.000000e+00> : vector<32xf32>
    %reduce_sum3A_8 = vector.multi_reduction <add>, %mul3A, %reduce_sum3A_7 [0] : vector<4000x32xf32> to vector<32xf32>
    %broadcast_in_dim3A_9 = vector.shape_cast %reduce_sum3A_8 : vector<32xf32> to vector<1x32xf32>
    %eq3A = arith.constant 0 : i32
    %eq3A_10 = arith.cmpi eq, %arg0, %eq3A : i32
    %convert_element_type3A = arith.extui %eq3A_10 : i1 to i32
    %cond3A = arith.constant 0 : i32
    %cond3A_11 = arith.cmpi ne, %convert_element_type3A, %cond3A : i32
    scf.if %cond3A_11 {
      %broadcast_in_dim3A_29 = arith.constant 0.000000e+00 : f32
      %broadcast_in_dim3A_30 = vector.broadcast %broadcast_in_dim3A_29 : f32 to vector<2x32xf32>
      %swap3A_31 = arith.constant 0 : index
      %swap3A_32 = arith.constant 0 : index
      %swap3A_33 = vector.load %arg4[%swap3A_31, %swap3A_32] : memref<2x32xf32, #tpu.memory_space<vmem>>, vector<2x32xf32>
      tpu.vector_store %arg4[%swap3A_31, %swap3A_32], %broadcast_in_dim3A_30 {strides = array<i32>} : memref<2x32xf32, #tpu.memory_space<vmem>>, vector<2x32xf32>,
    } else {
    }
    %get3A_12 = arith.constant 0 : index
    %get3A_13 = arith.constant 0 : index
    %get3A_14 = vector.load %arg4[%get3A_12, %get3A_13] : memref<2x32xf32, #tpu.memory_space<vmem>>, vector<1x32xf32>
    %add3A = arith.addf %get3A_14, %broadcast_in_dim3A : vector<1x32xf32>
    %swap3A = arith.constant 0 : index
    %swap3A_15 = arith.constant 0 : index
    %swap3A_16 = vector.load %arg4[%swap3A, %swap3A_15] : memref<2x32xf32, #tpu.memory_space<vmem>>, vector<1x32xf32>
    tpu.vector_store %arg4[%swap3A, %swap3A_15], %add3A {strides = array<i32>} : memref<2x32xf32, #tpu.memory_space<vmem>>, vector<1x32xf32>,
    %get3A_17 = arith.constant 1 : index
    %get3A_18 = arith.constant 0 : index
    %get3A_19 = vector.load %arg4[%get3A_17, %get3A_18] : memref<2x32xf32, #tpu.memory_space<vmem>>, vector<1x32xf32>
    %add3A_20 = arith.addf %get3A_19, %broadcast_in_dim3A_9 : vector<1x32xf32>
    %swap3A_21 = arith.constant 1 : index
    %swap3A_22 = arith.constant 0 : index
    %swap3A_23 = vector.load %arg4[%swap3A_21, %swap3A_22] : memref<2x32xf32, #tpu.memory_space<vmem>>, vector<1x32xf32>
    tpu.vector_store %arg4[%swap3A_21, %swap3A_22], %add3A_20 {strides = array<i32>} : memref<2x32xf32, #tpu.memory_space<vmem>>, vector<1x32xf32>,
    %eq3A_24 = arith.constant 24 : i32
    %eq3A_25 = arith.cmpi eq, %arg0, %eq3A_24 : i32
    %convert_element_type3A_26 = arith.extui %eq3A_25 : i1 to i32
    %cond3A_27 = arith.constant 0 : i32
    %cond3A_28 = arith.cmpi ne, %convert_element_type3A_26, %cond3A_27 : i32
    scf.if %cond3A_28 {
      %get3A_29 = arith.constant 0 : index
      %get3A_30 = arith.constant 0 : index
      %get3A_31 = vector.load %arg4[%get3A_29, %get3A_30] : memref<2x32xf32, #tpu.memory_space<vmem>>, vector<2x32xf32>
      %swap3A_32 = arith.constant 0 : index
      %swap3A_33 = arith.constant 0 : index
      %swap3A_34 = vector.load %arg3[%swap3A_32, %swap3A_33] : memref<2x32xf32, #tpu.memory_space<vmem>>, vector<2x32xf32>
      tpu.vector_store %arg3[%swap3A_32, %swap3A_33], %get3A_31 {strides = array<i32>} : memref<2x32xf32, #tpu.memory_space<vmem>>, vector<2x32xf32>,
    } else {
    }
    return
  }
  func.func @transform_0(%arg0: i32) -> (i32, i32) {
    %c0_i32 = arith.constant 0 : i32
    %c0_i32_0 = arith.constant 0 : i32
    return %arg0, %c0_i32 : i32, i32
  }
  func.func @transform_1(%arg0: i32) -> (i32, i32) {
    %c0_i32 = arith.constant 0 : i32
    %c0_i32_0 = arith.constant 0 : i32
    %c0_i32_1 = arith.constant 0 : i32
    return %c0_i32, %c0_i32_0 : i32, i32
  }
  func.func @transform_2(%arg0: i32) -> (i32, i32) {
    %c0_i32 = arith.constant 0 : i32
    %c0_i32_0 = arith.constant 0 : i32
    %c0_i32_1 = arith.constant 0 : i32
    return %c0_i32, %c0_i32_0 : i32, i32
  }
}

module attributes {stable_mosaic.version = 14 : i64} {
  func.func @body(%arg0: i32, %arg1: memref<16x200x128xf32, #tpu.memory_space<vmem>>, %arg2: memref<16x200x32xf32, #tpu.memory_space<vmem>>, %arg3: memref<200x128xf32, #tpu.memory_space<vmem>>, %arg4: memref<128x128xf32, #tpu.memory_space<vmem>>, %arg5: memref<128x128xf32, #tpu.memory_space<vmem>>, %arg6: memref<32x8xf32, #tpu.memory_space<vmem>>, %arg7: memref<8x128xf32, #tpu.memory_space<vmem>>, %arg8: memref<8x128xf32, #tpu.memory_space<vmem>>, %arg9: memref<2x8xf32, #tpu.memory_space<vmem>>, %arg10: memref<128x128xf32, #tpu.memory_space<vmem>>, %arg11: memref<16x200x128xbf16, #tpu.memory_space<vmem>>, %arg12: memref<16x200x128xbf16, #tpu.memory_space<vmem>>, %arg13: memref<2x128xf32, #tpu.memory_space<vmem>>, %arg14: memref<2x128xf32, #tpu.memory_space<vmem>>) attributes {dimension_semantics = [#tpu.dimension_semantics<arbitrary>], iteration_bounds = array<i64: 125>, scalar_prefetch = 0 : i64, scratch_operands = 1 : i64, tpu.core_type = #tpu.core_type<tc>, window_params = [{transform_indices = @transform_0, window_bounds = array<i64: 16, 200, 128>}, {transform_indices = @transform_1, window_bounds = array<i64: 16, 200, 32>}, {transform_indices = @transform_2, window_bounds = array<i64: 200, 128>}, {pipeline_mode = #tpu.pipeline_mode<synchronous>, transform_indices = @transform_3, window_bounds = array<i64: 128, 128>}, {pipeline_mode = #tpu.pipeline_mode<synchronous>, transform_indices = @transform_4, window_bounds = array<i64: 128, 128>}, {pipeline_mode = #tpu.pipeline_mode<synchronous>, transform_indices = @transform_5, window_bounds = array<i64: 32, 8>}, {pipeline_mode = #tpu.pipeline_mode<synchronous>, transform_indices = @transform_6, window_bounds = array<i64: 8, 128>}, {pipeline_mode = #tpu.pipeline_mode<synchronous>, transform_indices = @transform_7, window_bounds = array<i64: 8, 128>}, {pipeline_mode = #tpu.pipeline_mode<synchronous>, transform_indices = @transform_8, window_bounds = array<i64: 2, 8>}, {pipeline_mode = #tpu.pipeline_mode<synchronous>, transform_indices = @transform_9, window_bounds = array<i64: 128, 128>}, {transform_indices = @transform_10, window_bounds = array<i64: 16, 200, 128>}, {transform_indices = @transform_11, window_bounds = array<i64: 16, 200, 128>}, {pipeline_mode = #tpu.pipeline_mode<synchronous>, transform_indices = @transform_12, window_bounds = array<i64: 2, 128>}]} {
    %get3A = arith.constant 0 : index
    %get3A_0 = arith.constant 0 : index
    %get3A_1 = vector.load %arg8[%get3A, %get3A_0] : memref<8x128xf32, #tpu.memory_space<vmem>>, vector<1x128xf32>
    %get3A_2 = arith.constant 1 : index
    %get3A_3 = arith.constant 0 : index
    %get3A_4 = vector.load %arg8[%get3A_2, %get3A_3] : memref<8x128xf32, #tpu.memory_space<vmem>>, vector<1x128xf32>
    %get3A_5 = arith.constant 2 : index
    %get3A_6 = arith.constant 0 : index
    %get3A_7 = vector.load %arg8[%get3A_5, %get3A_6] : memref<8x128xf32, #tpu.memory_space<vmem>>, vector<1x128xf32>
    %get3A_8 = arith.constant 3 : index
    %get3A_9 = arith.constant 0 : index
    %get3A_10 = vector.load %arg8[%get3A_8, %get3A_9] : memref<8x128xf32, #tpu.memory_space<vmem>>, vector<1x128xf32>
    %get3A_11 = arith.constant 4 : index
    %get3A_12 = arith.constant 0 : index
    %get3A_13 = vector.load %arg8[%get3A_11, %get3A_12] : memref<8x128xf32, #tpu.memory_space<vmem>>, vector<1x128xf32>
    %get3A_14 = arith.constant 0 : index
    %get3A_15 = arith.constant 0 : index
    %get3A_16 = vector.load %arg9[%get3A_14, %get3A_15] : memref<2x8xf32, #tpu.memory_space<vmem>>, vector<1x8xf32>
    %get3A_17 = arith.constant 1 : index
    %get3A_18 = arith.constant 0 : index
    %get3A_19 = vector.load %arg9[%get3A_17, %get3A_18] : memref<2x8xf32, #tpu.memory_space<vmem>>, vector<1x8xf32>
    %get3A_20 = arith.constant 0 : index
    %get3A_21 = arith.constant 0 : index
    %get3A_22 = vector.load %arg3[%get3A_20, %get3A_21] : memref<200x128xf32, #tpu.memory_space<vmem>>, vector<200x128xf32>
    %mul3A = vector.broadcast %get3A_1 : vector<1x128xf32> to vector<200x128xf32>
    %mul3A_23 = arith.mulf %get3A_22, %mul3A : vector<200x128xf32>
    %add3A = vector.broadcast %get3A_4 : vector<1x128xf32> to vector<200x128xf32>
    %add3A_24 = arith.addf %mul3A_23, %add3A : vector<200x128xf32>
    %max3A = arith.constant 0.000000e+00 : f32
    %max3A_25 = vector.broadcast %max3A : f32 to vector<200x128xf32>
    %max3A_26 = arith.maximumf %add3A_24, %max3A_25 : vector<200x128xf32>
    %get3A_27 = arith.constant 0 : index
    %get3A_28 = arith.constant 0 : index
    %get3A_29 = vector.load %arg4[%get3A_27, %get3A_28] : memref<128x128xf32, #tpu.memory_space<vmem>>, vector<128x128xf32>
    %dot_general3A = arith.constant dense<0.000000e+00> : vector<200x128xf32>
    %dot_general3A_30 = tpu.matmul %max3A_26, %get3A_29, %dot_general3A {dimension_numbers = #tpu.dot_dimension_numbers<[1], [0], [0], [1], [0, 0, 1, 1], [], []>, transpose_lhs_hint = false} : vector<200x128xf32>, vector<128x128xf32>, vector<200x128xf32> -> vector<200x128xf32>
    %add3A_31 = vector.broadcast %get3A_7 : vector<1x128xf32> to vector<200x128xf32>
    %add3A_32 = arith.addf %dot_general3A_30, %add3A_31 : vector<200x128xf32>
    %broadcast_in_dim3A = vector.shape_cast %add3A_32 : vector<200x128xf32> to vector<1x200x128xf32>
    %broadcast_in_dim3A_33 = vector.shape_cast %broadcast_in_dim3A : vector<1x200x128xf32> to vector<1x200x128xf32>
    %broadcast_in_dim3A_34 = vector.broadcast %broadcast_in_dim3A_33 : vector<1x200x128xf32> to vector<16x200x128xf32>
    %reshape3A = vector.shape_cast %broadcast_in_dim3A_34 : vector<16x200x128xf32> to vector<3200x128xf32>
    %get3A_35 = arith.constant 0 : index
    %get3A_36 = arith.constant 0 : index
    %get3A_37 = arith.constant 0 : index
    %get3A_38 = vector.load %arg1[%get3A_35, %get3A_36, %get3A_37] : memref<16x200x128xf32, #tpu.memory_space<vmem>>, vector<16x200x128xf32>
    %broadcast_in_dim3A_39 = vector.shape_cast %get3A_1 : vector<1x128xf32> to vector<1x1x128xf32>
    %mul3A_40 = vector.broadcast %broadcast_in_dim3A_39 : vector<1x1x128xf32> to vector<16x200x128xf32>
    %mul3A_41 = arith.mulf %get3A_38, %mul3A_40 : vector<16x200x128xf32>
    %broadcast_in_dim3A_42 = vector.shape_cast %get3A_4 : vector<1x128xf32> to vector<1x1x128xf32>
    %add3A_43 = vector.broadcast %broadcast_in_dim3A_42 : vector<1x1x128xf32> to vector<16x200x128xf32>
    %add3A_44 = arith.addf %mul3A_41, %add3A_43 : vector<16x200x128xf32>
    %max3A_45 = arith.constant 0.000000e+00 : f32
    %max3A_46 = vector.broadcast %max3A_45 : f32 to vector<16x200x128xf32>
    %max3A_47 = arith.maximumf %add3A_44, %max3A_46 : vector<16x200x128xf32>
    %reshape3A_48 = vector.shape_cast %max3A_47 : vector<16x200x128xf32> to vector<3200x128xf32>
    %get3A_49 = arith.constant 0 : index
    %get3A_50 = arith.constant 0 : index
    %get3A_51 = vector.load %arg5[%get3A_49, %get3A_50] : memref<128x128xf32, #tpu.memory_space<vmem>>, vector<128x128xf32>
    %dot_general3A_52 = arith.constant dense<0.000000e+00> : vector<3200x128xf32>
    %dot_general3A_53 = tpu.matmul %reshape3A_48, %get3A_51, %dot_general3A_52 {dimension_numbers = #tpu.dot_dimension_numbers<[1], [0], [0], [1], [0, 0, 1, 1], [], []>, transpose_lhs_hint = false} : vector<3200x128xf32>, vector<128x128xf32>, vector<3200x128xf32> -> vector<3200x128xf32>
    %add3A_54 = vector.broadcast %get3A_10 : vector<1x128xf32> to vector<3200x128xf32>
    %add3A_55 = arith.addf %dot_general3A_53, %add3A_54 : vector<3200x128xf32>
    %get3A_56 = arith.constant 0 : index
    %get3A_57 = arith.constant 0 : index
    %get3A_58 = arith.constant 0 : index
    %get3A_59 = vector.load %arg2[%get3A_56, %get3A_57, %get3A_58] : memref<16x200x32xf32, #tpu.memory_space<vmem>>, vector<16x200x32xf32>
    %reshape3A_60 = vector.shape_cast %get3A_59 : vector<16x200x32xf32> to vector<3200x32xf32>
    %get3A_61 = arith.constant 0 : index
    %get3A_62 = arith.constant 0 : index
    %get3A_63 = vector.load %arg6[%get3A_61, %get3A_62] : memref<32x8xf32, #tpu.memory_space<vmem>>, vector<32x8xf32>
    %dot_general3A_64 = arith.constant dense<0.000000e+00> : vector<3200x8xf32>
    %dot_general3A_65 = tpu.matmul %reshape3A_60, %get3A_63, %dot_general3A_64 {dimension_numbers = #tpu.dot_dimension_numbers<[1], [0], [0], [1], [0, 0, 1, 1], [], []>, transpose_lhs_hint = false} : vector<3200x32xf32>, vector<32x8xf32>, vector<3200x8xf32> -> vector<3200x8xf32>
    %mul3A_66 = vector.broadcast %get3A_16 : vector<1x8xf32> to vector<3200x8xf32>
    %mul3A_67 = arith.mulf %dot_general3A_65, %mul3A_66 : vector<3200x8xf32>
    %add3A_68 = vector.broadcast %get3A_19 : vector<1x8xf32> to vector<3200x8xf32>
    %add3A_69 = arith.addf %mul3A_67, %add3A_68 : vector<3200x8xf32>
    %max3A_70 = arith.constant 0.000000e+00 : f32
    %max3A_71 = vector.broadcast %max3A_70 : f32 to vector<3200x8xf32>
    %max3A_72 = arith.maximumf %add3A_69, %max3A_71 : vector<3200x8xf32>
    %get3A_73 = arith.constant 0 : index
    %get3A_74 = arith.constant 0 : index
    %get3A_75 = vector.load %arg7[%get3A_73, %get3A_74] : memref<8x128xf32, #tpu.memory_space<vmem>>, vector<8x128xf32>
    %dot_general3A_76 = arith.constant dense<0.000000e+00> : vector<3200x128xf32>
    %dot_general3A_77 = tpu.matmul %max3A_72, %get3A_75, %dot_general3A_76 {dimension_numbers = #tpu.dot_dimension_numbers<[1], [0], [0], [1], [0, 0, 1, 1], [], []>, transpose_lhs_hint = false} : vector<3200x8xf32>, vector<8x128xf32>, vector<3200x128xf32> -> vector<3200x128xf32>
    %add3A_78 = vector.broadcast %get3A_13 : vector<1x128xf32> to vector<3200x128xf32>
    %add3A_79 = arith.addf %dot_general3A_77, %add3A_78 : vector<3200x128xf32>
    %sub3A = arith.subf %add3A_55, %reshape3A : vector<3200x128xf32>
    %add3A_80 = arith.addf %sub3A, %add3A_79 : vector<3200x128xf32>
    %get3A_81 = arith.constant 5 : index
    %get3A_82 = arith.constant 0 : index
    %get3A_83 = vector.load %arg8[%get3A_81, %get3A_82] : memref<8x128xf32, #tpu.memory_space<vmem>>, vector<1x128xf32>
    %get3A_84 = arith.constant 0 : index
    %get3A_85 = arith.constant 0 : index
    %get3A_86 = vector.load %arg10[%get3A_84, %get3A_85] : memref<128x128xf32, #tpu.memory_space<vmem>>, vector<128x128xf32>
    %dot_general3A_87 = arith.constant dense<0.000000e+00> : vector<3200x128xf32>
    %dot_general3A_88 = tpu.matmul %reshape3A_48, %get3A_86, %dot_general3A_87 {dimension_numbers = #tpu.dot_dimension_numbers<[1], [0], [0], [1], [0, 0, 1, 1], [], []>, transpose_lhs_hint = false} : vector<3200x128xf32>, vector<128x128xf32>, vector<3200x128xf32> -> vector<3200x128xf32>
    %add3A_89 = vector.broadcast %get3A_83 : vector<1x128xf32> to vector<3200x128xf32>
    %add3A_90 = arith.addf %dot_general3A_88, %add3A_89 : vector<3200x128xf32>
    %reshape3A_91 = vector.shape_cast %add3A_80 : vector<3200x128xf32> to vector<16x200x128xf32>
    %convert_element_type3A = arith.truncf %reshape3A_91 : vector<16x200x128xf32> to vector<16x200x128xbf16>
    %swap3A = arith.constant 0 : index
    %swap3A_92 = arith.constant 0 : index
    %swap3A_93 = arith.constant 0 : index
    %swap3A_94 = vector.load %arg11[%swap3A, %swap3A_92, %swap3A_93] : memref<16x200x128xbf16, #tpu.memory_space<vmem>>, vector<16x200x128xbf16>
    tpu.vector_store %arg11[%swap3A, %swap3A_92, %swap3A_93], %convert_element_type3A {strides = array<i32>} : memref<16x200x128xbf16, #tpu.memory_space<vmem>>, vector<16x200x128xbf16>,
    %add3A_95 = arith.addf %add3A_90, %add3A_79 : vector<3200x128xf32>
    %reshape3A_96 = vector.shape_cast %add3A_95 : vector<3200x128xf32> to vector<16x200x128xf32>
    %convert_element_type3A_97 = arith.truncf %reshape3A_96 : vector<16x200x128xf32> to vector<16x200x128xbf16>
    %swap3A_98 = arith.constant 0 : index
    %swap3A_99 = arith.constant 0 : index
    %swap3A_100 = arith.constant 0 : index
    %swap3A_101 = vector.load %arg12[%swap3A_98, %swap3A_99, %swap3A_100] : memref<16x200x128xbf16, #tpu.memory_space<vmem>>, vector<16x200x128xbf16>
    tpu.vector_store %arg12[%swap3A_98, %swap3A_99, %swap3A_100], %convert_element_type3A_97 {strides = array<i32>} : memref<16x200x128xbf16, #tpu.memory_space<vmem>>, vector<16x200x128xbf16>,
    %reduce_sum3A = arith.constant dense<0.000000e+00> : vector<128xf32>
    %reduce_sum3A_102 = vector.multi_reduction <add>, %add3A_80, %reduce_sum3A [0] : vector<3200x128xf32> to vector<128xf32>
    %broadcast_in_dim3A_103 = vector.shape_cast %reduce_sum3A_102 : vector<128xf32> to vector<1x128xf32>
    %mul3A_104 = arith.mulf %add3A_80, %add3A_80 : vector<3200x128xf32>
    %reduce_sum3A_105 = arith.constant dense<0.000000e+00> : vector<128xf32>
    %reduce_sum3A_106 = vector.multi_reduction <add>, %mul3A_104, %reduce_sum3A_105 [0] : vector<3200x128xf32> to vector<128xf32>
    %broadcast_in_dim3A_107 = vector.shape_cast %reduce_sum3A_106 : vector<128xf32> to vector<1x128xf32>
    %eq3A = arith.constant 0 : i32
    %eq3A_108 = arith.cmpi eq, %arg0, %eq3A : i32
    %convert_element_type3A_109 = arith.extui %eq3A_108 : i1 to i32
    %cond3A = arith.constant 0 : i32
    %cond3A_110 = arith.cmpi ne, %convert_element_type3A_109, %cond3A : i32
    scf.if %cond3A_110 {
      %broadcast_in_dim3A_130 = arith.constant 0.000000e+00 : f32
      %broadcast_in_dim3A_131 = vector.broadcast %broadcast_in_dim3A_130 : f32 to vector<2x128xf32>
      %swap3A_132 = arith.constant 0 : index
      %swap3A_133 = arith.constant 0 : index
      %swap3A_134 = vector.load %arg14[%swap3A_132, %swap3A_133] : memref<2x128xf32, #tpu.memory_space<vmem>>, vector<2x128xf32>
      tpu.vector_store %arg14[%swap3A_132, %swap3A_133], %broadcast_in_dim3A_131 {strides = array<i32>} : memref<2x128xf32, #tpu.memory_space<vmem>>, vector<2x128xf32>,
    } else {
    }
    %get3A_111 = arith.constant 0 : index
    %get3A_112 = arith.constant 0 : index
    %get3A_113 = vector.load %arg14[%get3A_111, %get3A_112] : memref<2x128xf32, #tpu.memory_space<vmem>>, vector<1x128xf32>
    %add3A_114 = arith.addf %get3A_113, %broadcast_in_dim3A_103 : vector<1x128xf32>
    %swap3A_115 = arith.constant 0 : index
    %swap3A_116 = arith.constant 0 : index
    %swap3A_117 = vector.load %arg14[%swap3A_115, %swap3A_116] : memref<2x128xf32, #tpu.memory_space<vmem>>, vector<1x128xf32>
    tpu.vector_store %arg14[%swap3A_115, %swap3A_116], %add3A_114 {strides = array<i32>} : memref<2x128xf32, #tpu.memory_space<vmem>>, vector<1x128xf32>,
    %get3A_118 = arith.constant 1 : index
    %get3A_119 = arith.constant 0 : index
    %get3A_120 = vector.load %arg14[%get3A_118, %get3A_119] : memref<2x128xf32, #tpu.memory_space<vmem>>, vector<1x128xf32>
    %add3A_121 = arith.addf %get3A_120, %broadcast_in_dim3A_107 : vector<1x128xf32>
    %swap3A_122 = arith.constant 1 : index
    %swap3A_123 = arith.constant 0 : index
    %swap3A_124 = vector.load %arg14[%swap3A_122, %swap3A_123] : memref<2x128xf32, #tpu.memory_space<vmem>>, vector<1x128xf32>
    tpu.vector_store %arg14[%swap3A_122, %swap3A_123], %add3A_121 {strides = array<i32>} : memref<2x128xf32, #tpu.memory_space<vmem>>, vector<1x128xf32>,
    %eq3A_125 = arith.constant 124 : i32
    %eq3A_126 = arith.cmpi eq, %arg0, %eq3A_125 : i32
    %convert_element_type3A_127 = arith.extui %eq3A_126 : i1 to i32
    %cond3A_128 = arith.constant 0 : i32
    %cond3A_129 = arith.cmpi ne, %convert_element_type3A_127, %cond3A_128 : i32
    scf.if %cond3A_129 {
      %get3A_130 = arith.constant 0 : index
      %get3A_131 = arith.constant 0 : index
      %get3A_132 = vector.load %arg14[%get3A_130, %get3A_131] : memref<2x128xf32, #tpu.memory_space<vmem>>, vector<2x128xf32>
      %swap3A_133 = arith.constant 0 : index
      %swap3A_134 = arith.constant 0 : index
      %swap3A_135 = vector.load %arg13[%swap3A_133, %swap3A_134] : memref<2x128xf32, #tpu.memory_space<vmem>>, vector<2x128xf32>
      tpu.vector_store %arg13[%swap3A_133, %swap3A_134], %get3A_132 {strides = array<i32>} : memref<2x128xf32, #tpu.memory_space<vmem>>, vector<2x128xf32>,
    } else {
    }
    return
  }
  func.func @transform_0(%arg0: i32) -> (i32, i32, i32) {
    %c0_i32 = arith.constant 0 : i32
    %c0_i32_0 = arith.constant 0 : i32
    %c0_i32_1 = arith.constant 0 : i32
    return %c0_i32, %arg0, %c0_i32_0 : i32, i32, i32
  }
  func.func @transform_1(%arg0: i32) -> (i32, i32, i32) {
    %c0_i32 = arith.constant 0 : i32
    %c0_i32_0 = arith.constant 0 : i32
    %c0_i32_1 = arith.constant 0 : i32
    return %c0_i32, %arg0, %c0_i32_0 : i32, i32, i32
  }
  func.func @transform_2(%arg0: i32) -> (i32, i32) {
    %c0_i32 = arith.constant 0 : i32
    %c0_i32_0 = arith.constant 0 : i32
    return %arg0, %c0_i32 : i32, i32
  }
  func.func @transform_3(%arg0: i32) -> (i32, i32) {
    %c0_i32 = arith.constant 0 : i32
    %c0_i32_0 = arith.constant 0 : i32
    %c0_i32_1 = arith.constant 0 : i32
    return %c0_i32, %c0_i32_0 : i32, i32
  }
  func.func @transform_4(%arg0: i32) -> (i32, i32) {
    %c0_i32 = arith.constant 0 : i32
    %c0_i32_0 = arith.constant 0 : i32
    %c0_i32_1 = arith.constant 0 : i32
    return %c0_i32, %c0_i32_0 : i32, i32
  }
  func.func @transform_5(%arg0: i32) -> (i32, i32) {
    %c0_i32 = arith.constant 0 : i32
    %c0_i32_0 = arith.constant 0 : i32
    %c0_i32_1 = arith.constant 0 : i32
    return %c0_i32, %c0_i32_0 : i32, i32
  }
  func.func @transform_6(%arg0: i32) -> (i32, i32) {
    %c0_i32 = arith.constant 0 : i32
    %c0_i32_0 = arith.constant 0 : i32
    %c0_i32_1 = arith.constant 0 : i32
    return %c0_i32, %c0_i32_0 : i32, i32
  }
  func.func @transform_7(%arg0: i32) -> (i32, i32) {
    %c0_i32 = arith.constant 0 : i32
    %c0_i32_0 = arith.constant 0 : i32
    %c0_i32_1 = arith.constant 0 : i32
    return %c0_i32, %c0_i32_0 : i32, i32
  }
  func.func @transform_8(%arg0: i32) -> (i32, i32) {
    %c0_i32 = arith.constant 0 : i32
    %c0_i32_0 = arith.constant 0 : i32
    %c0_i32_1 = arith.constant 0 : i32
    return %c0_i32, %c0_i32_0 : i32, i32
  }
  func.func @transform_9(%arg0: i32) -> (i32, i32) {
    %c0_i32 = arith.constant 0 : i32
    %c0_i32_0 = arith.constant 0 : i32
    %c0_i32_1 = arith.constant 0 : i32
    return %c0_i32, %c0_i32_0 : i32, i32
  }
  func.func @transform_10(%arg0: i32) -> (i32, i32, i32) {
    %c0_i32 = arith.constant 0 : i32
    %c0_i32_0 = arith.constant 0 : i32
    %c0_i32_1 = arith.constant 0 : i32
    return %c0_i32, %arg0, %c0_i32_0 : i32, i32, i32
  }
  func.func @transform_11(%arg0: i32) -> (i32, i32, i32) {
    %c0_i32 = arith.constant 0 : i32
    %c0_i32_0 = arith.constant 0 : i32
    %c0_i32_1 = arith.constant 0 : i32
    return %c0_i32, %arg0, %c0_i32_0 : i32, i32, i32
  }
  func.func @transform_12(%arg0: i32) -> (i32, i32) {
    %c0_i32 = arith.constant 0 : i32
    %c0_i32_0 = arith.constant 0 : i32
    %c0_i32_1 = arith.constant 0 : i32
    return %c0_i32, %c0_i32_0 : i32, i32
  }
}

module attributes {stable_mosaic.version = 14 : i64} {
  func.func @body(%arg0: i32, %arg1: memref<16x200x128xbf16, #tpu.memory_space<vmem>>, %arg2: memref<128x16xf32, #tpu.memory_space<vmem>>, %arg3: memref<2x128xf32, #tpu.memory_space<vmem>>, %arg4: memref<2x16xf32, #tpu.memory_space<vmem>>, %arg5: memref<2x16xf32, #tpu.memory_space<vmem>>) attributes {dimension_semantics = [#tpu.dimension_semantics<arbitrary>], iteration_bounds = array<i64: 125>, scalar_prefetch = 0 : i64, scratch_operands = 1 : i64, tpu.core_type = #tpu.core_type<tc>, window_params = [{transform_indices = @transform_0, window_bounds = array<i64: 16, 200, 128>}, {pipeline_mode = #tpu.pipeline_mode<synchronous>, transform_indices = @transform_1, window_bounds = array<i64: 128, 16>}, {pipeline_mode = #tpu.pipeline_mode<synchronous>, transform_indices = @transform_2, window_bounds = array<i64: 2, 128>}, {pipeline_mode = #tpu.pipeline_mode<synchronous>, transform_indices = @transform_3, window_bounds = array<i64: 2, 16>}]} {
    %get3A = arith.constant 0 : index
    %get3A_0 = arith.constant 0 : index
    %get3A_1 = arith.constant 0 : index
    %get3A_2 = vector.load %arg1[%get3A, %get3A_0, %get3A_1] : memref<16x200x128xbf16, #tpu.memory_space<vmem>>, vector<16x200x128xbf16>
    %reshape3A = vector.shape_cast %get3A_2 : vector<16x200x128xbf16> to vector<3200x128xbf16>
    %convert_element_type3A = arith.extf %reshape3A : vector<3200x128xbf16> to vector<3200x128xf32>
    %get3A_3 = arith.constant 0 : index
    %get3A_4 = arith.constant 0 : index
    %get3A_5 = vector.load %arg3[%get3A_3, %get3A_4] : memref<2x128xf32, #tpu.memory_space<vmem>>, vector<1x128xf32>
    %mul3A = vector.broadcast %get3A_5 : vector<1x128xf32> to vector<3200x128xf32>
    %mul3A_6 = arith.mulf %convert_element_type3A, %mul3A : vector<3200x128xf32>
    %get3A_7 = arith.constant 1 : index
    %get3A_8 = arith.constant 0 : index
    %get3A_9 = vector.load %arg3[%get3A_7, %get3A_8] : memref<2x128xf32, #tpu.memory_space<vmem>>, vector<1x128xf32>
    %add3A = vector.broadcast %get3A_9 : vector<1x128xf32> to vector<3200x128xf32>
    %add3A_10 = arith.addf %mul3A_6, %add3A : vector<3200x128xf32>
    %mul3A_11 = arith.constant 2.000000e-01 : f32
    %mul3A_12 = vector.broadcast %mul3A_11 : f32 to vector<3200x128xf32>
    %mul3A_13 = arith.mulf %mul3A_12, %add3A_10 : vector<3200x128xf32>
    %max3A = arith.maximumf %add3A_10, %mul3A_13 : vector<3200x128xf32>
    %get3A_14 = arith.constant 0 : index
    %get3A_15 = arith.constant 0 : index
    %get3A_16 = vector.load %arg2[%get3A_14, %get3A_15] : memref<128x16xf32, #tpu.memory_space<vmem>>, vector<128x16xf32>
    %dot_general3A = arith.constant dense<0.000000e+00> : vector<3200x16xf32>
    %dot_general3A_17 = tpu.matmul %max3A, %get3A_16, %dot_general3A {dimension_numbers = #tpu.dot_dimension_numbers<[1], [0], [0], [1], [0, 0, 1, 1], [], []>, transpose_lhs_hint = false} : vector<3200x128xf32>, vector<128x16xf32>, vector<3200x16xf32> -> vector<3200x16xf32>
    %reduce_sum3A = arith.constant dense<0.000000e+00> : vector<16xf32>
    %reduce_sum3A_18 = vector.multi_reduction <add>, %dot_general3A_17, %reduce_sum3A [0] : vector<3200x16xf32> to vector<16xf32>
    %broadcast_in_dim3A = vector.shape_cast %reduce_sum3A_18 : vector<16xf32> to vector<1x16xf32>
    %mul3A_19 = arith.mulf %dot_general3A_17, %dot_general3A_17 : vector<3200x16xf32>
    %reduce_sum3A_20 = arith.constant dense<0.000000e+00> : vector<16xf32>
    %reduce_sum3A_21 = vector.multi_reduction <add>, %mul3A_19, %reduce_sum3A_20 [0] : vector<3200x16xf32> to vector<16xf32>
    %broadcast_in_dim3A_22 = vector.shape_cast %reduce_sum3A_21 : vector<16xf32> to vector<1x16xf32>
    %eq3A = arith.constant 0 : i32
    %eq3A_23 = arith.cmpi eq, %arg0, %eq3A : i32
    %convert_element_type3A_24 = arith.extui %eq3A_23 : i1 to i32
    %cond3A = arith.constant 0 : i32
    %cond3A_25 = arith.cmpi ne, %convert_element_type3A_24, %cond3A : i32
    scf.if %cond3A_25 {
      %broadcast_in_dim3A_44 = arith.constant 0.000000e+00 : f32
      %broadcast_in_dim3A_45 = vector.broadcast %broadcast_in_dim3A_44 : f32 to vector<2x16xf32>
      %swap3A_46 = arith.constant 0 : index
      %swap3A_47 = arith.constant 0 : index
      %swap3A_48 = vector.load %arg5[%swap3A_46, %swap3A_47] : memref<2x16xf32, #tpu.memory_space<vmem>>, vector<2x16xf32>
      tpu.vector_store %arg5[%swap3A_46, %swap3A_47], %broadcast_in_dim3A_45 {strides = array<i32>} : memref<2x16xf32, #tpu.memory_space<vmem>>, vector<2x16xf32>,
    } else {
    }
    %get3A_26 = arith.constant 0 : index
    %get3A_27 = arith.constant 0 : index
    %get3A_28 = vector.load %arg5[%get3A_26, %get3A_27] : memref<2x16xf32, #tpu.memory_space<vmem>>, vector<1x16xf32>
    %add3A_29 = arith.addf %get3A_28, %broadcast_in_dim3A : vector<1x16xf32>
    %swap3A = arith.constant 0 : index
    %swap3A_30 = arith.constant 0 : index
    %swap3A_31 = vector.load %arg5[%swap3A, %swap3A_30] : memref<2x16xf32, #tpu.memory_space<vmem>>, vector<1x16xf32>
    tpu.vector_store %arg5[%swap3A, %swap3A_30], %add3A_29 {strides = array<i32>} : memref<2x16xf32, #tpu.memory_space<vmem>>, vector<1x16xf32>,
    %get3A_32 = arith.constant 1 : index
    %get3A_33 = arith.constant 0 : index
    %get3A_34 = vector.load %arg5[%get3A_32, %get3A_33] : memref<2x16xf32, #tpu.memory_space<vmem>>, vector<1x16xf32>
    %add3A_35 = arith.addf %get3A_34, %broadcast_in_dim3A_22 : vector<1x16xf32>
    %swap3A_36 = arith.constant 1 : index
    %swap3A_37 = arith.constant 0 : index
    %swap3A_38 = vector.load %arg5[%swap3A_36, %swap3A_37] : memref<2x16xf32, #tpu.memory_space<vmem>>, vector<1x16xf32>
    tpu.vector_store %arg5[%swap3A_36, %swap3A_37], %add3A_35 {strides = array<i32>} : memref<2x16xf32, #tpu.memory_space<vmem>>, vector<1x16xf32>,
    %eq3A_39 = arith.constant 124 : i32
    %eq3A_40 = arith.cmpi eq, %arg0, %eq3A_39 : i32
    %convert_element_type3A_41 = arith.extui %eq3A_40 : i1 to i32
    %cond3A_42 = arith.constant 0 : i32
    %cond3A_43 = arith.cmpi ne, %convert_element_type3A_41, %cond3A_42 : i32
    scf.if %cond3A_43 {
      %get3A_44 = arith.constant 0 : index
      %get3A_45 = arith.constant 0 : index
      %get3A_46 = vector.load %arg5[%get3A_44, %get3A_45] : memref<2x16xf32, #tpu.memory_space<vmem>>, vector<2x16xf32>
      %swap3A_47 = arith.constant 0 : index
      %swap3A_48 = arith.constant 0 : index
      %swap3A_49 = vector.load %arg4[%swap3A_47, %swap3A_48] : memref<2x16xf32, #tpu.memory_space<vmem>>, vector<2x16xf32>
      tpu.vector_store %arg4[%swap3A_47, %swap3A_48], %get3A_46 {strides = array<i32>} : memref<2x16xf32, #tpu.memory_space<vmem>>, vector<2x16xf32>,
    } else {
    }
    return
  }
  func.func @transform_0(%arg0: i32) -> (i32, i32, i32) {
    %c0_i32 = arith.constant 0 : i32
    %c0_i32_0 = arith.constant 0 : i32
    %c0_i32_1 = arith.constant 0 : i32
    return %c0_i32, %arg0, %c0_i32_0 : i32, i32, i32
  }
  func.func @transform_1(%arg0: i32) -> (i32, i32) {
    %c0_i32 = arith.constant 0 : i32
    %c0_i32_0 = arith.constant 0 : i32
    %c0_i32_1 = arith.constant 0 : i32
    return %c0_i32, %c0_i32_0 : i32, i32
  }
  func.func @transform_2(%arg0: i32) -> (i32, i32) {
    %c0_i32 = arith.constant 0 : i32
    %c0_i32_0 = arith.constant 0 : i32
    %c0_i32_1 = arith.constant 0 : i32
    return %c0_i32, %c0_i32_0 : i32, i32
  }
  func.func @transform_3(%arg0: i32) -> (i32, i32) {
    %c0_i32 = arith.constant 0 : i32
    %c0_i32_0 = arith.constant 0 : i32
    %c0_i32_1 = arith.constant 0 : i32
    return %c0_i32, %c0_i32_0 : i32, i32
  }
}

module attributes {stable_mosaic.version = 14 : i64} {
  func.func @body(%arg0: i32, %arg1: memref<16x200x128xbf16, #tpu.memory_space<vmem>>, %arg2: memref<16x200x128xbf16, #tpu.memory_space<vmem>>, %arg3: memref<128x16xf32, #tpu.memory_space<vmem>>, %arg4: memref<2x128xf32, #tpu.memory_space<vmem>>, %arg5: memref<16x16xf32, #tpu.memory_space<vmem>>, %arg6: memref<4x16xf32, #tpu.memory_space<vmem>>, %arg7: memref<16x128xf32, #tpu.memory_space<vmem>>, %arg8: memref<200x128xf32, #tpu.memory_space<vmem>>, %arg9: memref<2x128xf32, #tpu.memory_space<vmem>>, %arg10: memref<2x128xf32, #tpu.memory_space<vmem>>) attributes {dimension_semantics = [#tpu.dimension_semantics<arbitrary>], iteration_bounds = array<i64: 125>, scalar_prefetch = 0 : i64, scratch_operands = 1 : i64, tpu.core_type = #tpu.core_type<tc>, window_params = [{transform_indices = @transform_0, window_bounds = array<i64: 16, 200, 128>}, {transform_indices = @transform_1, window_bounds = array<i64: 16, 200, 128>}, {pipeline_mode = #tpu.pipeline_mode<synchronous>, transform_indices = @transform_2, window_bounds = array<i64: 128, 16>}, {pipeline_mode = #tpu.pipeline_mode<synchronous>, transform_indices = @transform_3, window_bounds = array<i64: 2, 128>}, {pipeline_mode = #tpu.pipeline_mode<synchronous>, transform_indices = @transform_4, window_bounds = array<i64: 16, 16>}, {pipeline_mode = #tpu.pipeline_mode<synchronous>, transform_indices = @transform_5, window_bounds = array<i64: 4, 16>}, {pipeline_mode = #tpu.pipeline_mode<synchronous>, transform_indices = @transform_6, window_bounds = array<i64: 16, 128>}, {transform_indices = @transform_7, window_bounds = array<i64: 200, 128>}, {pipeline_mode = #tpu.pipeline_mode<synchronous>, transform_indices = @transform_8, window_bounds = array<i64: 2, 128>}]} {
    %get3A = arith.constant 0 : index
    %get3A_0 = arith.constant 0 : index
    %get3A_1 = arith.constant 0 : index
    %get3A_2 = vector.load %arg1[%get3A, %get3A_0, %get3A_1] : memref<16x200x128xbf16, #tpu.memory_space<vmem>>, vector<16x200x128xbf16>
    %reshape3A = vector.shape_cast %get3A_2 : vector<16x200x128xbf16> to vector<3200x128xbf16>
    %convert_element_type3A = arith.extf %reshape3A : vector<3200x128xbf16> to vector<3200x128xf32>
    %get3A_3 = arith.constant 0 : index
    %get3A_4 = arith.constant 0 : index
    %get3A_5 = vector.load %arg4[%get3A_3, %get3A_4] : memref<2x128xf32, #tpu.memory_space<vmem>>, vector<1x128xf32>
    %mul3A = vector.broadcast %get3A_5 : vector<1x128xf32> to vector<3200x128xf32>
    %mul3A_6 = arith.mulf %convert_element_type3A, %mul3A : vector<3200x128xf32>
    %get3A_7 = arith.constant 1 : index
    %get3A_8 = arith.constant 0 : index
    %get3A_9 = vector.load %arg4[%get3A_7, %get3A_8] : memref<2x128xf32, #tpu.memory_space<vmem>>, vector<1x128xf32>
    %add3A = vector.broadcast %get3A_9 : vector<1x128xf32> to vector<3200x128xf32>
    %add3A_10 = arith.addf %mul3A_6, %add3A : vector<3200x128xf32>
    %mul3A_11 = arith.constant 2.000000e-01 : f32
    %mul3A_12 = vector.broadcast %mul3A_11 : f32 to vector<3200x128xf32>
    %mul3A_13 = arith.mulf %mul3A_12, %add3A_10 : vector<3200x128xf32>
    %max3A = arith.maximumf %add3A_10, %mul3A_13 : vector<3200x128xf32>
    %get3A_14 = arith.constant 0 : index
    %get3A_15 = arith.constant 0 : index
    %get3A_16 = vector.load %arg3[%get3A_14, %get3A_15] : memref<128x16xf32, #tpu.memory_space<vmem>>, vector<128x16xf32>
    %dot_general3A = arith.constant dense<0.000000e+00> : vector<3200x16xf32>
    %dot_general3A_17 = tpu.matmul %max3A, %get3A_16, %dot_general3A {dimension_numbers = #tpu.dot_dimension_numbers<[1], [0], [0], [1], [0, 0, 1, 1], [], []>, transpose_lhs_hint = false} : vector<3200x128xf32>, vector<128x16xf32>, vector<3200x16xf32> -> vector<3200x16xf32>
    %get3A_18 = arith.constant 0 : index
    %get3A_19 = arith.constant 0 : index
    %get3A_20 = vector.load %arg6[%get3A_18, %get3A_19] : memref<4x16xf32, #tpu.memory_space<vmem>>, vector<1x16xf32>
    %mul3A_21 = vector.broadcast %get3A_20 : vector<1x16xf32> to vector<3200x16xf32>
    %mul3A_22 = arith.mulf %dot_general3A_17, %mul3A_21 : vector<3200x16xf32>
    %get3A_23 = arith.constant 1 : index
    %get3A_24 = arith.constant 0 : index
    %get3A_25 = vector.load %arg6[%get3A_23, %get3A_24] : memref<4x16xf32, #tpu.memory_space<vmem>>, vector<1x16xf32>
    %add3A_26 = vector.broadcast %get3A_25 : vector<1x16xf32> to vector<3200x16xf32>
    %add3A_27 = arith.addf %mul3A_22, %add3A_26 : vector<3200x16xf32>
    %max3A_28 = arith.constant 0.000000e+00 : f32
    %max3A_29 = vector.broadcast %max3A_28 : f32 to vector<3200x16xf32>
    %max3A_30 = arith.maximumf %add3A_27, %max3A_29 : vector<3200x16xf32>
    %get3A_31 = arith.constant 0 : index
    %get3A_32 = arith.constant 0 : index
    %get3A_33 = vector.load %arg5[%get3A_31, %get3A_32] : memref<16x16xf32, #tpu.memory_space<vmem>>, vector<16x16xf32>
    %dot_general3A_34 = arith.constant dense<0.000000e+00> : vector<3200x16xf32>
    %dot_general3A_35 = tpu.matmul %max3A_30, %get3A_33, %dot_general3A_34 {dimension_numbers = #tpu.dot_dimension_numbers<[1], [0], [0], [1], [0, 0, 1, 1], [], []>, transpose_lhs_hint = false} : vector<3200x16xf32>, vector<16x16xf32>, vector<3200x16xf32> -> vector<3200x16xf32>
    %get3A_36 = arith.constant 2 : index
    %get3A_37 = arith.constant 0 : index
    %get3A_38 = vector.load %arg6[%get3A_36, %get3A_37] : memref<4x16xf32, #tpu.memory_space<vmem>>, vector<1x16xf32>
    %add3A_39 = vector.broadcast %get3A_38 : vector<1x16xf32> to vector<3200x16xf32>
    %add3A_40 = arith.addf %dot_general3A_35, %add3A_39 : vector<3200x16xf32>
    %exp3A = math.exp %add3A_40 : vector<3200x16xf32>
    %get3A_41 = arith.constant 0 : index
    %get3A_42 = arith.constant 0 : index
    %get3A_43 = vector.load %arg7[%get3A_41, %get3A_42] : memref<16x128xf32, #tpu.memory_space<vmem>>, vector<16x128xf32>
    %dot_general3A_44 = arith.constant dense<0.000000e+00> : vector<3200x128xf32>
    %dot_general3A_45 = tpu.matmul %exp3A, %get3A_43, %dot_general3A_44 {dimension_numbers = #tpu.dot_dimension_numbers<[1], [0], [0], [1], [0, 0, 1, 1], [], []>, precision = #tpu.contract_precision<fp32>, transpose_lhs_hint = false} : vector<3200x16xf32>, vector<16x128xf32>, vector<3200x128xf32> -> vector<3200x128xf32>
    %get3A_46 = arith.constant 0 : index
    %get3A_47 = arith.constant 0 : index
    %get3A_48 = arith.constant 0 : index
    %get3A_49 = vector.load %arg2[%get3A_46, %get3A_47, %get3A_48] : memref<16x200x128xbf16, #tpu.memory_space<vmem>>, vector<16x200x128xbf16>
    %reshape3A_50 = vector.shape_cast %get3A_49 : vector<16x200x128xbf16> to vector<3200x128xbf16>
    %convert_element_type3A_51 = arith.extf %reshape3A_50 : vector<3200x128xbf16> to vector<3200x128xf32>
    %mul3A_52 = arith.mulf %convert_element_type3A_51, %dot_general3A_45 : vector<3200x128xf32>
    %reshape3A_53 = vector.shape_cast %mul3A_52 : vector<3200x128xf32> to vector<16x200x128xf32>
    %reduce_sum3A = arith.constant dense<0.000000e+00> : vector<200x128xf32>
    %reduce_sum3A_54 = vector.multi_reduction <add>, %reshape3A_53, %reduce_sum3A [0] : vector<16x200x128xf32> to vector<200x128xf32>
    %reshape3A_55 = vector.shape_cast %dot_general3A_45 : vector<3200x128xf32> to vector<16x200x128xf32>
    %reduce_sum3A_56 = arith.constant dense<0.000000e+00> : vector<200x128xf32>
    %reduce_sum3A_57 = vector.multi_reduction <add>, %reshape3A_55, %reduce_sum3A_56 [0] : vector<16x200x128xf32> to vector<200x128xf32>
    %div3A = arith.divf %reduce_sum3A_54, %reduce_sum3A_57 : vector<200x128xf32>
    %swap3A = arith.constant 0 : index
    %swap3A_58 = arith.constant 0 : index
    %swap3A_59 = vector.load %arg8[%swap3A, %swap3A_58] : memref<200x128xf32, #tpu.memory_space<vmem>>, vector<200x128xf32>
    tpu.vector_store %arg8[%swap3A, %swap3A_58], %div3A {strides = array<i32>} : memref<200x128xf32, #tpu.memory_space<vmem>>, vector<200x128xf32>,
    %reduce_sum3A_60 = arith.constant dense<0.000000e+00> : vector<128xf32>
    %reduce_sum3A_61 = vector.multi_reduction <add>, %div3A, %reduce_sum3A_60 [0] : vector<200x128xf32> to vector<128xf32>
    %broadcast_in_dim3A = vector.shape_cast %reduce_sum3A_61 : vector<128xf32> to vector<1x128xf32>
    %mul3A_62 = arith.mulf %div3A, %div3A : vector<200x128xf32>
    %reduce_sum3A_63 = arith.constant dense<0.000000e+00> : vector<128xf32>
    %reduce_sum3A_64 = vector.multi_reduction <add>, %mul3A_62, %reduce_sum3A_63 [0] : vector<200x128xf32> to vector<128xf32>
    %broadcast_in_dim3A_65 = vector.shape_cast %reduce_sum3A_64 : vector<128xf32> to vector<1x128xf32>
    %eq3A = arith.constant 0 : i32
    %eq3A_66 = arith.cmpi eq, %arg0, %eq3A : i32
    %convert_element_type3A_67 = arith.extui %eq3A_66 : i1 to i32
    %cond3A = arith.constant 0 : i32
    %cond3A_68 = arith.cmpi ne, %convert_element_type3A_67, %cond3A : i32
    scf.if %cond3A_68 {
      %broadcast_in_dim3A_88 = arith.constant 0.000000e+00 : f32
      %broadcast_in_dim3A_89 = vector.broadcast %broadcast_in_dim3A_88 : f32 to vector<2x128xf32>
      %swap3A_90 = arith.constant 0 : index
      %swap3A_91 = arith.constant 0 : index
      %swap3A_92 = vector.load %arg10[%swap3A_90, %swap3A_91] : memref<2x128xf32, #tpu.memory_space<vmem>>, vector<2x128xf32>
      tpu.vector_store %arg10[%swap3A_90, %swap3A_91], %broadcast_in_dim3A_89 {strides = array<i32>} : memref<2x128xf32, #tpu.memory_space<vmem>>, vector<2x128xf32>,
    } else {
    }
    %get3A_69 = arith.constant 0 : index
    %get3A_70 = arith.constant 0 : index
    %get3A_71 = vector.load %arg10[%get3A_69, %get3A_70] : memref<2x128xf32, #tpu.memory_space<vmem>>, vector<1x128xf32>
    %add3A_72 = arith.addf %get3A_71, %broadcast_in_dim3A : vector<1x128xf32>
    %swap3A_73 = arith.constant 0 : index
    %swap3A_74 = arith.constant 0 : index
    %swap3A_75 = vector.load %arg10[%swap3A_73, %swap3A_74] : memref<2x128xf32, #tpu.memory_space<vmem>>, vector<1x128xf32>
    tpu.vector_store %arg10[%swap3A_73, %swap3A_74], %add3A_72 {strides = array<i32>} : memref<2x128xf32, #tpu.memory_space<vmem>>, vector<1x128xf32>,
    %get3A_76 = arith.constant 1 : index
    %get3A_77 = arith.constant 0 : index
    %get3A_78 = vector.load %arg10[%get3A_76, %get3A_77] : memref<2x128xf32, #tpu.memory_space<vmem>>, vector<1x128xf32>
    %add3A_79 = arith.addf %get3A_78, %broadcast_in_dim3A_65 : vector<1x128xf32>
    %swap3A_80 = arith.constant 1 : index
    %swap3A_81 = arith.constant 0 : index
    %swap3A_82 = vector.load %arg10[%swap3A_80, %swap3A_81] : memref<2x128xf32, #tpu.memory_space<vmem>>, vector<1x128xf32>
    tpu.vector_store %arg10[%swap3A_80, %swap3A_81], %add3A_79 {strides = array<i32>} : memref<2x128xf32, #tpu.memory_space<vmem>>, vector<1x128xf32>,
    %eq3A_83 = arith.constant 124 : i32
    %eq3A_84 = arith.cmpi eq, %arg0, %eq3A_83 : i32
    %convert_element_type3A_85 = arith.extui %eq3A_84 : i1 to i32
    %cond3A_86 = arith.constant 0 : i32
    %cond3A_87 = arith.cmpi ne, %convert_element_type3A_85, %cond3A_86 : i32
    scf.if %cond3A_87 {
      %get3A_88 = arith.constant 0 : index
      %get3A_89 = arith.constant 0 : index
      %get3A_90 = vector.load %arg10[%get3A_88, %get3A_89] : memref<2x128xf32, #tpu.memory_space<vmem>>, vector<2x128xf32>
      %swap3A_91 = arith.constant 0 : index
      %swap3A_92 = arith.constant 0 : index
      %swap3A_93 = vector.load %arg9[%swap3A_91, %swap3A_92] : memref<2x128xf32, #tpu.memory_space<vmem>>, vector<2x128xf32>
      tpu.vector_store %arg9[%swap3A_91, %swap3A_92], %get3A_90 {strides = array<i32>} : memref<2x128xf32, #tpu.memory_space<vmem>>, vector<2x128xf32>,
    } else {
    }
    return
  }
  func.func @transform_0(%arg0: i32) -> (i32, i32, i32) {
    %c0_i32 = arith.constant 0 : i32
    %c0_i32_0 = arith.constant 0 : i32
    %c0_i32_1 = arith.constant 0 : i32
    return %c0_i32, %arg0, %c0_i32_0 : i32, i32, i32
  }
  func.func @transform_1(%arg0: i32) -> (i32, i32, i32) {
    %c0_i32 = arith.constant 0 : i32
    %c0_i32_0 = arith.constant 0 : i32
    %c0_i32_1 = arith.constant 0 : i32
    return %c0_i32, %arg0, %c0_i32_0 : i32, i32, i32
  }
  func.func @transform_2(%arg0: i32) -> (i32, i32) {
    %c0_i32 = arith.constant 0 : i32
    %c0_i32_0 = arith.constant 0 : i32
    %c0_i32_1 = arith.constant 0 : i32
    return %c0_i32, %c0_i32_0 : i32, i32
  }
  func.func @transform_3(%arg0: i32) -> (i32, i32) {
    %c0_i32 = arith.constant 0 : i32
    %c0_i32_0 = arith.constant 0 : i32
    %c0_i32_1 = arith.constant 0 : i32
    return %c0_i32, %c0_i32_0 : i32, i32
  }
  func.func @transform_4(%arg0: i32) -> (i32, i32) {
    %c0_i32 = arith.constant 0 : i32
    %c0_i32_0 = arith.constant 0 : i32
    %c0_i32_1 = arith.constant 0 : i32
    return %c0_i32, %c0_i32_0 : i32, i32
  }
  func.func @transform_5(%arg0: i32) -> (i32, i32) {
    %c0_i32 = arith.constant 0 : i32
    %c0_i32_0 = arith.constant 0 : i32
    %c0_i32_1 = arith.constant 0 : i32
    return %c0_i32, %c0_i32_0 : i32, i32
  }
  func.func @transform_6(%arg0: i32) -> (i32, i32) {
    %c0_i32 = arith.constant 0 : i32
    %c0_i32_0 = arith.constant 0 : i32
    %c0_i32_1 = arith.constant 0 : i32
    return %c0_i32, %c0_i32_0 : i32, i32
  }
  func.func @transform_7(%arg0: i32) -> (i32, i32) {
    %c0_i32 = arith.constant 0 : i32
    %c0_i32_0 = arith.constant 0 : i32
    return %arg0, %c0_i32 : i32, i32
  }
  func.func @transform_8(%arg0: i32) -> (i32, i32) {
    %c0_i32 = arith.constant 0 : i32
    %c0_i32_0 = arith.constant 0 : i32
    %c0_i32_1 = arith.constant 0 : i32
    return %c0_i32, %c0_i32_0 : i32, i32
  }
}

module attributes {stable_mosaic.version = 14 : i64} {
  func.func @body(%arg0: i32, %arg1: memref<1000x128xf32, #tpu.memory_space<vmem>>, %arg2: memref<128x128xf32, #tpu.memory_space<vmem>>, %arg3: memref<2x128xf32, #tpu.memory_space<vmem>>, %arg4: memref<1000x128xf32, #tpu.memory_space<vmem>>, %arg5: memref<2x128xf32, #tpu.memory_space<vmem>>, %arg6: memref<2x128xf32, #tpu.memory_space<vmem>>) attributes {dimension_semantics = [#tpu.dimension_semantics<arbitrary>], iteration_bounds = array<i64: 25>, scalar_prefetch = 0 : i64, scratch_operands = 1 : i64, tpu.core_type = #tpu.core_type<tc>, window_params = [{transform_indices = @transform_0, window_bounds = array<i64: 1000, 128>}, {pipeline_mode = #tpu.pipeline_mode<synchronous>, transform_indices = @transform_1, window_bounds = array<i64: 128, 128>}, {pipeline_mode = #tpu.pipeline_mode<synchronous>, transform_indices = @transform_2, window_bounds = array<i64: 2, 128>}, {transform_indices = @transform_3, window_bounds = array<i64: 1000, 128>}, {pipeline_mode = #tpu.pipeline_mode<synchronous>, transform_indices = @transform_4, window_bounds = array<i64: 2, 128>}]} {
    %get3A = arith.constant 0 : index
    %get3A_0 = arith.constant 0 : index
    %get3A_1 = vector.load %arg1[%get3A, %get3A_0] : memref<1000x128xf32, #tpu.memory_space<vmem>>, vector<1000x128xf32>
    %get3A_2 = arith.constant 0 : index
    %get3A_3 = arith.constant 0 : index
    %get3A_4 = vector.load %arg3[%get3A_2, %get3A_3] : memref<2x128xf32, #tpu.memory_space<vmem>>, vector<1x128xf32>
    %mul3A = vector.broadcast %get3A_4 : vector<1x128xf32> to vector<1000x128xf32>
    %mul3A_5 = arith.mulf %get3A_1, %mul3A : vector<1000x128xf32>
    %get3A_6 = arith.constant 1 : index
    %get3A_7 = arith.constant 0 : index
    %get3A_8 = vector.load %arg3[%get3A_6, %get3A_7] : memref<2x128xf32, #tpu.memory_space<vmem>>, vector<1x128xf32>
    %add3A = vector.broadcast %get3A_8 : vector<1x128xf32> to vector<1000x128xf32>
    %add3A_9 = arith.addf %mul3A_5, %add3A : vector<1000x128xf32>
    %mul3A_10 = arith.constant 2.000000e-01 : f32
    %mul3A_11 = vector.broadcast %mul3A_10 : f32 to vector<1000x128xf32>
    %mul3A_12 = arith.mulf %mul3A_11, %add3A_9 : vector<1000x128xf32>
    %max3A = arith.maximumf %add3A_9, %mul3A_12 : vector<1000x128xf32>
    %get3A_13 = arith.constant 0 : index
    %get3A_14 = arith.constant 0 : index
    %get3A_15 = vector.load %arg2[%get3A_13, %get3A_14] : memref<128x128xf32, #tpu.memory_space<vmem>>, vector<128x128xf32>
    %dot_general3A = arith.constant dense<0.000000e+00> : vector<1000x128xf32>
    %dot_general3A_16 = tpu.matmul %max3A, %get3A_15, %dot_general3A {dimension_numbers = #tpu.dot_dimension_numbers<[1], [0], [0], [1], [0, 0, 1, 1], [], []>, transpose_lhs_hint = false} : vector<1000x128xf32>, vector<128x128xf32>, vector<1000x128xf32> -> vector<1000x128xf32>
    %swap3A = arith.constant 0 : index
    %swap3A_17 = arith.constant 0 : index
    %swap3A_18 = vector.load %arg4[%swap3A, %swap3A_17] : memref<1000x128xf32, #tpu.memory_space<vmem>>, vector<1000x128xf32>
    tpu.vector_store %arg4[%swap3A, %swap3A_17], %dot_general3A_16 {strides = array<i32>} : memref<1000x128xf32, #tpu.memory_space<vmem>>, vector<1000x128xf32>,
    %reduce_sum3A = arith.constant dense<0.000000e+00> : vector<128xf32>
    %reduce_sum3A_19 = vector.multi_reduction <add>, %dot_general3A_16, %reduce_sum3A [0] : vector<1000x128xf32> to vector<128xf32>
    %broadcast_in_dim3A = vector.shape_cast %reduce_sum3A_19 : vector<128xf32> to vector<1x128xf32>
    %mul3A_20 = arith.mulf %dot_general3A_16, %dot_general3A_16 : vector<1000x128xf32>
    %reduce_sum3A_21 = arith.constant dense<0.000000e+00> : vector<128xf32>
    %reduce_sum3A_22 = vector.multi_reduction <add>, %mul3A_20, %reduce_sum3A_21 [0] : vector<1000x128xf32> to vector<128xf32>
    %broadcast_in_dim3A_23 = vector.shape_cast %reduce_sum3A_22 : vector<128xf32> to vector<1x128xf32>
    %eq3A = arith.constant 0 : i32
    %eq3A_24 = arith.cmpi eq, %arg0, %eq3A : i32
    %convert_element_type3A = arith.extui %eq3A_24 : i1 to i32
    %cond3A = arith.constant 0 : i32
    %cond3A_25 = arith.cmpi ne, %convert_element_type3A, %cond3A : i32
    scf.if %cond3A_25 {
      %broadcast_in_dim3A_45 = arith.constant 0.000000e+00 : f32
      %broadcast_in_dim3A_46 = vector.broadcast %broadcast_in_dim3A_45 : f32 to vector<2x128xf32>
      %swap3A_47 = arith.constant 0 : index
      %swap3A_48 = arith.constant 0 : index
      %swap3A_49 = vector.load %arg6[%swap3A_47, %swap3A_48] : memref<2x128xf32, #tpu.memory_space<vmem>>, vector<2x128xf32>
      tpu.vector_store %arg6[%swap3A_47, %swap3A_48], %broadcast_in_dim3A_46 {strides = array<i32>} : memref<2x128xf32, #tpu.memory_space<vmem>>, vector<2x128xf32>,
    } else {
    }
    %get3A_26 = arith.constant 0 : index
    %get3A_27 = arith.constant 0 : index
    %get3A_28 = vector.load %arg6[%get3A_26, %get3A_27] : memref<2x128xf32, #tpu.memory_space<vmem>>, vector<1x128xf32>
    %add3A_29 = arith.addf %get3A_28, %broadcast_in_dim3A : vector<1x128xf32>
    %swap3A_30 = arith.constant 0 : index
    %swap3A_31 = arith.constant 0 : index
    %swap3A_32 = vector.load %arg6[%swap3A_30, %swap3A_31] : memref<2x128xf32, #tpu.memory_space<vmem>>, vector<1x128xf32>
    tpu.vector_store %arg6[%swap3A_30, %swap3A_31], %add3A_29 {strides = array<i32>} : memref<2x128xf32, #tpu.memory_space<vmem>>, vector<1x128xf32>,
    %get3A_33 = arith.constant 1 : index
    %get3A_34 = arith.constant 0 : index
    %get3A_35 = vector.load %arg6[%get3A_33, %get3A_34] : memref<2x128xf32, #tpu.memory_space<vmem>>, vector<1x128xf32>
    %add3A_36 = arith.addf %get3A_35, %broadcast_in_dim3A_23 : vector<1x128xf32>
    %swap3A_37 = arith.constant 1 : index
    %swap3A_38 = arith.constant 0 : index
    %swap3A_39 = vector.load %arg6[%swap3A_37, %swap3A_38] : memref<2x128xf32, #tpu.memory_space<vmem>>, vector<1x128xf32>
    tpu.vector_store %arg6[%swap3A_37, %swap3A_38], %add3A_36 {strides = array<i32>} : memref<2x128xf32, #tpu.memory_space<vmem>>, vector<1x128xf32>,
    %eq3A_40 = arith.constant 24 : i32
    %eq3A_41 = arith.cmpi eq, %arg0, %eq3A_40 : i32
    %convert_element_type3A_42 = arith.extui %eq3A_41 : i1 to i32
    %cond3A_43 = arith.constant 0 : i32
    %cond3A_44 = arith.cmpi ne, %convert_element_type3A_42, %cond3A_43 : i32
    scf.if %cond3A_44 {
      %get3A_45 = arith.constant 0 : index
      %get3A_46 = arith.constant 0 : index
      %get3A_47 = vector.load %arg6[%get3A_45, %get3A_46] : memref<2x128xf32, #tpu.memory_space<vmem>>, vector<2x128xf32>
      %swap3A_48 = arith.constant 0 : index
      %swap3A_49 = arith.constant 0 : index
      %swap3A_50 = vector.load %arg5[%swap3A_48, %swap3A_49] : memref<2x128xf32, #tpu.memory_space<vmem>>, vector<2x128xf32>
      tpu.vector_store %arg5[%swap3A_48, %swap3A_49], %get3A_47 {strides = array<i32>} : memref<2x128xf32, #tpu.memory_space<vmem>>, vector<2x128xf32>,
    } else {
    }
    return
  }
  func.func @transform_0(%arg0: i32) -> (i32, i32) {
    %c0_i32 = arith.constant 0 : i32
    %c0_i32_0 = arith.constant 0 : i32
    return %arg0, %c0_i32 : i32, i32
  }
  func.func @transform_1(%arg0: i32) -> (i32, i32) {
    %c0_i32 = arith.constant 0 : i32
    %c0_i32_0 = arith.constant 0 : i32
    %c0_i32_1 = arith.constant 0 : i32
    return %c0_i32, %c0_i32_0 : i32, i32
  }
  func.func @transform_2(%arg0: i32) -> (i32, i32) {
    %c0_i32 = arith.constant 0 : i32
    %c0_i32_0 = arith.constant 0 : i32
    %c0_i32_1 = arith.constant 0 : i32
    return %c0_i32, %c0_i32_0 : i32, i32
  }
  func.func @transform_3(%arg0: i32) -> (i32, i32) {
    %c0_i32 = arith.constant 0 : i32
    %c0_i32_0 = arith.constant 0 : i32
    return %arg0, %c0_i32 : i32, i32
  }
  func.func @transform_4(%arg0: i32) -> (i32, i32) {
    %c0_i32 = arith.constant 0 : i32
    %c0_i32_0 = arith.constant 0 : i32
    %c0_i32_1 = arith.constant 0 : i32
    return %c0_i32, %c0_i32_0 : i32, i32
  }
}

module attributes {stable_mosaic.version = 14 : i64} {
  func.func @body(%arg0: i32, %arg1: memref<1000x128xf32, #tpu.memory_space<vmem>>, %arg2: memref<1000x128xf32, #tpu.memory_space<vmem>>, %arg3: memref<4x128xf32, #tpu.memory_space<vmem>>, %arg4: memref<1000x128xf32, #tpu.memory_space<vmem>>) attributes {dimension_semantics = [#tpu.dimension_semantics<arbitrary>], iteration_bounds = array<i64: 25>, scalar_prefetch = 0 : i64, scratch_operands = 0 : i64, tpu.core_type = #tpu.core_type<tc>, window_params = [{transform_indices = @transform_0, window_bounds = array<i64: 1000, 128>}, {transform_indices = @transform_1, window_bounds = array<i64: 1000, 128>}, {pipeline_mode = #tpu.pipeline_mode<synchronous>, transform_indices = @transform_2, window_bounds = array<i64: 4, 128>}, {transform_indices = @transform_3, window_bounds = array<i64: 1000, 128>}]} {
    %get3A = arith.constant 0 : index
    %get3A_0 = arith.constant 0 : index
    %get3A_1 = vector.load %arg1[%get3A, %get3A_0] : memref<1000x128xf32, #tpu.memory_space<vmem>>, vector<1000x128xf32>
    %get3A_2 = arith.constant 0 : index
    %get3A_3 = arith.constant 0 : index
    %get3A_4 = vector.load %arg3[%get3A_2, %get3A_3] : memref<4x128xf32, #tpu.memory_space<vmem>>, vector<1x128xf32>
    %mul3A = vector.broadcast %get3A_4 : vector<1x128xf32> to vector<1000x128xf32>
    %mul3A_5 = arith.mulf %get3A_1, %mul3A : vector<1000x128xf32>
    %get3A_6 = arith.constant 1 : index
    %get3A_7 = arith.constant 0 : index
    %get3A_8 = vector.load %arg3[%get3A_6, %get3A_7] : memref<4x128xf32, #tpu.memory_space<vmem>>, vector<1x128xf32>
    %add3A = vector.broadcast %get3A_8 : vector<1x128xf32> to vector<1000x128xf32>
    %add3A_9 = arith.addf %mul3A_5, %add3A : vector<1000x128xf32>
    %max3A = arith.constant 0.000000e+00 : f32
    %max3A_10 = vector.broadcast %max3A : f32 to vector<1000x128xf32>
    %max3A_11 = arith.maximumf %add3A_9, %max3A_10 : vector<1000x128xf32>
    %get3A_12 = arith.constant 0 : index
    %get3A_13 = arith.constant 0 : index
    %get3A_14 = vector.load %arg2[%get3A_12, %get3A_13] : memref<1000x128xf32, #tpu.memory_space<vmem>>, vector<1000x128xf32>
    %get3A_15 = arith.constant 2 : index
    %get3A_16 = arith.constant 0 : index
    %get3A_17 = vector.load %arg3[%get3A_15, %get3A_16] : memref<4x128xf32, #tpu.memory_space<vmem>>, vector<1x128xf32>
    %mul3A_18 = vector.broadcast %get3A_17 : vector<1x128xf32> to vector<1000x128xf32>
    %mul3A_19 = arith.mulf %get3A_14, %mul3A_18 : vector<1000x128xf32>
    %get3A_20 = arith.constant 3 : index
    %get3A_21 = arith.constant 0 : index
    %get3A_22 = vector.load %arg3[%get3A_20, %get3A_21] : memref<4x128xf32, #tpu.memory_space<vmem>>, vector<1x128xf32>
    %add3A_23 = vector.broadcast %get3A_22 : vector<1x128xf32> to vector<1000x128xf32>
    %add3A_24 = arith.addf %mul3A_19, %add3A_23 : vector<1000x128xf32>
    %add3A_25 = arith.addf %max3A_11, %add3A_24 : vector<1000x128xf32>
    %mul3A_26 = arith.constant 2.000000e-01 : f32
    %mul3A_27 = vector.broadcast %mul3A_26 : f32 to vector<1000x128xf32>
    %mul3A_28 = arith.mulf %mul3A_27, %add3A_25 : vector<1000x128xf32>
    %max3A_29 = arith.maximumf %add3A_25, %mul3A_28 : vector<1000x128xf32>
    %swap3A = arith.constant 0 : index
    %swap3A_30 = arith.constant 0 : index
    %swap3A_31 = vector.load %arg4[%swap3A, %swap3A_30] : memref<1000x128xf32, #tpu.memory_space<vmem>>, vector<1000x128xf32>
    tpu.vector_store %arg4[%swap3A, %swap3A_30], %max3A_29 {strides = array<i32>} : memref<1000x128xf32, #tpu.memory_space<vmem>>, vector<1000x128xf32>,
    return
  }
  func.func @transform_0(%arg0: i32) -> (i32, i32) {
    %c0_i32 = arith.constant 0 : i32
    %c0_i32_0 = arith.constant 0 : i32
    return %arg0, %c0_i32 : i32, i32
  }
  func.func @transform_1(%arg0: i32) -> (i32, i32) {
    %c0_i32 = arith.constant 0 : i32
    %c0_i32_0 = arith.constant 0 : i32
    return %arg0, %c0_i32 : i32, i32
  }
  func.func @transform_2(%arg0: i32) -> (i32, i32) {
    %c0_i32 = arith.constant 0 : i32
    %c0_i32_0 = arith.constant 0 : i32
    %c0_i32_1 = arith.constant 0 : i32
    return %c0_i32, %c0_i32_0 : i32, i32
  }
  func.func @transform_3(%arg0: i32) -> (i32, i32) {
    %c0_i32 = arith.constant 0 : i32
    %c0_i32_0 = arith.constant 0 : i32
    return %arg0, %c0_i32 : i32, i32
  }
}

</mosaic_0001>

<sc_bundles>
// kernel: kernel.11.cloned.1.call-start
scs
__scs_entry_jumppad:
0x0: {  	(pc) =	sbr.rel $0x88, $3  }
0x1: {  	(tag) =	ssettag $0x0;
	lr =	simm.s32 $0x1  }
0x2: {  	[smem:$0x3F84] =	sst lr;
	_ =	strace $0xD0000000  }
0x3: {  	_ = 	snop  }
0x4: {  	_ = 	snop  }
0x5: {  	_ = 	snop  }
0x6: {  	_ = 	snop  }
0x7: {  	_ = 	snop  }
__scs_overlays_trampoline_lowered:
0x8: {  	[smem:$0x3F93] =	sst s0  }
0x9: {  	[smem:$0x3F94] =	sst s1  }
0xa: {  	[smem:$0x3F95] =	sst s2  }
0xb: {  	[smem:$0x3F96] =	sst s3  }
0xc: {  	[smem:$0x3F97] =	sst s4  }
0xd: {  	[smem:$0x3F98] =	sst s5  }
0xe: {  	[smem:$0x3F99] =	sst s6  }
0xf: {  	[smem:$0x3F9A] =	sst s7  }
0x10: {  	[smem:$0x3F9B] =	sst s8  }
0x11: {  	[smem:$0x3F9C] =	sst s9;
	s0 =	simm.s32 @!p0 $0x0  }
0x12: {  	s1 =	sld [smem:$0x3F82];
	s0 =	simm.s32 @p0 $0x1  }
0x13: {  	[smem:$0x3F9D] =	sst s0;
	s0 =	simm.s32 @!p1 $0x0  }
0x14: {  	s2 =	sld [smem:$0x3F81];
	s0 =	simm.s32 @p1 $0x1  }
0x15: {  	[smem:$0x3F9E] =	sst s0;
	s0 =	simm.s32 @!p2 $0x0  }
0x16: {  	s3 =	sld [smem:$0x3FDB];
	s0 =	simm.s32 @p2 $0x1  }
0x17: {  	s4 =	simm.s32 $0x1BF5;
	[smem:$0x3FA0] =	sst s0  }
0x18: {  	s0 =	sld [smem:$0x3F83];
	_ =	swait.ge [sflag:s4], $0x0  }
0x19: {  	s7 =	sld [smem:$0x3F84]  }
0x1a: {  	s8 =	sadd.s32 $0xFFFFE003, lr  }
0x1b: {  	s9 =	sadd.s32 $0xFFFFFEF7, lr;
	s5 =	simm.s32 $0xFFFFFFFF;
	p2 =	slt.u32 s8, $0xFFFFF086  }
0x1c: {  	p1 =	slt.u32 s9, $0xF7A;
	s5 =	simm.s32 @!p2 $0x0  }
0x1d: {  	s5 =	simm.s32 @p1 $0x1;
	p0 =	seq.s32 s7, s2  }
0x1e: {  	s7 =	smul.u32 @!p0 $0xF7A, s2;
	p2 =	seq.s32 @!p0 s5, $0x0  }
0x1f: {  	s9 =	smul.u32 $0xF7A, s1;
	s8 =	simm.s32 @!p0 $0x1BF5;
	p2 =	por !p2, p0  }
0x20: {  	[sflag:s8] =	ssyncset.s32 @!p0 $0xFFFFF086;
	s6 =	sadd.s32 @!p0 s3, s7;
	s7 =	simm.s32 @!p0 $0x108  }
0x21: {  	s3 =	sadd.s32 s3, s9;
	s6 =	sadd.s32 @!p0 $0x88, s6;
	s7 =	simm.s32 @p2 $0x1082  }
0x22: {  	[simem:s7], [sflag:s8] =	dma.local @!p0 [hbm:s6], $0xF7A  }
0x23: {  	s9 =	sor.u32 $0xD0000000, s2;
	s6 =	simm.s32 $0x108;
	_ =	swait.ge @!p0 [sflag:s8], $0x0  }
0x24: {  	s3 =	sadd.s32 $0x88, s3;
	s6 =	simm.s32 @!p1 $0x1082;
	[sflag:s4] =	ssyncset.s32 $0xFFFFF086  }
0x25: {  	[simem:s6], [sflag:s4] =	dma.local [hbm:s3], $0xF7A  }
0x26: {  	[smem:$0x3F84] =	sst s1;
	(tag) =	ssettag s2;
	_ =	strace s9  }
0x27: {  	s1 =	sld [smem:$0x3F94]  }
0x28: {  	s2 =	sld [smem:$0x3F95]  }
0x29: {  	s4 =	sld [smem:$0x3F97]  }
0x2a: {  	p0 =	seq.s32 s5, $0x0;
	s5 =	sld [smem:$0x3F98]  }
0x2b: {  	s6 =	sld [smem:$0x3F99]  }
0x2c: {  	s7 =	sld [smem:$0x3F9A]  }
0x2d: {  	s3 =	simm.s32 $0x108;
	s8 =	sld [smem:$0x3F9B]  }
0x2e: {  	s3 =	simm.s32 @!p0 $0x1082;
	s9 =	sld [smem:$0x3F9C]  }
0x2f: {  	lr =	sadd.s32 s0, s3;
	s0 =	sld [smem:$0x3F93]  }
0x30: {  	s3 =	sld [smem:$0x3F96]  }
0x31: {  	[smem:$0x3F9F] =	sst s10  }
0x32: {  	s10 =	sld [smem:$0x3F9D];
	_ =	sdelay $0x3  }
0x33: {  	p0 =	seq.s32 s10, $0x1;
	s10 =	sld [smem:$0x3F9F];
	_ =	sdelay $0x3  }
0x34: {  	[smem:$0x3F9F] =	sst s10  }
0x35: {  	s10 =	sld [smem:$0x3F9E];
	_ =	sdelay $0x3  }
0x36: {  	p1 =	seq.s32 s10, $0x1;
	s10 =	sld [smem:$0x3F9F];
	_ =	sdelay $0x3  }
0x37: {  	[smem:$0x3F9F] =	sst s10  }
0x38: {  	s10 =	sld [smem:$0x3FA0]  }
0x39: {  	_ = 	snop;
	(pc) =	sbr.ind lr, $3  }
0x3a: {  	_ = 	snop  }
0x3b: {  	_ = 	snop  }
0x3c: {  	p2 =	seq.s32 s10, $0x1;
	s10 =	sld [smem:$0x3F9F]  }
0x3d: {  	_ =	shalt  }
0x3e: {  	_ =	shalt  }
0x3f: {  	_ =	shalt  }
0x40: {  	_ =	shalt  }
0x41: {  	_ =	shalt  }
0x42: {  	_ =	shalt  }
0x43: {  	_ =	shalt  }
0x44: {  	_ =	shalt  }
0x45: {  	_ =	shalt  }
0x46: {  	_ =	shalt  }
0x47: {  	_ =	shalt  }
0x48: {  	_ =	shalt  }
0x49: {  	_ =	shalt  }
0x4a: {  	_ =	shalt  }
0x4b: {  	_ =	shalt  }
0x4c: {  	_ =	shalt  }
0x4d: {  	_ =	shalt  }
0x4e: {  	_ =	shalt  }
0x4f: {  	_ =	shalt  }
0x50: {  	_ =	shalt  }
0x51: {  	_ =	shalt  }
0x52: {  	_ =	shalt  }
0x53: {  	_ =	shalt  }
0x54: {  	_ =	shalt  }
0x55: {  	_ =	shalt  }
0x56: {  	_ =	shalt  }
0x57: {  	_ =	shalt  }
0x58: {  	_ =	shalt  }
0x59: {  	_ =	shalt  }
0x5a: {  	_ =	shalt  }
0x5b: {  	_ =	shalt  }
0x5c: {  	_ =	shalt  }
0x5d: {  	_ =	shalt  }
0x5e: {  	_ =	shalt  }
0x5f: {  	_ =	shalt  }
0x60: {  	_ =	shalt  }
0x61: {  	_ =	shalt  }
0x62: {  	_ =	shalt  }
0x63: {  	_ =	shalt  }
0x64: {  	_ =	shalt  }
0x65: {  	_ =	shalt  }
0x66: {  	_ =	shalt  }
0x67: {  	_ =	shalt  }
0x68: {  	_ =	shalt  }
0x69: {  	_ =	shalt  }
0x6a: {  	_ =	shalt  }
0x6b: {  	_ =	shalt  }
0x6c: {  	_ =	shalt  }
0x6d: {  	_ =	shalt  }
0x6e: {  	_ =	shalt  }
0x6f: {  	_ =	shalt  }
0x70: {  	_ =	shalt  }
0x71: {  	_ =	shalt  }
0x72: {  	_ =	shalt  }
0x73: {  	_ =	shalt  }
0x74: {  	_ =	shalt  }
0x75: {  	_ =	shalt  }
0x76: {  	_ =	shalt  }
0x77: {  	_ =	shalt  }
0x78: {  	_ =	shalt  }
0x79: {  	_ =	shalt  }
0x7a: {  	_ =	shalt  }
0x7b: {  	_ =	shalt  }
0x7c: {  	_ =	shalt  }
0x7d: {  	_ =	shalt  }
0x7e: {  	_ =	shalt  }
0x7f: {  	_ =	shalt  }
0x80: {  	_ =	shalt  }
0x81: {  	_ =	shalt  }
0x82: {  	_ =	shalt  }
0x83: {  	_ =	shalt  }
0x84: {  	_ =	shalt  }
0x85: {  	_ =	shalt  }
0x86: {  	_ =	shalt  }
0x87: {  	_ =	shalt  }
.Lfunc_end0:
.L_simem_size_0:
called_computation_lowered:
.L_overlay_start_0:
0x88: {  	s2 =	sld [smem:$0x3FD9]  }
0x89: {  	s3 =	sld [smem:$0x3FFE];
	_ =	sdelay $0x1  }
0x8a: {  	s1 =	srdreg.scid  }
0x8b: {  	s0 =	sand.u32 $0x1, s1  }
0x8c: {  	s16 =	sshll.u32 s0, $0xA;
	s2 =	sadd.s32 s3, s2  }
0x8d: {  	s2 =	sadd.s32 s2, s16  }
0x8e: {  	[smem:$0x3FAB] =	sst s2  }
0x8f: {  	_ = 	snop  }
0x90: {  	(tm) =	ssettm $0x1  }
0x91: {  	s17 =	sld [smem:$0x3FFB];
	_ =	sdelay $0x3  }
0x92: {  	_ =	strace s17  }
0x93: {  	s2 =	sld [smem:$0x3FFC];
	_ =	sdelay $0x3  }
0x94: {  	_ =	strace s2  }
0x95: {  	s2 =	sld [smem:$0x3FFD];
	_ =	sdelay $0x3  }
0x96: {  	_ =	strace s2  }
0x97: {  	_ =	strace $0x8FFFFFFF  }
0x98: {  	s18 =	sld [smem:$0x3FDB];
	_ =	sdelay $0x1  }
0x99: {  	s19 =	simm.s32 $_scs_section_size  }
0x9a: {  	s4 =	simm.s32 $_size__tile_overlayer_lowered;
	s5 =	simm.s32 $_tile_overlayer_lowered  }
0x9b: {  	s22 =	simm.s32 $0x1BFF;
	s21 =	sshll.u32 s5, $0x1;
	s2 =	sadd.s32 s19, s18  }
0x9c: {  	s6 =	simm.s32 $0x0;
	s20 =	sshll.u32 s4, $0x1;
	s4 =	sadd.s32 s21, s2  }
0x9d: {  	[timem:s6], [sflag:s22] =	dma.local [hbm:s4], s20  }
0x9e: {  	_ =	swait.ge [sflag:s22], s20  }
0x9f: {  	s3 =	ssub.s32 $0x0, s20;
	[sflag:s22] =	ssyncset.done $0x0  }
0xa0: {  	[sflag:s22] =	ssyncadd.s32 s3;
	_ =	sdelay $0x1  }
0xa1: {  	s23 =	simm.s32 $0x1B8B  }
0xa2: {  	_ =	swait.ge [sflag:s23], $0x1  }
0xa3: {  	[sflag:s23] =	ssyncset.done $0x0  }
0xa4: {  	s25 =	simm.s32 $0x1B8E;
	s24 =	sld [smem:$0x3FFE];
	[sflag:s23] =	ssyncadd.s32 $0xFFFFFFFF  }
0xa5: {  	s26 =	simm.s32 $execute0_lowered;
	[smem:$0x3FD2] =	sst s25  }
0xa6: {  	s4 =	sshll.u32 s26, $0x1;
	_ =	strace $0x80000046;
	[dreg:$0x1] =	wrdreg $0xFFFFFFFF  }
0xa7: {  	s28 =	simm.s32 $_size_execute0_lowered;
	s2 =	sadd.s32 s2, s4;
	[dreg:$0x0] =	wrdreg $0x0  }
0xa8: {  	s4 =	sshll.u32 s28, $0x1;
	[dreg:$0x2] =	wrdreg s2  }
0xa9: {  	[dreg:$0x3] =	wrdreg s4  }
0xaa: {  	[dreg:$0x4] =	wrdreg $0xC0  }
0xab: {  	_ =	task [dreg:s6], $0x5FFFF  }
0xac: {  	[dreg:$0x1] =	wrdreg $0xFFFFFFFF  }
0xad: {  	[dreg:$0x0] =	wrdreg $0x60  }
0xae: {  	[dreg:$0x2] =	wrdreg s24  }
0xaf: {  	[dreg:$0x3] =	wrdreg $0x9  }
0xb0: {  	_ =	task.clear_ibuf [dreg:s6], $0x4FFFF;
	_ =	strace $0x90000046  }
0xb1: {  	s29 =	simm.s32 $0x9;
	_ =	strace $0x80000048  }
0xb2: {  	_ =	swait.ge [sflag:s29], $0x1  }
0xb3: {  	[sflag:s29] =	ssyncadd.s32 $0xFFFFFFFF  }
0xb4: {  	_ =	strace $0x90000048  }
0xb5: {  	_ =	sfence  }
0xb6: {  	s30 =	sld [smem:$0x0];
	_ =	sdelay $0x2  }
0xb7: {  	s31 =	sshll.u32 s1, $0xD;
	s1 =	sshrl.u32 s1, $0x2  }
0xb8: {  	s3 =	sand.u32 $0x4000, s31;
	s1 =	sadd.s32 s1, s30  }
0xb9: {  	s0 =	sor.u32 s3, s0;
	s1 =	sshll.u32 s1, $0x11  }
0xba: {  	s0 =	sor.u32 s1, s0  }
0xbb: {  	s0 =	sadd.s32 $0x8F2B, s0  }
0xbc: {  	[sflag:s0] =	ssyncadd.remote.s32 $0x1  }
0xbd: {  	_ =	sfence.sel $0xFFFF  }
0xbe: {  	[dreg:$0x0] =	wrdreg $0xFFFFFFFF;
	(pc) =	sbr.abs _section_cstart, $3  }
0xbf: {  	[dreg:$0x1] =	wrdreg $0xFFFFFFFF  }
0xc0: {  	_ =	task.clear_ibuf [dreg:s6], $0x2FFFF;
	_ =	strace $0x9FFFFFFF  }
0xc1: {  	(tm) =	ssettm $0x7FFFFFFF  }
tec
execute0_lowered:
.L_overlay_start_1:
0x0: {  	(tag) =	ssettag $0x1  }
0x1: {  	s0 =	rddreg [dreg:$0x0];
	s2 =	simm.s32 $0x0;
	s10 =	stileid.u32  }
0x2: {  	s1 =	srdreg.scid;
	s17 =	simm.s32 $0x400;
	s18 =	simm.s32 $0xC00  }
0x3: {  	s20 =	simm.s32 $0x1400;
	s1 =	sand.u32 $0x1, s1;
	s4 =	sshll.u32 s10, $0x1  }
0x4: {  	s3 =	sadd.s32 $0x20E00, s0;
	s5 =	sadd.s32 $0x8600, s0;
	s8 =	sshll.u32 s10, $0x9  }
0x5: {  	s4 =	sor.u32 s1, s4;
	s6 =	ssub.s32 $0x2, s1;
	s0 =	sadd.s32 s8, s0  }
0x6: {  	s28 =	sshll.u32 s1, $0x4;
	s1 =	sshll.u32 s1, $0x8;
	s7 =	sshll.u32 s4, $0x4  }
0x7: {  	[smem:$0x7FF] =	sst s2;
	s0 =	sadd.s32 s1, s0;
	s7 =	sadd.s32 s5, s7  }
0x8: {  	_ =	strace $0x80000047;
	s0 =	sadd.s32 $0x39600, s0;
	[dreg:$0x2] =	wrdreg s7  }
0x9: {  	s30 =	simm.s32 $0x1;
	s21 =	sadd.s32 $0x200, s7;
	[dreg:$0xb] =	wrdreg s0  }
0xa: {  	s31 =	simm.s32 $0xA;
	s22 =	sadd.s32 $0x400, s7;
	[dreg:$0x3] =	wrdreg s21  }
0xb: {  	s26 =	sshll.u32 s10, $0x5;
	s23 =	sadd.s32 $0x600, s7;
	[dreg:$0x4] =	wrdreg s22  }
0xc: {  	s9 =	sshrl.u32 s6, $0x1;
	s24 =	sadd.s32 $0x800, s7;
	[dreg:$0x5] =	wrdreg s23  }
0xd: {  	s6 =	ssub.s32 s6, s9;
	s25 =	sadd.s32 $0xA00, s7;
	[dreg:$0x6] =	wrdreg s24  }
0xe: {  	s5 =	sadd.s32 s26, s5;
	s7 =	sadd.s32 $0xC00, s7;
	[dreg:$0x7] =	wrdreg s25  }
0xf: {  	s6 =	smax.u32 s6, $0x1;
	s5 =	sadd.s32 s28, s5;
	[dreg:$0x8] =	wrdreg s7  }
0x10: {  	s1 =	simm.s32 $0x3;
	[dreg:$0x9] =	wrdreg s6;
	s29 =	sadd.s32 $0x1C00, s5  }
0x11: {  	s0 =	simm.s32 $0x2;
	s7 =	simm.s32 $0x0;
	[dreg:$0xa] =	wrdreg s29  }
.LBB2_1:
0x12: {  	[dreg:$0xc] =	wrdreg s7  }
0x13: {  	s5 =	rddreg [dreg:$0x2];
	s6 =	simm.s32 $0x9  }
0x14: {  	[tilespmem:s2], [sflag:$0x9] =	stream.linear.gather [hbm4b:s5+s2], $0x80, $0x38;
	[tilespmem:$0x4400] =	vst v63  }
0x15: {  	_ =	swait.ge [sflag:s6], $0x80  }
0x16: {  	[sflag:s6] =	ssyncset.done $0x0  }
0x17: {  	s9 =	simm.s32 $0x80;
	[sflag:s6] =	ssyncadd.s32 $0xFFFFFF80  }
0x18: {  	[tilespmem:s17], [sflag:$0x1] =	stream.indirect.gather [hbm4b:s3+s9], $0x10, s2, s9, $0xb8;
	[tilespmem:$0x4400] =	vst v63  }
0x19: {  	s10 =	rddreg [dreg:$0x3]  }
0x1a: {  	[tilespmem:s9], [sflag:$0x9] =	stream.linear.gather [hbm4b:s10+s2], $0x80, $0x38;
	[tilespmem:$0x4400] =	vst v63  }
0x1b: {  	_ =	swait.ge [sflag:s6], $0x80  }
0x1c: {  	[sflag:s6] =	ssyncset.done $0x0  }
0x1d: {  	[sflag:s6] =	ssyncadd.s32 $0xFFFFFF80  }
0x1e: {  	[tilespmem:s18], [sflag:$0x2] =	stream.indirect.gather [hbm4b:s3+s9], $0x10, s9, s9, $0xb8;
	[tilespmem:$0x4400] =	vst v63  }
0x1f: {  	s8 =	simm.s32 $0x100;
	s11 =	rddreg [dreg:$0x4]  }
0x20: {  	[tilespmem:s8], [sflag:$0x9] =	stream.linear.gather [hbm4b:s11+s2], $0x80, $0x38;
	[tilespmem:$0x4400] =	vst v63  }
0x21: {  	_ =	swait.ge [sflag:s6], $0x80  }
0x22: {  	[sflag:s6] =	ssyncset.done $0x0  }
0x23: {  	[sflag:s6] =	ssyncadd.s32 $0xFFFFFF80  }
0x24: {  	[tilespmem:s20], [sflag:$0x3] =	stream.indirect.gather [hbm4b:s3+s9], $0x10, s8, s9, $0xb8;
	[tilespmem:$0x4400] =	vst v63  }
0x25: {  	s13 =	simm.s32 $0x180;
	s12 =	rddreg [dreg:$0x5]  }
0x26: {  	[tilespmem:s13], [sflag:$0x9] =	stream.linear.gather [hbm4b:s12+s2], $0x80, $0x38;
	[tilespmem:$0x4400] =	vst v63  }
0x27: {  	_ =	swait.ge [sflag:s6], $0x80  }
0x28: {  	[sflag:s6] =	ssyncset.done $0x0  }
0x29: {  	s14 =	simm.s32 $0x1C00;
	[sflag:s6] =	ssyncadd.s32 $0xFFFFFF80  }
0x2a: {  	[tilespmem:s14], [sflag:$0x4] =	stream.indirect.gather [hbm4b:s3+s9], $0x10, s13, s9, $0xb8;
	[tilespmem:$0x4400] =	vst v63  }
0x2b: {  	s16 =	simm.s32 $0x200;
	s15 =	rddreg [dreg:$0x6]  }
0x2c: {  	[tilespmem:s16], [sflag:$0x9] =	stream.linear.gather [hbm4b:s15+s2], $0x80, $0x38;
	[tilespmem:$0x4400] =	vst v63  }
0x2d: {  	_ =	swait.ge [sflag:s6], $0x80  }
0x2e: {  	[sflag:s6] =	ssyncset.done $0x0  }
0x2f: {  	s19 =	simm.s32 $0x2400;
	[sflag:s6] =	ssyncadd.s32 $0xFFFFFF80  }
0x30: {  	[tilespmem:s19], [sflag:$0x5] =	stream.indirect.gather [hbm4b:s3+s9], $0x10, s16, s9, $0xb8;
	[tilespmem:$0x4400] =	vst v63  }
0x31: {  	s22 =	simm.s32 $0x280;
	s21 =	rddreg [dreg:$0x7]  }
0x32: {  	[tilespmem:s22], [sflag:$0x9] =	stream.linear.gather [hbm4b:s21+s2], $0x80, $0x38;
	[tilespmem:$0x4400] =	vst v63  }
0x33: {  	_ =	swait.ge [sflag:s6], $0x80  }
0x34: {  	[sflag:s6] =	ssyncset.done $0x0  }
0x35: {  	s23 =	simm.s32 $0x2C00;
	[sflag:s6] =	ssyncadd.s32 $0xFFFFFF80  }
0x36: {  	[tilespmem:s23], [sflag:$0x6] =	stream.indirect.gather [hbm4b:s3+s9], $0x10, s22, s9, $0xb8;
	[tilespmem:$0x4400] =	vst v63  }
0x37: {  	s25 =	simm.s32 $0x300;
	s24 =	rddreg [dreg:$0x8]  }
0x38: {  	[tilespmem:s25], [sflag:$0x9] =	stream.linear.gather [hbm4b:s24+s2], $0x80, $0x38;
	[tilespmem:$0x4400] =	vst v63  }
0x39: {  	_ =	swait.ge [sflag:s6], $0x80  }
0x3a: {  	[sflag:s6] =	ssyncset.done $0x0  }
0x3b: {  	s26 =	simm.s32 $0x3400;
	s28 =	sadd.s32 $0x0, s4;
	[sflag:s6] =	ssyncadd.s32 $0xFFFFFF80  }
0x3c: {  	[tilespmem:s26], [sflag:$0x7] =	stream.indirect.gather [hbm4b:s3+s9], $0x10, s25, s9, $0xb8;
	[tilespmem:$0x4400] =	vst v63  }
0x3d: {  	s9 =	sadd.s32 $0xE0, s28  }
0x3e: {  	s12 =	rddreg [dreg:$0xa];
	p0 =	sgt.u32 s9, $0x1869  }
0x3f: {  	s5 =	sadd.s32 @!p0 $0xFFFFF200, s12  }
0x40: {  	s6 =	simm.s32 @!p0 $0x0;
	s9 =	simm.s32 @!p0 $0x380;
	s7 =	simm.s32 @!p0 $0xA  }
0x41: {  	[tilespmem:s9], [sflag:$0xA] =	stream.linear.gather @!p0 [hbm4b:s5+s6], $0x80, $0x38;
	[tilespmem:$0x4400] =	vst v63  }
0x42: {  	_ =	swait.ge @!p0 [sflag:s7], $0x80  }
0x43: {  	[sflag:s7] =	ssyncset.done @!p0 $0x0  }
0x44: {  	s5 =	simm.s32 @!p0 $0x80;
	[sflag:s7] =	ssyncadd.s32 @!p0 $0xFFFFFF80;
	s7 =	simm.s32 @!p0 $0x3C00  }
0x45: {  	[tilespmem:s7], [sflag:$0x8] =	stream.indirect.gather @!p0 [hbm4b:s3+s5], $0x10, s9, s5, $0xb8;
	[tilespmem:$0x4400] =	vst v63  }
0x46: {  	_ =	swait.ge [sflag:s30], $0x800  }
0x47: {  	[sflag:s30] =	ssyncset.done $0x0  }
0x48: {  	s13 =	rddreg [dreg:$0xb];
	[sflag:s30] =	ssyncadd.s32 $0xFFFFF800  }
0x49: {  	[hbm4b:s13+s2] =	stream.linear.scatter [tilespmem:s17], [sflag:$0xA], $0x800, $0x38;
	[tilespmem:$0x4400] =	vst v63  }
0x4a: {  	s10 =	sadd.s32 $0x100, s28;
	_ =	swait.ge [sflag:s31], $0x800  }
0x4b: {  	p1 =	sgt.u32 s10, $0x1869;
	[sflag:s31] =	ssyncset.done $0x0  }
0x4c: {  	s5 =	sadd.s32 @!p1 $0xFFFFF400, s12;
	s9 =	simm.s32 @!p1 $0x0;
	[sflag:s31] =	ssyncadd.s32 $0xFFFFF800  }
0x4d: {  	[tilespmem:s9], [sflag:$0xA] =	stream.linear.gather @!p1 [hbm4b:s5+s9], $0x80, $0x38;
	[tilespmem:$0x4400] =	vst v63  }
0x4e: {  	s5 =	simm.s32 @!p1 $0xA  }
0x4f: {  	_ =	swait.ge @!p1 [sflag:s5], $0x80  }
0x50: {  	[sflag:s5] =	ssyncset.done @!p1 $0x0  }
0x51: {  	s10 =	simm.s32 @!p1 $0x80;
	s11 =	simm.s32 @!p1 $0x400;
	[sflag:s5] =	ssyncadd.s32 @!p1 $0xFFFFFF80  }
0x52: {  	[tilespmem:s11], [sflag:$0x1] =	stream.indirect.gather @!p1 [hbm4b:s3+s10], $0x10, s9, s10, $0xb8;
	[tilespmem:$0x4400] =	vst v63  }
0x53: {  	_ =	swait.ge [sflag:s0], $0x800  }
0x54: {  	[sflag:s0] =	ssyncset.done $0x0  }
0x55: {  	s14 =	sadd.s32 $0x2000, s13;
	s11 =	sadd.s32 $0x120, s28;
	[sflag:s0] =	ssyncadd.s32 $0xFFFFF800  }
0x56: {  	[hbm4b:s14+s2] =	stream.linear.scatter [tilespmem:s18], [sflag:$0xA], $0x800, $0x38;
	[tilespmem:$0x4400] =	vst v63  }
0x57: {  	p1 =	sgt.u32 s11, $0x1869;
	_ =	swait.ge [sflag:s31], $0x800  }
0x58: {  	s5 =	sadd.s32 @!p1 $0xFFFFF600, s12;
	s9 =	simm.s32 @!p1 $0x80;
	[sflag:s31] =	ssyncset.done $0x0  }
0x59: {  	s10 =	simm.s32 @!p1 $0x0;
	s11 =	simm.s32 @!p1 $0xA;
	[sflag:s31] =	ssyncadd.s32 $0xFFFFF800  }
0x5a: {  	[tilespmem:s9], [sflag:$0xA] =	stream.linear.gather @!p1 [hbm4b:s5+s10], $0x80, $0x38;
	[tilespmem:$0x4400] =	vst v63  }
0x5b: {  	_ =	swait.ge @!p1 [sflag:s11], $0x80  }
0x5c: {  	[sflag:s11] =	ssyncset.done @!p1 $0x0  }
0x5d: {  	s5 =	simm.s32 @!p1 $0xC00;
	[sflag:s11] =	ssyncadd.s32 @!p1 $0xFFFFFF80  }
0x5e: {  	[tilespmem:s5], [sflag:$0x2] =	stream.indirect.gather @!p1 [hbm4b:s3+s9], $0x10, s9, s9, $0xb8;
	[tilespmem:$0x4400] =	vst v63  }
0x5f: {  	_ =	swait.ge [sflag:s1], $0x800  }
0x60: {  	[sflag:s1] =	ssyncset.done $0x0  }
0x61: {  	s15 =	sadd.s32 $0x140, s28;
	s16 =	sadd.s32 $0x4000, s13;
	[sflag:s1] =	ssyncadd.s32 $0xFFFFF800  }
0x62: {  	[hbm4b:s16+s2] =	stream.linear.scatter [tilespmem:s20], [sflag:$0xA], $0x800, $0x38;
	[tilespmem:$0x4400] =	vst v63  }
0x63: {  	p2 =	sgt.u32 s15, $0x1869;
	_ =	swait.ge [sflag:s31], $0x800  }
0x64: {  	s10 =	simm.s32 @!p2 $0x0;
	s11 =	simm.s32 @!p2 $0xA;
	[sflag:s31] =	ssyncset.done $0x0  }
0x65: {  	s5 =	sadd.s32 @!p2 $0xFFFFF800, s12;
	s9 =	simm.s32 @!p2 $0x100;
	[sflag:s31] =	ssyncadd.s32 $0xFFFFF800  }
0x66: {  	[tilespmem:s9], [sflag:$0xA] =	stream.linear.gather @!p2 [hbm4b:s5+s10], $0x80, $0x38;
	[tilespmem:$0x4400] =	vst v63  }
0x67: {  	s19 =	sadd.s32 $0x60, s28;
	_ =	swait.ge @!p2 [sflag:s11], $0x80  }
0x68: {  	p1 =	sgt.u32 s19, $0x1869;
	s5 =	simm.s32 @!p2 $0x80;
	[sflag:s11] =	ssyncset.done @!p2 $0x0  }
0x69: {  	s10 =	simm.s32 @!p2 $0x1400;
	[sflag:s11] =	ssyncadd.s32 @!p2 $0xFFFFFF80;
	s11 =	simm.s32 @!p1 $0x4  }
0x6a: {  	[tilespmem:s10], [sflag:$0x3] =	stream.indirect.gather @!p2 [hbm4b:s3+s5], $0x10, s9, s5, $0xb8;
	[tilespmem:$0x4400] =	vst v63  }
0x6b: {  	_ =	swait.ge @!p1 [sflag:s11], $0x800  }
0x6c: {  	s5 =	simm.s32 @!p1 $0x1C00;
	[sflag:s11] =	ssyncset.done @!p1 $0x0  }
0x6d: {  	s9 =	sadd.s32 @!p1 $0x6000, s13;
	s10 =	simm.s32 @!p1 $0x0;
	[sflag:s11] =	ssyncadd.s32 @!p1 $0xFFFFF800  }
0x6e: {  	[hbm4b:s9+s10] =	stream.linear.scatter @!p1 [tilespmem:s5], [sflag:$0xA], $0x800, $0x38;
	[tilespmem:$0x4400] =	vst v63  }
0x6f: {  	s21 =	sadd.s32 $0x160, s28;
	s9 =	simm.s32 @!p1 $0xA  }
0x70: {  	p2 =	sgt.u32 s21, $0x1869;
	_ =	swait.ge @!p1 [sflag:s9], $0x800  }
0x71: {  	s11 =	simm.s32 @!p2 $0xA;
	s5 =	sadd.s32 @!p2 $0xFFFFFA00, s12;
	[sflag:s9] =	ssyncset.done @!p1 $0x0  }
0x72: {  	s10 =	simm.s32 @!p2 $0x180;
	[sflag:s9] =	ssyncadd.s32 @!p1 $0xFFFFF800;
	s9 =	simm.s32 @!p2 $0x0  }
0x73: {  	[tilespmem:s10], [sflag:$0xA] =	stream.linear.gather @!p2 [hbm4b:s5+s9], $0x80, $0x38;
	[tilespmem:$0x4400] =	vst v63  }
0x74: {  	s22 =	sadd.s32 $0x80, s28;
	_ =	swait.ge @!p2 [sflag:s11], $0x80  }
0x75: {  	p1 =	sgt.u32 s22, $0x1869;
	s5 =	simm.s32 @!p2 $0x80;
	[sflag:s11] =	ssyncset.done @!p2 $0x0  }
0x76: {  	s9 =	simm.s32 @!p2 $0x1C00;
	[sflag:s11] =	ssyncadd.s32 @!p2 $0xFFFFFF80;
	s11 =	simm.s32 @!p1 $0x5  }
0x77: {  	[tilespmem:s9], [sflag:$0x4] =	stream.indirect.gather @!p2 [hbm4b:s3+s5], $0x10, s10, s5, $0xb8;
	[tilespmem:$0x4400] =	vst v63  }
0x78: {  	_ =	swait.ge @!p1 [sflag:s11], $0x800  }
0x79: {  	s5 =	simm.s32 @!p1 $0x2400;
	[sflag:s11] =	ssyncset.done @!p1 $0x0  }
0x7a: {  	s9 =	sadd.s32 @!p1 $0x8000, s13;
	s10 =	simm.s32 @!p1 $0x0;
	[sflag:s11] =	ssyncadd.s32 @!p1 $0xFFFFF800  }
0x7b: {  	[hbm4b:s9+s10] =	stream.linear.scatter @!p1 [tilespmem:s5], [sflag:$0xA], $0x800, $0x38;
	[tilespmem:$0x4400] =	vst v63  }
0x7c: {  	s23 =	sadd.s32 $0x180, s28;
	s9 =	simm.s32 @!p1 $0xA  }
0x7d: {  	p2 =	sgt.u32 s23, $0x1869;
	_ =	swait.ge @!p1 [sflag:s9], $0x800  }
0x7e: {  	s11 =	simm.s32 @!p2 $0xA;
	s5 =	sadd.s32 @!p2 $0xFFFFFC00, s12;
	[sflag:s9] =	ssyncset.done @!p1 $0x0  }
0x7f: {  	s10 =	simm.s32 @!p2 $0x200;
	[sflag:s9] =	ssyncadd.s32 @!p1 $0xFFFFF800;
	s9 =	simm.s32 @!p2 $0x0  }
0x80: {  	[tilespmem:s10], [sflag:$0xA] =	stream.linear.gather @!p2 [hbm4b:s5+s9], $0x80, $0x38;
	[tilespmem:$0x4400] =	vst v63  }
0x81: {  	s24 =	sadd.s32 $0xA0, s28;
	_ =	swait.ge @!p2 [sflag:s11], $0x80  }
0x82: {  	p1 =	sgt.u32 s24, $0x1869;
	s5 =	simm.s32 @!p2 $0x80;
	[sflag:s11] =	ssyncset.done @!p2 $0x0  }
0x83: {  	s9 =	simm.s32 @!p2 $0x2400;
	[sflag:s11] =	ssyncadd.s32 @!p2 $0xFFFFFF80;
	s11 =	simm.s32 @!p1 $0x6  }
0x84: {  	[tilespmem:s9], [sflag:$0x5] =	stream.indirect.gather @!p2 [hbm4b:s3+s5], $0x10, s10, s5, $0xb8;
	[tilespmem:$0x4400] =	vst v63  }
0x85: {  	_ =	swait.ge @!p1 [sflag:s11], $0x800  }
0x86: {  	s5 =	simm.s32 @!p1 $0x2C00;
	[sflag:s11] =	ssyncset.done @!p1 $0x0  }
0x87: {  	s9 =	sadd.s32 @!p1 $0xA000, s13;
	s10 =	simm.s32 @!p1 $0x0;
	[sflag:s11] =	ssyncadd.s32 @!p1 $0xFFFFF800  }
0x88: {  	[hbm4b:s9+s10] =	stream.linear.scatter @!p1 [tilespmem:s5], [sflag:$0xA], $0x800, $0x38;
	[tilespmem:$0x4400] =	vst v63  }
0x89: {  	s25 =	sadd.s32 $0x1A0, s28;
	s9 =	simm.s32 @!p1 $0xA  }
0x8a: {  	p2 =	sgt.u32 s25, $0x1869;
	_ =	swait.ge @!p1 [sflag:s9], $0x800  }
0x8b: {  	s11 =	simm.s32 @!p2 $0xA;
	s5 =	sadd.s32 @!p2 $0xFFFFFE00, s12;
	[sflag:s9] =	ssyncset.done @!p1 $0x0  }
0x8c: {  	s10 =	simm.s32 @!p2 $0x280;
	[sflag:s9] =	ssyncadd.s32 @!p1 $0xFFFFF800;
	s9 =	simm.s32 @!p2 $0x0  }
0x8d: {  	[tilespmem:s10], [sflag:$0xA] =	stream.linear.gather @!p2 [hbm4b:s5+s9], $0x80, $0x38;
	[tilespmem:$0x4400] =	vst v63  }
0x8e: {  	s26 =	sadd.s32 $0xC0, s28;
	_ =	swait.ge @!p2 [sflag:s11], $0x80  }
0x8f: {  	p1 =	sgt.u32 s26, $0x1869;
	s5 =	simm.s32 @!p2 $0x80;
	[sflag:s11] =	ssyncset.done @!p2 $0x0  }
0x90: {  	s9 =	simm.s32 @!p2 $0x2C00;
	[sflag:s11] =	ssyncadd.s32 @!p2 $0xFFFFFF80;
	s11 =	simm.s32 @!p1 $0x7  }
0x91: {  	[tilespmem:s9], [sflag:$0x6] =	stream.indirect.gather @!p2 [hbm4b:s3+s5], $0x10, s10, s5, $0xb8;
	[tilespmem:$0x4400] =	vst v63  }
0x92: {  	s28 =	sadd.s32 $0x1C0, s28;
	_ =	swait.ge @!p1 [sflag:s11], $0x800  }
0x93: {  	s8 =	simm.s32 @!p1 $0x3400;
	s9 =	sadd.s32 @!p1 $0xC000, s13;
	[sflag:s11] =	ssyncset.done @!p1 $0x0  }
0x94: {  	s10 =	simm.s32 @!p1 $0x0;
	[sflag:s11] =	ssyncadd.s32 @!p1 $0xFFFFF800;
	s11 =	simm.s32 @!p1 $0xA  }
0x95: {  	[hbm4b:s9+s10] =	stream.linear.scatter @!p1 [tilespmem:s8], [sflag:$0xA], $0x800, $0x38;
	[tilespmem:$0x4400] =	vst v63  }
0x96: {  	p2 =	sgt.u32 s28, $0x1869;
	_ =	swait.ge @!p1 [sflag:s11], $0x800  }
0x97: {  	s5 =	simm.s32 @!p2 $0x0;
	[sflag:s11] =	ssyncset.done @!p1 $0x0  }
0x98: {  	s8 =	simm.s32 @!p2 $0x300;
	s9 =	simm.s32 @!p2 $0xA;
	[sflag:s11] =	ssyncadd.s32 @!p1 $0xFFFFF800  }
0x99: {  	[tilespmem:s8], [sflag:$0xA] =	stream.linear.gather @!p2 [hbm4b:s12+s5], $0x80, $0x38;
	[tilespmem:$0x4400] =	vst v63  }
0x9a: {  	_ =	swait.ge @!p2 [sflag:s9], $0x80  }
0x9b: {  	p0 =	por p0, p0;
	s10 =	simm.s32 @!p2 $0x80;
	[sflag:s9] =	ssyncset.done @!p2 $0x0  }
0x9c: {  	s11 =	simm.s32 @!p0 $0x8;
	s5 =	simm.s32 @!p2 $0x3400;
	[sflag:s9] =	ssyncadd.s32 @!p2 $0xFFFFFF80  }
0x9d: {  	[tilespmem:s5], [sflag:$0x7] =	stream.indirect.gather @!p2 [hbm4b:s3+s10], $0x10, s8, s10, $0xb8;
	[tilespmem:$0x4400] =	vst v63  }
0x9e: {  	s29 =	simm.s32 $0x200;
	_ =	swait.ge @!p0 [sflag:s11], $0x800  }
0x9f: {  	s24 =	sadd.s32 $0x10000, s13;
	s26 =	sadd.s32 $0x1000, s12;
	[sflag:s11] =	ssyncset.done @!p0 $0x0  }
0xa0: {  	s5 =	sadd.s32 @!p0 $0xE000, s13;
	s10 =	sadd.s32 $0x100, s4;
	[sflag:s11] =	ssyncadd.s32 @!p0 $0xFFFFF800  }
0xa1: {  	[hbm4b:s5+s6] =	stream.linear.scatter @!p0 [tilespmem:s7], [sflag:$0x9], $0x800, $0x38;
	[tilespmem:$0x4400] =	vst v63  }
0xa2: {  	s8 =	sadd.s32 $0xE0, s10;
	s11 =	simm.s32 @!p0 $0x9;
	s5 =	sadd.s32 $0x120, s10  }
.LBB2_2:
0xa3: {  	p2 =	sgt.u32 s8, $0x1869;
	s16 =	sadd.s32 $0x140, s10;
	_ =	swait.ge @!p0 [sflag:s11], $0x800  }
0xa4: {  	s7 =	sadd.s32 @!p2 $0xFFFFF200, s26;
	s6 =	simm.s32 @!p2 $0x0;
	[sflag:s11] =	ssyncset.done @!p0 $0x0  }
0xa5: {  	s8 =	simm.s32 @!p2 $0x380;
	s9 =	simm.s32 @!p2 $0xA;
	[sflag:s11] =	ssyncadd.s32 @!p0 $0xFFFFF800  }
0xa6: {  	[tilespmem:s8], [sflag:$0xA] =	stream.linear.gather @!p2 [hbm4b:s7+s6], $0x80, $0x38;
	[tilespmem:$0x4400] =	vst v63  }
0xa7: {  	s22 =	sadd.s32 $0x60, s10;
	s28 =	sadd.s32 $0x160, s10;
	_ =	swait.ge @!p2 [sflag:s9], $0x80  }
0xa8: {  	s25 =	sadd.s32 $0x80, s10;
	s23 =	sadd.s32 $0x180, s10;
	[sflag:s9] =	ssyncset.done @!p2 $0x0  }
0xa9: {  	s7 =	simm.s32 @!p2 $0x3C00;
	[sflag:s9] =	ssyncadd.s32 @!p2 $0xFFFFFF80;
	s9 =	simm.s32 @!p2 $0x80  }
0xaa: {  	[tilespmem:s7], [sflag:$0x8] =	stream.indirect.gather @!p2 [hbm4b:s3+s9], $0x10, s8, s9, $0xb8;
	[tilespmem:$0x4400] =	vst v63  }
0xab: {  	s12 =	sadd.s32 $0xA0, s10;
	s21 =	sadd.s32 $0x1A0, s10;
	_ =	swait.ge [sflag:s30], $0x800  }
0xac: {  	s19 =	sadd.s32 $0xC0, s10;
	s11 =	sadd.s32 $0x1C0, s10;
	[sflag:s30] =	ssyncset.done $0x0  }
0xad: {  	s8 =	smov.u32 s29;
	s29 =	sadd.s32 $0x100, s29;
	[sflag:s30] =	ssyncadd.s32 $0xFFFFF800  }
0xae: {  	[hbm4b:s24+s2] =	stream.linear.scatter [tilespmem:s17], [sflag:$0xA], $0x800, $0x38;
	[tilespmem:$0x4400] =	vst v63  }
0xaf: {  	s9 =	sadd.s32 $0x100, s10;
	p1 =	sne.s32 s29, $0x1900;
	_ =	swait.ge [sflag:s31], $0x800  }
0xb0: {  	p3 =	sgt.u32 s9, $0x1869;
	s9 =	smov.u32 s24;
	[sflag:s31] =	ssyncset.done $0x0  }
0xb1: {  	s10 =	sadd.s32 @!p3 $0xFFFFF400, s26;
	s13 =	simm.s32 @!p3 $0x0;
	[sflag:s31] =	ssyncadd.s32 $0xFFFFF800  }
0xb2: {  	[tilespmem:s13], [sflag:$0xA] =	stream.linear.gather @!p3 [hbm4b:s10+s13], $0x80, $0x38;
	[tilespmem:$0x4400] =	vst v63  }
0xb3: {  	p0 =	por p2, p2;
	s10 =	simm.s32 @!p3 $0xA  }
0xb4: {  	_ =	swait.ge @!p3 [sflag:s10], $0x80  }
0xb5: {  	s14 =	simm.s32 @!p3 $0x80;
	s15 =	simm.s32 @!p3 $0x400;
	[sflag:s10] =	ssyncset.done @!p3 $0x0  }
0xb6: {  	[sflag:s10] =	ssyncadd.s32 @!p3 $0xFFFFFF80  }
0xb7: {  	[tilespmem:s15], [sflag:$0x1] =	stream.indirect.gather @!p3 [hbm4b:s3+s14], $0x10, s13, s14, $0xb8;
	[tilespmem:$0x4400] =	vst v63  }
0xb8: {  	_ =	swait.ge [sflag:s0], $0x800  }
0xb9: {  	s10 =	sadd.s32 $0x2000, s24;
	[sflag:s0] =	ssyncset.done $0x0  }
0xba: {  	[sflag:s0] =	ssyncadd.s32 $0xFFFFF800  }
0xbb: {  	[hbm4b:s10+s2] =	stream.linear.scatter [tilespmem:s18], [sflag:$0xA], $0x800, $0x38;
	[tilespmem:$0x4400] =	vst v63  }
0xbc: {  	p2 =	sgt.u32 s5, $0x1869;
	_ =	swait.ge [sflag:s31], $0x800  }
0xbd: {  	s5 =	sadd.s32 @!p2 $0xFFFFF600, s26;
	s10 =	simm.s32 @!p2 $0x80;
	[sflag:s31] =	ssyncset.done $0x0  }
0xbe: {  	s13 =	simm.s32 @!p2 $0x0;
	s14 =	simm.s32 @!p2 $0xA;
	[sflag:s31] =	ssyncadd.s32 $0xFFFFF800  }
0xbf: {  	[tilespmem:s10], [sflag:$0xA] =	stream.linear.gather @!p2 [hbm4b:s5+s13], $0x80, $0x38;
	[tilespmem:$0x4400] =	vst v63  }
0xc0: {  	_ =	swait.ge @!p2 [sflag:s14], $0x80  }
0xc1: {  	s5 =	simm.s32 @!p2 $0xC00;
	[sflag:s14] =	ssyncset.done @!p2 $0x0  }
0xc2: {  	[sflag:s14] =	ssyncadd.s32 @!p2 $0xFFFFFF80  }
0xc3: {  	[tilespmem:s5], [sflag:$0x2] =	stream.indirect.gather @!p2 [hbm4b:s3+s10], $0x10, s10, s10, $0xb8;
	[tilespmem:$0x4400] =	vst v63  }
0xc4: {  	_ =	swait.ge [sflag:s1], $0x800  }
0xc5: {  	s5 =	sadd.s32 $0x4000, s24;
	[sflag:s1] =	ssyncset.done $0x0  }
0xc6: {  	[sflag:s1] =	ssyncadd.s32 $0xFFFFF800  }
0xc7: {  	[hbm4b:s5+s2] =	stream.linear.scatter [tilespmem:s20], [sflag:$0xA], $0x800, $0x38;
	[tilespmem:$0x4400] =	vst v63  }
0xc8: {  	p3 =	sgt.u32 s16, $0x1869;
	_ =	swait.ge [sflag:s31], $0x800  }
0xc9: {  	s10 =	simm.s32 @!p3 $0x100;
	s5 =	sadd.s32 @!p3 $0xFFFFF800, s26;
	[sflag:s31] =	ssyncset.done $0x0  }
0xca: {  	s13 =	simm.s32 @!p3 $0x0;
	s14 =	simm.s32 @!p3 $0xA;
	[sflag:s31] =	ssyncadd.s32 $0xFFFFF800  }
0xcb: {  	[tilespmem:s10], [sflag:$0xA] =	stream.linear.gather @!p3 [hbm4b:s5+s13], $0x80, $0x38;
	[tilespmem:$0x4400] =	vst v63  }
0xcc: {  	p2 =	sgt.u32 s22, $0x1869;
	_ =	swait.ge @!p3 [sflag:s14], $0x80  }
0xcd: {  	s5 =	simm.s32 @!p3 $0x80;
	s13 =	simm.s32 @!p3 $0x1400;
	[sflag:s14] =	ssyncset.done @!p3 $0x0  }
0xce: {  	[sflag:s14] =	ssyncadd.s32 @!p3 $0xFFFFFF80;
	s14 =	simm.s32 @!p2 $0x4  }
0xcf: {  	[tilespmem:s13], [sflag:$0x3] =	stream.indirect.gather @!p3 [hbm4b:s3+s5], $0x10, s10, s5, $0xb8;
	[tilespmem:$0x4400] =	vst v63  }
0xd0: {  	s5 =	simm.s32 @!p2 $0x1C00;
	_ =	swait.ge @!p2 [sflag:s14], $0x800  }
0xd1: {  	s10 =	sadd.s32 @!p2 $0x6000, s24;
	s13 =	simm.s32 @!p2 $0x0;
	[sflag:s14] =	ssyncset.done @!p2 $0x0  }
0xd2: {  	[sflag:s14] =	ssyncadd.s32 @!p2 $0xFFFFF800;
	s14 =	simm.s32 @!p2 $0xA  }
0xd3: {  	[hbm4b:s10+s13] =	stream.linear.scatter @!p2 [tilespmem:s5], [sflag:$0xA], $0x800, $0x38;
	[tilespmem:$0x4400] =	vst v63  }
0xd4: {  	p3 =	sgt.u32 s28, $0x1869;
	_ =	swait.ge @!p2 [sflag:s14], $0x800  }
0xd5: {  	s5 =	sadd.s32 @!p3 $0xFFFFFA00, s26;
	s10 =	simm.s32 @!p3 $0x180;
	[sflag:s14] =	ssyncset.done @!p2 $0x0  }
0xd6: {  	s13 =	simm.s32 @!p3 $0x0;
	[sflag:s14] =	ssyncadd.s32 @!p2 $0xFFFFF800;
	s14 =	simm.s32 @!p3 $0xA  }
0xd7: {  	[tilespmem:s10], [sflag:$0xA] =	stream.linear.gather @!p3 [hbm4b:s5+s13], $0x80, $0x38;
	[tilespmem:$0x4400] =	vst v63  }
0xd8: {  	p2 =	sgt.u32 s25, $0x1869;
	_ =	swait.ge @!p3 [sflag:s14], $0x80  }
0xd9: {  	s5 =	simm.s32 @!p3 $0x80;
	s13 =	simm.s32 @!p3 $0x1C00;
	[sflag:s14] =	ssyncset.done @!p3 $0x0  }
0xda: {  	[sflag:s14] =	ssyncadd.s32 @!p3 $0xFFFFFF80;
	s14 =	simm.s32 @!p2 $0x5  }
0xdb: {  	[tilespmem:s13], [sflag:$0x4] =	stream.indirect.gather @!p3 [hbm4b:s3+s5], $0x10, s10, s5, $0xb8;
	[tilespmem:$0x4400] =	vst v63  }
0xdc: {  	s5 =	simm.s32 @!p2 $0x2400;
	_ =	swait.ge @!p2 [sflag:s14], $0x800  }
0xdd: {  	s10 =	sadd.s32 @!p2 $0x8000, s24;
	s13 =	simm.s32 @!p2 $0x0;
	[sflag:s14] =	ssyncset.done @!p2 $0x0  }
0xde: {  	[sflag:s14] =	ssyncadd.s32 @!p2 $0xFFFFF800;
	s14 =	simm.s32 @!p2 $0xA  }
0xdf: {  	[hbm4b:s10+s13] =	stream.linear.scatter @!p2 [tilespmem:s5], [sflag:$0xA], $0x800, $0x38;
	[tilespmem:$0x4400] =	vst v63  }
0xe0: {  	p3 =	sgt.u32 s23, $0x1869;
	_ =	swait.ge @!p2 [sflag:s14], $0x800  }
0xe1: {  	s5 =	sadd.s32 @!p3 $0xFFFFFC00, s26;
	s10 =	simm.s32 @!p3 $0x200;
	[sflag:s14] =	ssyncset.done @!p2 $0x0  }
0xe2: {  	s13 =	simm.s32 @!p3 $0x0;
	[sflag:s14] =	ssyncadd.s32 @!p2 $0xFFFFF800;
	s14 =	simm.s32 @!p3 $0xA  }
0xe3: {  	[tilespmem:s10], [sflag:$0xA] =	stream.linear.gather @!p3 [hbm4b:s5+s13], $0x80, $0x38;
	[tilespmem:$0x4400] =	vst v63  }
0xe4: {  	p2 =	sgt.u32 s12, $0x1869;
	_ =	swait.ge @!p3 [sflag:s14], $0x80  }
0xe5: {  	s12 =	simm.s32 @!p3 $0x2400;
	s5 =	simm.s32 @!p3 $0x80;
	[sflag:s14] =	ssyncset.done @!p3 $0x0  }
0xe6: {  	s13 =	simm.s32 @!p2 $0x6;
	[sflag:s14] =	ssyncadd.s32 @!p3 $0xFFFFFF80  }
0xe7: {  	[tilespmem:s12], [sflag:$0x5] =	stream.indirect.gather @!p3 [hbm4b:s3+s5], $0x10, s10, s5, $0xb8;
	[tilespmem:$0x4400] =	vst v63  }
0xe8: {  	s5 =	simm.s32 @!p2 $0x2C00;
	_ =	swait.ge @!p2 [sflag:s13], $0x800  }
0xe9: {  	s10 =	sadd.s32 @!p2 $0xA000, s24;
	s12 =	simm.s32 @!p2 $0x0;
	[sflag:s13] =	ssyncset.done @!p2 $0x0  }
0xea: {  	[sflag:s13] =	ssyncadd.s32 @!p2 $0xFFFFF800;
	s13 =	simm.s32 @!p2 $0xA  }
0xeb: {  	[hbm4b:s10+s12] =	stream.linear.scatter @!p2 [tilespmem:s5], [sflag:$0xA], $0x800, $0x38;
	[tilespmem:$0x4400] =	vst v63  }
0xec: {  	p3 =	sgt.u32 s21, $0x1869;
	_ =	swait.ge @!p2 [sflag:s13], $0x800  }
0xed: {  	s5 =	sadd.s32 @!p3 $0xFFFFFE00, s26;
	s10 =	simm.s32 @!p3 $0x280;
	[sflag:s13] =	ssyncset.done @!p2 $0x0  }
0xee: {  	s12 =	simm.s32 @!p3 $0x0;
	[sflag:s13] =	ssyncadd.s32 @!p2 $0xFFFFF800;
	s13 =	simm.s32 @!p3 $0xA  }
0xef: {  	[tilespmem:s10], [sflag:$0xA] =	stream.linear.gather @!p3 [hbm4b:s5+s12], $0x80, $0x38;
	[tilespmem:$0x4400] =	vst v63  }
0xf0: {  	p2 =	sgt.u32 s19, $0x1869;
	_ =	swait.ge @!p3 [sflag:s13], $0x80  }
0xf1: {  	s5 =	simm.s32 @!p3 $0x80;
	s12 =	simm.s32 @!p3 $0x2C00;
	[sflag:s13] =	ssyncset.done @!p3 $0x0  }
0xf2: {  	[sflag:s13] =	ssyncadd.s32 @!p3 $0xFFFFFF80;
	s13 =	simm.s32 @!p2 $0x7  }
0xf3: {  	[tilespmem:s12], [sflag:$0x6] =	stream.indirect.gather @!p3 [hbm4b:s3+s5], $0x10, s10, s5, $0xb8;
	[tilespmem:$0x4400] =	vst v63  }
0xf4: {  	s5 =	simm.s32 @!p2 $0x3400;
	_ =	swait.ge @!p2 [sflag:s13], $0x800  }
0xf5: {  	s10 =	sadd.s32 @!p2 $0xC000, s24;
	s12 =	simm.s32 @!p2 $0x0;
	[sflag:s13] =	ssyncset.done @!p2 $0x0  }
0xf6: {  	[sflag:s13] =	ssyncadd.s32 @!p2 $0xFFFFF800;
	s13 =	simm.s32 @!p2 $0xA  }
0xf7: {  	[hbm4b:s10+s12] =	stream.linear.scatter @!p2 [tilespmem:s5], [sflag:$0xA], $0x800, $0x38;
	[tilespmem:$0x4400] =	vst v63  }
0xf8: {  	p3 =	sgt.u32 s11, $0x1869;
	_ =	swait.ge @!p2 [sflag:s13], $0x800  }
0xf9: {  	s5 =	simm.s32 @!p3 $0x0;
	s10 =	simm.s32 @!p3 $0x300;
	[sflag:s13] =	ssyncset.done @!p2 $0x0  }
0xfa: {  	s11 =	simm.s32 @!p3 $0xA;
	[sflag:s13] =	ssyncadd.s32 @!p2 $0xFFFFF800  }
0xfb: {  	[tilespmem:s10], [sflag:$0xA] =	stream.linear.gather @!p3 [hbm4b:s26+s5], $0x80, $0x38;
	[tilespmem:$0x4400] =	vst v63  }
0xfc: {  	s5 =	simm.s32 @!p3 $0x3400;
	_ =	swait.ge @!p3 [sflag:s11], $0x80  }
0xfd: {  	s12 =	simm.s32 @!p3 $0x80;
	s13 =	simm.s32 @!p0 $0x8;
	[sflag:s11] =	ssyncset.done @!p3 $0x0  }
0xfe: {  	s24 =	sadd.s32 $0x10000, s24;
	[sflag:s11] =	ssyncadd.s32 @!p3 $0xFFFFFF80  }
0xff: {  	[tilespmem:s5], [sflag:$0x7] =	stream.indirect.gather @!p3 [hbm4b:s3+s12], $0x10, s10, s12, $0xb8;
	[tilespmem:$0x4400] =	vst v63  }
.Ltmp0:
0x100: {  	_ = 	snop;
	(pc) =	sbr.rel @p1 .LBB2_2-.Ltmp0, $4  }
0x101: {  	s26 =	sadd.s32 $0x1000, s26;
	s11 =	simm.s32 @!p0 $0x9;
	_ =	swait.ge @!p0 [sflag:s13], $0x800  }
0x102: {  	s9 =	sadd.s32 @!p0 $0xE000, s9;
	s10 =	sadd.s32 s8, s4;
	[sflag:s13] =	ssyncset.done @!p0 $0x0  }
0x103: {  	s8 =	sadd.s32 $0xE0, s10;
	s5 =	sadd.s32 $0x120, s10;
	[sflag:s13] =	ssyncadd.s32 @!p0 $0xFFFFF800  }
0x104: {  	[hbm4b:s9+s6] =	stream.linear.scatter @!p0 [tilespmem:s7], [sflag:$0x9], $0x800, $0x38;
	[tilespmem:$0x4400] =	vst v63  }
0x105: {  	p1 =	sgt.u32 s8, $0x1869;
	_ =	swait.ge @!p0 [sflag:s11], $0x800  }
0x106: {  	s7 =	sadd.s32 @!p1 $0xFFFFF200, s26;
	s6 =	simm.s32 @!p1 $0x0;
	[sflag:s11] =	ssyncset.done @!p0 $0x0  }
0x107: {  	s8 =	simm.s32 @!p1 $0x380;
	s9 =	simm.s32 @!p1 $0xA;
	[sflag:s11] =	ssyncadd.s32 @!p0 $0xFFFFF800  }
0x108: {  	[tilespmem:s8], [sflag:$0xA] =	stream.linear.gather @!p1 [hbm4b:s7+s6], $0x80, $0x38;
	[tilespmem:$0x4400] =	vst v63  }
0x109: {  	_ =	swait.ge @!p1 [sflag:s9], $0x80  }
0x10a: {  	[sflag:s9] =	ssyncset.done @!p1 $0x0  }
0x10b: {  	s7 =	simm.s32 @!p1 $0x3C00;
	[sflag:s9] =	ssyncadd.s32 @!p1 $0xFFFFFF80;
	s9 =	simm.s32 @!p1 $0x80  }
0x10c: {  	[tilespmem:s7], [sflag:$0x8] =	stream.indirect.gather @!p1 [hbm4b:s3+s9], $0x10, s8, s9, $0xb8;
	[tilespmem:$0x4400] =	vst v63  }
0x10d: {  	_ =	swait.ge [sflag:s30], $0x800  }
0x10e: {  	[sflag:s30] =	ssyncset.done $0x0  }
0x10f: {  	[sflag:s30] =	ssyncadd.s32 $0xFFFFF800  }
0x110: {  	[hbm4b:s24+s2] =	stream.linear.scatter [tilespmem:s17], [sflag:$0xA], $0x800, $0x38;
	[tilespmem:$0x4400] =	vst v63  }
0x111: {  	s9 =	sadd.s32 $0x100, s10;
	_ =	swait.ge [sflag:s31], $0x800  }
0x112: {  	p0 =	sgt.u32 s9, $0x1869;
	[sflag:s31] =	ssyncset.done $0x0  }
0x113: {  	s8 =	sadd.s32 @!p0 $0xFFFFF400, s26;
	s9 =	simm.s32 @!p0 $0x0;
	[sflag:s31] =	ssyncadd.s32 $0xFFFFF800  }
0x114: {  	[tilespmem:s9], [sflag:$0xA] =	stream.linear.gather @!p0 [hbm4b:s8+s9], $0x80, $0x38;
	[tilespmem:$0x4400] =	vst v63  }
0x115: {  	s8 =	simm.s32 @!p0 $0xA  }
0x116: {  	_ =	swait.ge @!p0 [sflag:s8], $0x80  }
0x117: {  	[sflag:s8] =	ssyncset.done @!p0 $0x0  }
0x118: {  	s11 =	simm.s32 @!p0 $0x80;
	[sflag:s8] =	ssyncadd.s32 @!p0 $0xFFFFFF80;
	s8 =	simm.s32 @!p0 $0x400  }
0x119: {  	[tilespmem:s8], [sflag:$0x1] =	stream.indirect.gather @!p0 [hbm4b:s3+s11], $0x10, s9, s11, $0xb8;
	[tilespmem:$0x4400] =	vst v63  }
0x11a: {  	_ =	swait.ge [sflag:s0], $0x800  }
0x11b: {  	[sflag:s0] =	ssyncset.done $0x0  }
0x11c: {  	s11 =	sadd.s32 $0x2000, s24;
	[sflag:s0] =	ssyncadd.s32 $0xFFFFF800  }
0x11d: {  	[hbm4b:s11+s2] =	stream.linear.scatter [tilespmem:s18], [sflag:$0xA], $0x800, $0x38;
	[tilespmem:$0x4400] =	vst v63  }
0x11e: {  	p0 =	sgt.u32 s5, $0x1869;
	_ =	swait.ge [sflag:s31], $0x800  }
0x11f: {  	s5 =	sadd.s32 @!p0 $0xFFFFF600, s26;
	[sflag:s31] =	ssyncset.done $0x0  }
0x120: {  	s8 =	simm.s32 @!p0 $0x80;
	s9 =	simm.s32 @!p0 $0x0;
	[sflag:s31] =	ssyncadd.s32 $0xFFFFF800  }
0x121: {  	[tilespmem:s8], [sflag:$0xA] =	stream.linear.gather @!p0 [hbm4b:s5+s9], $0x80, $0x38;
	[tilespmem:$0x4400] =	vst v63  }
0x122: {  	s5 =	simm.s32 @!p0 $0xA  }
0x123: {  	_ =	swait.ge @!p0 [sflag:s5], $0x80  }
0x124: {  	[sflag:s5] =	ssyncset.done @!p0 $0x0  }
0x125: {  	s9 =	simm.s32 @!p0 $0xC00;
	[sflag:s5] =	ssyncadd.s32 @!p0 $0xFFFFFF80  }
0x126: {  	[tilespmem:s9], [sflag:$0x2] =	stream.indirect.gather @!p0 [hbm4b:s3+s8], $0x10, s8, s8, $0xb8;
	[tilespmem:$0x4400] =	vst v63  }
0x127: {  	_ =	swait.ge [sflag:s1], $0x800  }
0x128: {  	[sflag:s1] =	ssyncset.done $0x0  }
0x129: {  	s12 =	sadd.s32 $0x140, s10;
	s13 =	sadd.s32 $0x4000, s24;
	[sflag:s1] =	ssyncadd.s32 $0xFFFFF800  }
0x12a: {  	[hbm4b:s13+s2] =	stream.linear.scatter [tilespmem:s20], [sflag:$0xA], $0x800, $0x38;
	[tilespmem:$0x4400] =	vst v63  }
0x12b: {  	p2 =	sgt.u32 s12, $0x1869;
	_ =	swait.ge [sflag:s31], $0x800  }
0x12c: {  	s5 =	sadd.s32 @!p2 $0xFFFFF800, s26;
	[sflag:s31] =	ssyncset.done $0x0  }
0x12d: {  	s8 =	simm.s32 @!p2 $0x100;
	s9 =	simm.s32 @!p2 $0x0;
	[sflag:s31] =	ssyncadd.s32 $0xFFFFF800  }
0x12e: {  	[tilespmem:s8], [sflag:$0xA] =	stream.linear.gather @!p2 [hbm4b:s5+s9], $0x80, $0x38;
	[tilespmem:$0x4400] =	vst v63  }
0x12f: {  	s5 =	simm.s32 @!p2 $0xA  }
0x130: {  	s14 =	sadd.s32 $0x60, s10;
	_ =	swait.ge @!p2 [sflag:s5], $0x80  }
0x131: {  	p0 =	sgt.u32 s14, $0x1869;
	[sflag:s5] =	ssyncset.done @!p2 $0x0  }
0x132: {  	s9 =	simm.s32 @!p2 $0x80;
	[sflag:s5] =	ssyncadd.s32 @!p2 $0xFFFFFF80;
	s5 =	simm.s32 @!p2 $0x1400  }
0x133: {  	[tilespmem:s5], [sflag:$0x3] =	stream.indirect.gather @!p2 [hbm4b:s3+s9], $0x10, s8, s9, $0xb8;
	[tilespmem:$0x4400] =	vst v63  }
0x134: {  	s5 =	simm.s32 @!p0 $0x4  }
0x135: {  	_ =	swait.ge @!p0 [sflag:s5], $0x800  }
0x136: {  	s8 =	simm.s32 @!p0 $0x1C00;
	[sflag:s5] =	ssyncset.done @!p0 $0x0  }
0x137: {  	s9 =	sadd.s32 @!p0 $0x6000, s24;
	[sflag:s5] =	ssyncadd.s32 @!p0 $0xFFFFF800;
	s5 =	simm.s32 @!p0 $0x0  }
0x138: {  	[hbm4b:s9+s5] =	stream.linear.scatter @!p0 [tilespmem:s8], [sflag:$0xA], $0x800, $0x38;
	[tilespmem:$0x4400] =	vst v63  }
0x139: {  	s15 =	sadd.s32 $0x160, s10;
	s8 =	simm.s32 @!p0 $0xA  }
0x13a: {  	p2 =	sgt.u32 s15, $0x1869;
	_ =	swait.ge @!p0 [sflag:s8], $0x800  }
0x13b: {  	s5 =	sadd.s32 @!p2 $0xFFFFFA00, s26;
	[sflag:s8] =	ssyncset.done @!p0 $0x0  }
0x13c: {  	s9 =	simm.s32 @!p2 $0x180;
	[sflag:s8] =	ssyncadd.s32 @!p0 $0xFFFFF800;
	s8 =	simm.s32 @!p2 $0x0  }
0x13d: {  	[tilespmem:s9], [sflag:$0xA] =	stream.linear.gather @!p2 [hbm4b:s5+s8], $0x80, $0x38;
	[tilespmem:$0x4400] =	vst v63  }
0x13e: {  	s5 =	simm.s32 @!p2 $0xA  }
0x13f: {  	s16 =	sadd.s32 $0x80, s10;
	_ =	swait.ge @!p2 [sflag:s5], $0x80  }
0x140: {  	p0 =	sgt.u32 s16, $0x1869;
	[sflag:s5] =	ssyncset.done @!p2 $0x0  }
0x141: {  	s8 =	simm.s32 @!p2 $0x80;
	[sflag:s5] =	ssyncadd.s32 @!p2 $0xFFFFFF80;
	s5 =	simm.s32 @!p2 $0x1C00  }
0x142: {  	[tilespmem:s5], [sflag:$0x4] =	stream.indirect.gather @!p2 [hbm4b:s3+s8], $0x10, s9, s8, $0xb8;
	[tilespmem:$0x4400] =	vst v63  }
0x143: {  	s5 =	simm.s32 @!p0 $0x5  }
0x144: {  	_ =	swait.ge @!p0 [sflag:s5], $0x800  }
0x145: {  	s8 =	simm.s32 @!p0 $0x2400;
	[sflag:s5] =	ssyncset.done @!p0 $0x0  }
0x146: {  	s9 =	sadd.s32 @!p0 $0x8000, s24;
	[sflag:s5] =	ssyncadd.s32 @!p0 $0xFFFFF800;
	s5 =	simm.s32 @!p0 $0x0  }
0x147: {  	[hbm4b:s9+s5] =	stream.linear.scatter @!p0 [tilespmem:s8], [sflag:$0xA], $0x800, $0x38;
	[tilespmem:$0x4400] =	vst v63  }
0x148: {  	s19 =	sadd.s32 $0x180, s10;
	s8 =	simm.s32 @!p0 $0xA  }
0x149: {  	p2 =	sgt.u32 s19, $0x1869;
	_ =	swait.ge @!p0 [sflag:s8], $0x800  }
0x14a: {  	s5 =	sadd.s32 @!p2 $0xFFFFFC00, s26;
	[sflag:s8] =	ssyncset.done @!p0 $0x0  }
0x14b: {  	s9 =	simm.s32 @!p2 $0x200;
	[sflag:s8] =	ssyncadd.s32 @!p0 $0xFFFFF800;
	s8 =	simm.s32 @!p2 $0x0  }
0x14c: {  	[tilespmem:s9], [sflag:$0xA] =	stream.linear.gather @!p2 [hbm4b:s5+s8], $0x80, $0x38;
	[tilespmem:$0x4400] =	vst v63  }
0x14d: {  	s5 =	simm.s32 @!p2 $0xA  }
0x14e: {  	s21 =	sadd.s32 $0xA0, s10;
	_ =	swait.ge @!p2 [sflag:s5], $0x80  }
0x14f: {  	p0 =	sgt.u32 s21, $0x1869;
	[sflag:s5] =	ssyncset.done @!p2 $0x0  }
0x150: {  	s8 =	simm.s32 @!p2 $0x80;
	[sflag:s5] =	ssyncadd.s32 @!p2 $0xFFFFFF80;
	s5 =	simm.s32 @!p2 $0x2400  }
0x151: {  	[tilespmem:s5], [sflag:$0x5] =	stream.indirect.gather @!p2 [hbm4b:s3+s8], $0x10, s9, s8, $0xb8;
	[tilespmem:$0x4400] =	vst v63  }
0x152: {  	s5 =	simm.s32 @!p0 $0x6  }
0x153: {  	_ =	swait.ge @!p0 [sflag:s5], $0x800  }
0x154: {  	s8 =	simm.s32 @!p0 $0x2C00;
	[sflag:s5] =	ssyncset.done @!p0 $0x0  }
0x155: {  	s9 =	sadd.s32 @!p0 $0xA000, s24;
	[sflag:s5] =	ssyncadd.s32 @!p0 $0xFFFFF800;
	s5 =	simm.s32 @!p0 $0x0  }
0x156: {  	[hbm4b:s9+s5] =	stream.linear.scatter @!p0 [tilespmem:s8], [sflag:$0xA], $0x800, $0x38;
	[tilespmem:$0x4400] =	vst v63  }
0x157: {  	s22 =	sadd.s32 $0x1A0, s10;
	s8 =	simm.s32 @!p0 $0xA  }
0x158: {  	p2 =	sgt.u32 s22, $0x1869;
	_ =	swait.ge @!p0 [sflag:s8], $0x800  }
0x159: {  	s5 =	sadd.s32 @!p2 $0xFFFFFE00, s26;
	[sflag:s8] =	ssyncset.done @!p0 $0x0  }
0x15a: {  	s9 =	simm.s32 @!p2 $0x280;
	[sflag:s8] =	ssyncadd.s32 @!p0 $0xFFFFF800;
	s8 =	simm.s32 @!p2 $0x0  }
0x15b: {  	[tilespmem:s9], [sflag:$0xA] =	stream.linear.gather @!p2 [hbm4b:s5+s8], $0x80, $0x38;
	[tilespmem:$0x4400] =	vst v63  }
0x15c: {  	s5 =	simm.s32 @!p2 $0xA  }
0x15d: {  	s23 =	sadd.s32 $0xC0, s10;
	_ =	swait.ge @!p2 [sflag:s5], $0x80  }
0x15e: {  	p0 =	sgt.u32 s23, $0x1869;
	[sflag:s5] =	ssyncset.done @!p2 $0x0  }
0x15f: {  	s8 =	simm.s32 @!p2 $0x80;
	[sflag:s5] =	ssyncadd.s32 @!p2 $0xFFFFFF80;
	s5 =	simm.s32 @!p2 $0x2C00  }
0x160: {  	[tilespmem:s5], [sflag:$0x6] =	stream.indirect.gather @!p2 [hbm4b:s3+s8], $0x10, s9, s8, $0xb8;
	[tilespmem:$0x4400] =	vst v63  }
0x161: {  	s5 =	simm.s32 @!p0 $0x7  }
0x162: {  	_ =	swait.ge @!p0 [sflag:s5], $0x800  }
0x163: {  	s8 =	simm.s32 @!p0 $0x3400;
	[sflag:s5] =	ssyncset.done @!p0 $0x0  }
0x164: {  	s9 =	sadd.s32 @!p0 $0xC000, s24;
	[sflag:s5] =	ssyncadd.s32 @!p0 $0xFFFFF800;
	s5 =	simm.s32 @!p0 $0x0  }
0x165: {  	[hbm4b:s9+s5] =	stream.linear.scatter @!p0 [tilespmem:s8], [sflag:$0xA], $0x800, $0x38;
	[tilespmem:$0x4400] =	vst v63  }
0x166: {  	s5 =	simm.s32 @!p0 $0xA  }
0x167: {  	s25 =	sadd.s32 $0x1C0, s10;
	_ =	swait.ge @!p0 [sflag:s5], $0x800  }
0x168: {  	p2 =	sgt.u32 s25, $0x1869;
	[sflag:s5] =	ssyncset.done @!p0 $0x0  }
0x169: {  	s8 =	simm.s32 @!p2 $0x0;
	[sflag:s5] =	ssyncadd.s32 @!p0 $0xFFFFF800;
	s5 =	simm.s32 @!p2 $0x300  }
0x16a: {  	[tilespmem:s5], [sflag:$0xA] =	stream.linear.gather @!p2 [hbm4b:s26+s8], $0x80, $0x38;
	[tilespmem:$0x4400] =	vst v63  }
0x16b: {  	s8 =	simm.s32 @!p2 $0xA  }
0x16c: {  	_ =	swait.ge @!p2 [sflag:s8], $0x80  }
0x16d: {  	s9 =	simm.s32 @!p2 $0x3400;
	[sflag:s8] =	ssyncset.done @!p2 $0x0  }
0x16e: {  	p0 =	por p1, p1;
	[sflag:s8] =	ssyncadd.s32 @!p2 $0xFFFFFF80;
	s8 =	simm.s32 @!p2 $0x80  }
0x16f: {  	[tilespmem:s9], [sflag:$0x7] =	stream.indirect.gather @!p2 [hbm4b:s3+s8], $0x10, s5, s8, $0xb8;
	[tilespmem:$0x4400] =	vst v63  }
0x170: {  	s5 =	simm.s32 @!p0 $0x8  }
0x171: {  	_ =	swait.ge @!p0 [sflag:s5], $0x800  }
0x172: {  	[sflag:s5] =	ssyncset.done @!p0 $0x0  }
0x173: {  	[sflag:s5] =	ssyncadd.s32 @!p0 $0xFFFFF800;
	s5 =	sadd.s32 @!p0 $0xE000, s24  }
0x174: {  	[hbm4b:s5+s6] =	stream.linear.scatter @!p0 [tilespmem:s7], [sflag:$0x9], $0x800, $0x38;
	[tilespmem:$0x4400] =	vst v63  }
0x175: {  	s5 =	simm.s32 @!p0 $0x9  }
0x176: {  	_ =	swait.ge @!p0 [sflag:s5], $0x800  }
0x177: {  	s28 =	rddreg [dreg:$0xc]  }
0x178: {  	s29 =	rddreg [dreg:$0x9];
	s7 =	sadd.s32 $0x1, s28  }
0x179: {  	p1 =	sne.s32 s7, s29  }
.Ltmp1:
0x17a: {  	_ = 	snop;
	(pc) =	sbr.rel @p1 .LBB2_1-.Ltmp1, $3  }
0x17b: {  	_ =	sdelay $0x1  }
0x17c: {  	[sflag:s5] =	ssyncset.done @!p0 $0x0  }
0x17d: {  	[sflag:s5] =	ssyncadd.s32 @!p0 $0xFFFFF800  }
0x17e: {  	_ =	sfence.sel $0x180000  }
0x17f: {  	[bflag:$0x0] =	sbarrier.arrive $0xFFFF  }
0x180: {  	_ =	strace $0x90000047  }
0x181: {  	s0 =	stileid.u32;
	[bflag:$0x2] =	sbarrier.arrive $0xFFFF  }
0x182: {  	p0 =	sne.s32 s0, $0x0;
	s0 =	rddreg [dreg:$0x1]  }
0x183: {  	s0 =	sadd.s32 @!p0 $0x100000, s0  }
0x184: {  	[sflag:s0] =	ssyncadd.tile.s32 @!p0 $0x1;
	_ =	shalt  }
.Lfunc_end2:
_tile_overlayer_lowered:
.L_overlay_start_2:
0x185: {  	(tag) =	ssettag $0x2  }
0x186: {  	s0 =	rddreg [dreg:$0x0];
	s2 =	stileid.u32  }
0x187: {  	s1 =	rddreg [dreg:$0x1];
	p0 =	sne.s32 s2, $0x0  }
0x188: {  	s3 =	rddreg [dreg:$0x2];
	[bflag:$0x3] =	sbarrier.arrive $0xFFFF;
	s2 =	simm.s32 @!p0 $0x1C09  }
0x189: {  	[timem:s3], [sflag:s2] =	dma.local @!p0 [hbm:s0], s1  }
0x18a: {  	s0 =	simm.s32 @!p0 $0x9  }
0x18b: {  	_ =	swait.ge @!p0 [sflag:s0], s1  }
0x18c: {  	s1 =	ssub.s32 @!p0 $0x0, s1;
	[sflag:s0] =	ssyncset.done @!p0 $0x0  }
0x18d: {  	[sflag:s0] =	ssyncadd.s32 @!p0 s1  }
0x18e: {  	[bflag:$0x3] =	sbarrier.arrive $0xFFFF  }
0x18f: {  	_ =	shalt  }

// kernel: kernel.14.cloned.1.call-start
scs
__scs_entry_jumppad:
0x0: {  	(pc) =	sbr.rel $0x88, $3  }
0x1: {  	(tag) =	ssettag $0x0;
	lr =	simm.s32 $0x1  }
0x2: {  	[smem:$0x3F84] =	sst lr;
	_ =	strace $0xD0000000  }
0x3: {  	_ = 	snop  }
0x4: {  	_ = 	snop  }
0x5: {  	_ = 	snop  }
0x6: {  	_ = 	snop  }
0x7: {  	_ = 	snop  }
__scs_overlays_trampoline_lowered:
0x8: {  	[smem:$0x3F93] =	sst s0  }
0x9: {  	[smem:$0x3F94] =	sst s1  }
0xa: {  	[smem:$0x3F95] =	sst s2  }
0xb: {  	[smem:$0x3F96] =	sst s3  }
0xc: {  	[smem:$0x3F97] =	sst s4  }
0xd: {  	[smem:$0x3F98] =	sst s5  }
0xe: {  	[smem:$0x3F99] =	sst s6  }
0xf: {  	[smem:$0x3F9A] =	sst s7  }
0x10: {  	[smem:$0x3F9B] =	sst s8  }
0x11: {  	[smem:$0x3F9C] =	sst s9;
	s0 =	simm.s32 @!p0 $0x0  }
0x12: {  	s1 =	sld [smem:$0x3F82];
	s0 =	simm.s32 @p0 $0x1  }
0x13: {  	[smem:$0x3F9D] =	sst s0;
	s0 =	simm.s32 @!p1 $0x0  }
0x14: {  	s2 =	sld [smem:$0x3F81];
	s0 =	simm.s32 @p1 $0x1  }
0x15: {  	[smem:$0x3F9E] =	sst s0;
	s0 =	simm.s32 @!p2 $0x0  }
0x16: {  	s3 =	sld [smem:$0x3FDB];
	s0 =	simm.s32 @p2 $0x1  }
0x17: {  	s4 =	simm.s32 $0x1BF5;
	[smem:$0x3FA0] =	sst s0  }
0x18: {  	s0 =	sld [smem:$0x3F83];
	_ =	swait.ge [sflag:s4], $0x0  }
0x19: {  	s7 =	sld [smem:$0x3F84]  }
0x1a: {  	s8 =	sadd.s32 $0xFFFFE003, lr  }
0x1b: {  	s9 =	sadd.s32 $0xFFFFFEF7, lr;
	s5 =	simm.s32 $0xFFFFFFFF;
	p2 =	slt.u32 s8, $0xFFFFF086  }
0x1c: {  	p1 =	slt.u32 s9, $0xF7A;
	s5 =	simm.s32 @!p2 $0x0  }
0x1d: {  	s5 =	simm.s32 @p1 $0x1;
	p0 =	seq.s32 s7, s2  }
0x1e: {  	s7 =	smul.u32 @!p0 $0xF7A, s2;
	p2 =	seq.s32 @!p0 s5, $0x0  }
0x1f: {  	s9 =	smul.u32 $0xF7A, s1;
	s8 =	simm.s32 @!p0 $0x1BF5;
	p2 =	por !p2, p0  }
0x20: {  	[sflag:s8] =	ssyncset.s32 @!p0 $0xFFFFF086;
	s6 =	sadd.s32 @!p0 s3, s7;
	s7 =	simm.s32 @!p0 $0x108  }
0x21: {  	s3 =	sadd.s32 s3, s9;
	s6 =	sadd.s32 @!p0 $0x88, s6;
	s7 =	simm.s32 @p2 $0x1082  }
0x22: {  	[simem:s7], [sflag:s8] =	dma.local @!p0 [hbm:s6], $0xF7A  }
0x23: {  	s9 =	sor.u32 $0xD0000000, s2;
	s6 =	simm.s32 $0x108;
	_ =	swait.ge @!p0 [sflag:s8], $0x0  }
0x24: {  	s3 =	sadd.s32 $0x88, s3;
	s6 =	simm.s32 @!p1 $0x1082;
	[sflag:s4] =	ssyncset.s32 $0xFFFFF086  }
0x25: {  	[simem:s6], [sflag:s4] =	dma.local [hbm:s3], $0xF7A  }
0x26: {  	[smem:$0x3F84] =	sst s1;
	(tag) =	ssettag s2;
	_ =	strace s9  }
0x27: {  	s1 =	sld [smem:$0x3F94]  }
0x28: {  	s2 =	sld [smem:$0x3F95]  }
0x29: {  	s4 =	sld [smem:$0x3F97]  }
0x2a: {  	p0 =	seq.s32 s5, $0x0;
	s5 =	sld [smem:$0x3F98]  }
0x2b: {  	s6 =	sld [smem:$0x3F99]  }
0x2c: {  	s7 =	sld [smem:$0x3F9A]  }
0x2d: {  	s3 =	simm.s32 $0x108;
	s8 =	sld [smem:$0x3F9B]  }
0x2e: {  	s3 =	simm.s32 @!p0 $0x1082;
	s9 =	sld [smem:$0x3F9C]  }
0x2f: {  	lr =	sadd.s32 s0, s3;
	s0 =	sld [smem:$0x3F93]  }
0x30: {  	s3 =	sld [smem:$0x3F96]  }
0x31: {  	[smem:$0x3F9F] =	sst s10  }
0x32: {  	s10 =	sld [smem:$0x3F9D];
	_ =	sdelay $0x3  }
0x33: {  	p0 =	seq.s32 s10, $0x1;
	s10 =	sld [smem:$0x3F9F];
	_ =	sdelay $0x3  }
0x34: {  	[smem:$0x3F9F] =	sst s10  }
0x35: {  	s10 =	sld [smem:$0x3F9E];
	_ =	sdelay $0x3  }
0x36: {  	p1 =	seq.s32 s10, $0x1;
	s10 =	sld [smem:$0x3F9F];
	_ =	sdelay $0x3  }
0x37: {  	[smem:$0x3F9F] =	sst s10  }
0x38: {  	s10 =	sld [smem:$0x3FA0]  }
0x39: {  	_ = 	snop;
	(pc) =	sbr.ind lr, $3  }
0x3a: {  	_ = 	snop  }
0x3b: {  	_ = 	snop  }
0x3c: {  	p2 =	seq.s32 s10, $0x1;
	s10 =	sld [smem:$0x3F9F]  }
0x3d: {  	_ =	shalt  }
0x3e: {  	_ =	shalt  }
0x3f: {  	_ =	shalt  }
0x40: {  	_ =	shalt  }
0x41: {  	_ =	shalt  }
0x42: {  	_ =	shalt  }
0x43: {  	_ =	shalt  }
0x44: {  	_ =	shalt  }
0x45: {  	_ =	shalt  }
0x46: {  	_ =	shalt  }
0x47: {  	_ =	shalt  }
0x48: {  	_ =	shalt  }
0x49: {  	_ =	shalt  }
0x4a: {  	_ =	shalt  }
0x4b: {  	_ =	shalt  }
0x4c: {  	_ =	shalt  }
0x4d: {  	_ =	shalt  }
0x4e: {  	_ =	shalt  }
0x4f: {  	_ =	shalt  }
0x50: {  	_ =	shalt  }
0x51: {  	_ =	shalt  }
0x52: {  	_ =	shalt  }
0x53: {  	_ =	shalt  }
0x54: {  	_ =	shalt  }
0x55: {  	_ =	shalt  }
0x56: {  	_ =	shalt  }
0x57: {  	_ =	shalt  }
0x58: {  	_ =	shalt  }
0x59: {  	_ =	shalt  }
0x5a: {  	_ =	shalt  }
0x5b: {  	_ =	shalt  }
0x5c: {  	_ =	shalt  }
0x5d: {  	_ =	shalt  }
0x5e: {  	_ =	shalt  }
0x5f: {  	_ =	shalt  }
0x60: {  	_ =	shalt  }
0x61: {  	_ =	shalt  }
0x62: {  	_ =	shalt  }
0x63: {  	_ =	shalt  }
0x64: {  	_ =	shalt  }
0x65: {  	_ =	shalt  }
0x66: {  	_ =	shalt  }
0x67: {  	_ =	shalt  }
0x68: {  	_ =	shalt  }
0x69: {  	_ =	shalt  }
0x6a: {  	_ =	shalt  }
0x6b: {  	_ =	shalt  }
0x6c: {  	_ =	shalt  }
0x6d: {  	_ =	shalt  }
0x6e: {  	_ =	shalt  }
0x6f: {  	_ =	shalt  }
0x70: {  	_ =	shalt  }
0x71: {  	_ =	shalt  }
0x72: {  	_ =	shalt  }
0x73: {  	_ =	shalt  }
0x74: {  	_ =	shalt  }
0x75: {  	_ =	shalt  }
0x76: {  	_ =	shalt  }
0x77: {  	_ =	shalt  }
0x78: {  	_ =	shalt  }
0x79: {  	_ =	shalt  }
0x7a: {  	_ =	shalt  }
0x7b: {  	_ =	shalt  }
0x7c: {  	_ =	shalt  }
0x7d: {  	_ =	shalt  }
0x7e: {  	_ =	shalt  }
0x7f: {  	_ =	shalt  }
0x80: {  	_ =	shalt  }
0x81: {  	_ =	shalt  }
0x82: {  	_ =	shalt  }
0x83: {  	_ =	shalt  }
0x84: {  	_ =	shalt  }
0x85: {  	_ =	shalt  }
0x86: {  	_ =	shalt  }
0x87: {  	_ =	shalt  }
.Lfunc_end0:
.L_simem_size_0:
called_computation.1_lowered:
.L_overlay_start_0:
0x88: {  	s2 =	sld [smem:$0x3FD9]  }
0x89: {  	s3 =	sld [smem:$0x3FFE];
	_ =	sdelay $0x1  }
0x8a: {  	s1 =	srdreg.scid  }
0x8b: {  	s0 =	sand.u32 $0x1, s1  }
0x8c: {  	s17 =	sshll.u32 s0, $0xA;
	s2 =	sadd.s32 s3, s2  }
0x8d: {  	s2 =	sadd.s32 s2, s17  }
0x8e: {  	[smem:$0x3FAB] =	sst s2  }
0x8f: {  	_ = 	snop  }
0x90: {  	s18 =	sld [smem:$0x3FD0];
	(tm) =	ssettm $0x1  }
0x91: {  	s19 =	sld [smem:$0x3FFB];
	_ =	sdelay $0x3  }
0x92: {  	_ =	strace s19  }
0x93: {  	s2 =	sld [smem:$0x3FFC];
	_ =	sdelay $0x3  }
0x94: {  	_ =	strace s2  }
0x95: {  	s2 =	sld [smem:$0x3FFD];
	_ =	sdelay $0x3  }
0x96: {  	_ =	strace s2  }
0x97: {  	_ =	strace $0x8FFFFFFF  }
0x98: {  	s20 =	sld [smem:$0x3FDB];
	_ =	sdelay $0x1  }
0x99: {  	s4 =	simm.s32 $_scs_section_size  }
0x9a: {  	s5 =	simm.s32 $_size__tile_overlayer_lowered;
	s6 =	simm.s32 $_tile_overlayer_lowered  }
0x9b: {  	s7 =	simm.s32 $0x1BFF;
	s21 =	sshll.u32 s6, $0x1;
	s4 =	sadd.s32 s4, s20  }
0x9c: {  	s22 =	simm.s32 $0x0;
	s5 =	sshll.u32 s5, $0x1;
	s6 =	sadd.s32 s21, s4  }
0x9d: {  	[timem:s22], [sflag:s7] =	dma.local [hbm:s6], s5  }
0x9e: {  	_ =	swait.ge [sflag:s7], s5  }
0x9f: {  	s5 =	ssub.s32 $0x0, s5;
	[sflag:s7] =	ssyncset.done $0x0  }
0xa0: {  	[sflag:s7] =	ssyncadd.s32 s5;
	_ =	sdelay $0x1  }
0xa1: {  	s23 =	simm.s32 $0x1B8B  }
0xa2: {  	_ =	swait.ge [sflag:s23], $0x1  }
0xa3: {  	[sflag:s23] =	ssyncset.done $0x0  }
0xa4: {  	[sflag:s23] =	ssyncadd.s32 $0xFFFFFFFF  }
0xa5: {  	s5 =	sld [smem:$0x0]  }
0xa6: {  	s6 =	sand.u32 $0xFFFFFFFE, s1  }
0xa7: {  	p0 =	sne.s32 s1, s6  }
0xa8: {  	s6 =	sshll.u32 @p0 s6, $0xE  }
0xa9: {  	s6 =	sadd.s32 @p0 $0x11B8D, s6;
	s7 =	sshll.u32 @p0 s5, $0x11  }
0xaa: {  	s6 =	sor.u32 @p0 s7, s6  }
0xab: {  	[sflag:s6] =	ssyncadd.remote.s32 @p0 $0x1;
	_ =	sdelay $0x1  }
0xac: {  	s6 =	simm.s32 @p0 $0x1B8D  }
0xad: {  	_ =	swait.eq @p0 [sflag:s6], $0x1  }
0xae: {  	[sflag:s6] =	ssyncadd.s32 @p0 $0xFFFFFFFF  }
0xaf: {  	s7 =	sshll.u32 @!p0 s1, $0xE  }
0xb0: {  	s7 =	sor.u32 @!p0 $0x4000, s7;
	s6 =	simm.s32 @!p0 $0x1B8D  }
0xb1: {  	s5 =	sshll.u32 @!p0 s5, $0x11;
	s7 =	sadd.s32 @!p0 $0x11B8D, s7;
	_ =	swait.eq @!p0 [sflag:s6], $0x1  }
0xb2: {  	s5 =	sor.u32 @!p0 s5, s7;
	[sflag:s6] =	ssyncadd.s32 @!p0 $0xFFFFFFFF  }
0xb3: {  	s25 =	simm.s32 $0x1B8E;
	s24 =	sld [smem:$0x3FFE];
	[sflag:s5] =	ssyncadd.remote.s32 @!p0 $0x1  }
0xb4: {  	s26 =	simm.s32 $execute0_lowered;
	[smem:$0x3FD2] =	sst s25  }
0xb5: {  	s6 =	sshll.u32 s26, $0x1;
	_ =	strace $0x80000049;
	[dreg:$0x1] =	wrdreg $0xFFFFFFFF  }
0xb6: {  	s28 =	simm.s32 $_size_execute0_lowered;
	s4 =	sadd.s32 s4, s6;
	[dreg:$0x0] =	wrdreg $0x0  }
0xb7: {  	s6 =	sshll.u32 s28, $0x1;
	[dreg:$0x2] =	wrdreg s4  }
0xb8: {  	[dreg:$0x3] =	wrdreg s6  }
0xb9: {  	[dreg:$0x4] =	wrdreg $0xC0  }
0xba: {  	_ =	task [dreg:s22], $0x5FFFF  }
0xbb: {  	[dreg:$0x1] =	wrdreg $0xFFFFFFFF  }
0xbc: {  	[dreg:$0x0] =	wrdreg $0x60  }
0xbd: {  	[dreg:$0x2] =	wrdreg s18  }
0xbe: {  	[dreg:$0x3] =	wrdreg s24  }
0xbf: {  	[dreg:$0x4] =	wrdreg $0xA  }
0xc0: {  	_ =	task.clear_ibuf [dreg:s22], $0x5FFFF;
	_ =	strace $0x90000049  }
0xc1: {  	s29 =	simm.s32 $0xA;
	_ =	strace $0x8000004B  }
0xc2: {  	_ =	swait.ge [sflag:s29], $0x1  }
0xc3: {  	[sflag:s29] =	ssyncadd.s32 $0xFFFFFFFF  }
0xc4: {  	_ =	strace $0x9000004B  }
0xc5: {  	_ =	sfence  }
0xc6: {  	s30 =	sld [smem:$0x0];
	_ =	sdelay $0x2  }
0xc7: {  	s31 =	sshll.u32 s1, $0xD;
	s1 =	sshrl.u32 s1, $0x2  }
0xc8: {  	s4 =	sand.u32 $0x4000, s31;
	s1 =	sadd.s32 s1, s30  }
0xc9: {  	s0 =	sor.u32 s4, s0;
	s1 =	sshll.u32 s1, $0x11  }
0xca: {  	s0 =	sor.u32 s1, s0  }
0xcb: {  	s0 =	sadd.s32 $0x8F2B, s0  }
0xcc: {  	[sflag:s0] =	ssyncadd.remote.s32 $0x1  }
0xcd: {  	_ =	sfence.sel $0xFFFF  }
0xce: {  	[dreg:$0x0] =	wrdreg $0xFFFFFFFF;
	(pc) =	sbr.abs _section_cstart, $3  }
0xcf: {  	[dreg:$0x1] =	wrdreg $0xFFFFFFFF  }
0xd0: {  	_ =	task.clear_ibuf [dreg:s22], $0x2FFFF;
	_ =	strace $0x9FFFFFFF  }
0xd1: {  	(tm) =	ssettm $0x7FFFFFFF  }
tec
execute0_lowered:
.L_overlay_start_1:
0x0: {  	(tag) =	ssettag $0x1  }
0x1: {  	s2 =	rddreg [dreg:$0x0]  }
0x2: {  	s0 =	rddreg [dreg:$0x1];
	s3 =	simm.s32 $0x0  }
0x3: {  	s10 =	stileid.u32;
	s1 =	srdreg.scid;
	s17 =	simm.s32 $0x400  }
0x4: {  	s18 =	simm.s32 $0x2400;
	s20 =	simm.s32 $0x4400;
	s1 =	sand.u32 $0x1, s1  }
0x5: {  	s4 =	sshll.u32 s10, $0x1;
	s5 =	sadd.s32 $0x8600, s0;
	s8 =	sshll.u32 s10, $0xB  }
0x6: {  	s4 =	sor.u32 s1, s4;
	s6 =	ssub.s32 $0x2, s1;
	s0 =	sadd.s32 s8, s0  }
0x7: {  	s28 =	sshll.u32 s1, $0x4;
	s1 =	sshll.u32 s1, $0xA;
	s7 =	sshll.u32 s4, $0x4  }
0x8: {  	[smem:$0x7FF] =	sst s3;
	s0 =	sadd.s32 s1, s0;
	s7 =	sadd.s32 s5, s7  }
0x9: {  	_ =	strace $0x8000004A;
	s0 =	sadd.s32 $0x1C0200, s0;
	[dreg:$0x3] =	wrdreg s7  }
0xa: {  	s30 =	simm.s32 $0x1;
	s21 =	sadd.s32 $0x200, s7;
	[dreg:$0xc] =	wrdreg s0  }
0xb: {  	s31 =	simm.s32 $0xA;
	s22 =	sadd.s32 $0x400, s7;
	[dreg:$0x4] =	wrdreg s21  }
0xc: {  	s26 =	sshll.u32 s10, $0x5;
	s23 =	sadd.s32 $0x600, s7;
	[dreg:$0x5] =	wrdreg s22  }
0xd: {  	s9 =	sshrl.u32 s6, $0x1;
	s24 =	sadd.s32 $0x800, s7;
	[dreg:$0x6] =	wrdreg s23  }
0xe: {  	s6 =	ssub.s32 s6, s9;
	s25 =	sadd.s32 $0xA00, s7;
	[dreg:$0x7] =	wrdreg s24  }
0xf: {  	s5 =	sadd.s32 s26, s5;
	s7 =	sadd.s32 $0xC00, s7;
	[dreg:$0x8] =	wrdreg s25  }
0x10: {  	s6 =	smax.u32 s6, $0x1;
	s5 =	sadd.s32 s28, s5;
	[dreg:$0x9] =	wrdreg s7  }
0x11: {  	s1 =	simm.s32 $0x3;
	[dreg:$0xa] =	wrdreg s6;
	s29 =	sadd.s32 $0x1C00, s5  }
0x12: {  	s0 =	simm.s32 $0x2;
	s7 =	simm.s32 $0x0;
	[dreg:$0xb] =	wrdreg s29  }
.LBB2_1:
0x13: {  	[dreg:$0xd] =	wrdreg s7  }
0x14: {  	s5 =	rddreg [dreg:$0x3];
	s6 =	simm.s32 $0x9  }
0x15: {  	[tilespmem:s3], [sflag:$0x9] =	stream.linear.gather [hbm4b:s5+s3], $0x80, $0x38;
	[tilespmem:$0x10400] =	vst v63  }
0x16: {  	_ =	swait.ge [sflag:s6], $0x80  }
0x17: {  	[sflag:s6] =	ssyncset.done $0x0  }
0x18: {  	s9 =	simm.s32 $0x80;
	[sflag:s6] =	ssyncadd.s32 $0xFFFFFF80  }
0x19: {  	[tilespmem:s17], [sflag:$0x1] =	stream.indirect.gather [hbm4b:s2+s9], $0x40, s3, s9, $0xb8;
	[tilespmem:$0x10400] =	vst v63  }
0x1a: {  	s10 =	rddreg [dreg:$0x4]  }
0x1b: {  	[tilespmem:s9], [sflag:$0x9] =	stream.linear.gather [hbm4b:s10+s3], $0x80, $0x38;
	[tilespmem:$0x10400] =	vst v63  }
0x1c: {  	_ =	swait.ge [sflag:s6], $0x80  }
0x1d: {  	[sflag:s6] =	ssyncset.done $0x0  }
0x1e: {  	[sflag:s6] =	ssyncadd.s32 $0xFFFFFF80  }
0x1f: {  	[tilespmem:s18], [sflag:$0x2] =	stream.indirect.gather [hbm4b:s2+s9], $0x40, s9, s9, $0xb8;
	[tilespmem:$0x10400] =	vst v63  }
0x20: {  	s8 =	simm.s32 $0x100;
	s11 =	rddreg [dreg:$0x5]  }
0x21: {  	[tilespmem:s8], [sflag:$0x9] =	stream.linear.gather [hbm4b:s11+s3], $0x80, $0x38;
	[tilespmem:$0x10400] =	vst v63  }
0x22: {  	_ =	swait.ge [sflag:s6], $0x80  }
0x23: {  	[sflag:s6] =	ssyncset.done $0x0  }
0x24: {  	[sflag:s6] =	ssyncadd.s32 $0xFFFFFF80  }
0x25: {  	[tilespmem:s20], [sflag:$0x3] =	stream.indirect.gather [hbm4b:s2+s9], $0x40, s8, s9, $0xb8;
	[tilespmem:$0x10400] =	vst v63  }
0x26: {  	s13 =	simm.s32 $0x180;
	s12 =	rddreg [dreg:$0x6]  }
0x27: {  	[tilespmem:s13], [sflag:$0x9] =	stream.linear.gather [hbm4b:s12+s3], $0x80, $0x38;
	[tilespmem:$0x10400] =	vst v63  }
0x28: {  	_ =	swait.ge [sflag:s6], $0x80  }
0x29: {  	[sflag:s6] =	ssyncset.done $0x0  }
0x2a: {  	s14 =	simm.s32 $0x6400;
	[sflag:s6] =	ssyncadd.s32 $0xFFFFFF80  }
0x2b: {  	[tilespmem:s14], [sflag:$0x4] =	stream.indirect.gather [hbm4b:s2+s9], $0x40, s13, s9, $0xb8;
	[tilespmem:$0x10400] =	vst v63  }
0x2c: {  	s16 =	simm.s32 $0x200;
	s15 =	rddreg [dreg:$0x7]  }
0x2d: {  	[tilespmem:s16], [sflag:$0x9] =	stream.linear.gather [hbm4b:s15+s3], $0x80, $0x38;
	[tilespmem:$0x10400] =	vst v63  }
0x2e: {  	_ =	swait.ge [sflag:s6], $0x80  }
0x2f: {  	[sflag:s6] =	ssyncset.done $0x0  }
0x30: {  	s19 =	simm.s32 $0x8400;
	[sflag:s6] =	ssyncadd.s32 $0xFFFFFF80  }
0x31: {  	[tilespmem:s19], [sflag:$0x5] =	stream.indirect.gather [hbm4b:s2+s9], $0x40, s16, s9, $0xb8;
	[tilespmem:$0x10400] =	vst v63  }
0x32: {  	s22 =	simm.s32 $0x280;
	s21 =	rddreg [dreg:$0x8]  }
0x33: {  	[tilespmem:s22], [sflag:$0x9] =	stream.linear.gather [hbm4b:s21+s3], $0x80, $0x38;
	[tilespmem:$0x10400] =	vst v63  }
0x34: {  	_ =	swait.ge [sflag:s6], $0x80  }
0x35: {  	[sflag:s6] =	ssyncset.done $0x0  }
0x36: {  	s23 =	simm.s32 $0xA400;
	[sflag:s6] =	ssyncadd.s32 $0xFFFFFF80  }
0x37: {  	[tilespmem:s23], [sflag:$0x6] =	stream.indirect.gather [hbm4b:s2+s9], $0x40, s22, s9, $0xb8;
	[tilespmem:$0x10400] =	vst v63  }
0x38: {  	s25 =	simm.s32 $0x300;
	s24 =	rddreg [dreg:$0x9]  }
0x39: {  	[tilespmem:s25], [sflag:$0x9] =	stream.linear.gather [hbm4b:s24+s3], $0x80, $0x38;
	[tilespmem:$0x10400] =	vst v63  }
0x3a: {  	_ =	swait.ge [sflag:s6], $0x80  }
0x3b: {  	[sflag:s6] =	ssyncset.done $0x0  }
0x3c: {  	s26 =	simm.s32 $0xC400;
	s28 =	sadd.s32 $0x0, s4;
	[sflag:s6] =	ssyncadd.s32 $0xFFFFFF80  }
0x3d: {  	[tilespmem:s26], [sflag:$0x7] =	stream.indirect.gather [hbm4b:s2+s9], $0x40, s25, s9, $0xb8;
	[tilespmem:$0x10400] =	vst v63  }
0x3e: {  	s9 =	sadd.s32 $0xE0, s28  }
0x3f: {  	s12 =	rddreg [dreg:$0xb];
	p0 =	sgt.u32 s9, $0x1869  }
0x40: {  	s5 =	sadd.s32 @!p0 $0xFFFFF200, s12  }
0x41: {  	s6 =	simm.s32 @!p0 $0x0;
	s9 =	simm.s32 @!p0 $0x380;
	s7 =	simm.s32 @!p0 $0xA  }
0x42: {  	[tilespmem:s9], [sflag:$0xA] =	stream.linear.gather @!p0 [hbm4b:s5+s6], $0x80, $0x38;
	[tilespmem:$0x10400] =	vst v63  }
0x43: {  	_ =	swait.ge @!p0 [sflag:s7], $0x80  }
0x44: {  	[sflag:s7] =	ssyncset.done @!p0 $0x0  }
0x45: {  	s5 =	simm.s32 @!p0 $0x80;
	[sflag:s7] =	ssyncadd.s32 @!p0 $0xFFFFFF80;
	s7 =	simm.s32 @!p0 $0xE400  }
0x46: {  	[tilespmem:s7], [sflag:$0x8] =	stream.indirect.gather @!p0 [hbm4b:s2+s5], $0x40, s9, s5, $0xb8;
	[tilespmem:$0x10400] =	vst v63  }
0x47: {  	_ =	swait.ge [sflag:s30], $0x2000  }
0x48: {  	[sflag:s30] =	ssyncset.done $0x0  }
0x49: {  	s13 =	rddreg [dreg:$0xc];
	[sflag:s30] =	ssyncadd.s32 $0xFFFFE000  }
0x4a: {  	[hbm4b:s13+s3] =	stream.linear.scatter [tilespmem:s17], [sflag:$0xA], $0x2000, $0x38;
	[tilespmem:$0x10400] =	vst v63  }
0x4b: {  	s10 =	sadd.s32 $0x100, s28;
	_ =	swait.ge [sflag:s31], $0x2000  }
0x4c: {  	p1 =	sgt.u32 s10, $0x1869;
	[sflag:s31] =	ssyncset.done $0x0  }
0x4d: {  	s5 =	sadd.s32 @!p1 $0xFFFFF400, s12;
	s9 =	simm.s32 @!p1 $0x0;
	[sflag:s31] =	ssyncadd.s32 $0xFFFFE000  }
0x4e: {  	[tilespmem:s9], [sflag:$0xA] =	stream.linear.gather @!p1 [hbm4b:s5+s9], $0x80, $0x38;
	[tilespmem:$0x10400] =	vst v63  }
0x4f: {  	s5 =	simm.s32 @!p1 $0xA  }
0x50: {  	_ =	swait.ge @!p1 [sflag:s5], $0x80  }
0x51: {  	[sflag:s5] =	ssyncset.done @!p1 $0x0  }
0x52: {  	s10 =	simm.s32 @!p1 $0x80;
	s11 =	simm.s32 @!p1 $0x400;
	[sflag:s5] =	ssyncadd.s32 @!p1 $0xFFFFFF80  }
0x53: {  	[tilespmem:s11], [sflag:$0x1] =	stream.indirect.gather @!p1 [hbm4b:s2+s10], $0x40, s9, s10, $0xb8;
	[tilespmem:$0x10400] =	vst v63  }
0x54: {  	_ =	swait.ge [sflag:s0], $0x2000  }
0x55: {  	[sflag:s0] =	ssyncset.done $0x0  }
0x56: {  	s14 =	sadd.s32 $0x8000, s13;
	s11 =	sadd.s32 $0x120, s28;
	[sflag:s0] =	ssyncadd.s32 $0xFFFFE000  }
0x57: {  	[hbm4b:s14+s3] =	stream.linear.scatter [tilespmem:s18], [sflag:$0xA], $0x2000, $0x38;
	[tilespmem:$0x10400] =	vst v63  }
0x58: {  	p1 =	sgt.u32 s11, $0x1869;
	_ =	swait.ge [sflag:s31], $0x2000  }
0x59: {  	s5 =	sadd.s32 @!p1 $0xFFFFF600, s12;
	s9 =	simm.s32 @!p1 $0x80;
	[sflag:s31] =	ssyncset.done $0x0  }
0x5a: {  	s10 =	simm.s32 @!p1 $0x0;
	s11 =	simm.s32 @!p1 $0xA;
	[sflag:s31] =	ssyncadd.s32 $0xFFFFE000  }
0x5b: {  	[tilespmem:s9], [sflag:$0xA] =	stream.linear.gather @!p1 [hbm4b:s5+s10], $0x80, $0x38;
	[tilespmem:$0x10400] =	vst v63  }
0x5c: {  	_ =	swait.ge @!p1 [sflag:s11], $0x80  }
0x5d: {  	[sflag:s11] =	ssyncset.done @!p1 $0x0  }
0x5e: {  	s5 =	simm.s32 @!p1 $0x2400;
	[sflag:s11] =	ssyncadd.s32 @!p1 $0xFFFFFF80  }
0x5f: {  	[tilespmem:s5], [sflag:$0x2] =	stream.indirect.gather @!p1 [hbm4b:s2+s9], $0x40, s9, s9, $0xb8;
	[tilespmem:$0x10400] =	vst v63  }
0x60: {  	_ =	swait.ge [sflag:s1], $0x2000  }
0x61: {  	[sflag:s1] =	ssyncset.done $0x0  }
0x62: {  	s15 =	sadd.s32 $0x140, s28;
	s16 =	sadd.s32 $0x10000, s13;
	[sflag:s1] =	ssyncadd.s32 $0xFFFFE000  }
0x63: {  	[hbm4b:s16+s3] =	stream.linear.scatter [tilespmem:s20], [sflag:$0xA], $0x2000, $0x38;
	[tilespmem:$0x10400] =	vst v63  }
0x64: {  	p2 =	sgt.u32 s15, $0x1869;
	_ =	swait.ge [sflag:s31], $0x2000  }
0x65: {  	s10 =	simm.s32 @!p2 $0x0;
	s11 =	simm.s32 @!p2 $0xA;
	[sflag:s31] =	ssyncset.done $0x0  }
0x66: {  	s5 =	sadd.s32 @!p2 $0xFFFFF800, s12;
	s9 =	simm.s32 @!p2 $0x100;
	[sflag:s31] =	ssyncadd.s32 $0xFFFFE000  }
0x67: {  	[tilespmem:s9], [sflag:$0xA] =	stream.linear.gather @!p2 [hbm4b:s5+s10], $0x80, $0x38;
	[tilespmem:$0x10400] =	vst v63  }
0x68: {  	s19 =	sadd.s32 $0x60, s28;
	_ =	swait.ge @!p2 [sflag:s11], $0x80  }
0x69: {  	p1 =	sgt.u32 s19, $0x1869;
	s5 =	simm.s32 @!p2 $0x80;
	[sflag:s11] =	ssyncset.done @!p2 $0x0  }
0x6a: {  	s10 =	simm.s32 @!p2 $0x4400;
	[sflag:s11] =	ssyncadd.s32 @!p2 $0xFFFFFF80;
	s11 =	simm.s32 @!p1 $0x4  }
0x6b: {  	[tilespmem:s10], [sflag:$0x3] =	stream.indirect.gather @!p2 [hbm4b:s2+s5], $0x40, s9, s5, $0xb8;
	[tilespmem:$0x10400] =	vst v63  }
0x6c: {  	_ =	swait.ge @!p1 [sflag:s11], $0x2000  }
0x6d: {  	s5 =	simm.s32 @!p1 $0x6400;
	[sflag:s11] =	ssyncset.done @!p1 $0x0  }
0x6e: {  	s9 =	sadd.s32 @!p1 $0x18000, s13;
	s10 =	simm.s32 @!p1 $0x0;
	[sflag:s11] =	ssyncadd.s32 @!p1 $0xFFFFE000  }
0x6f: {  	[hbm4b:s9+s10] =	stream.linear.scatter @!p1 [tilespmem:s5], [sflag:$0xA], $0x2000, $0x38;
	[tilespmem:$0x10400] =	vst v63  }
0x70: {  	s21 =	sadd.s32 $0x160, s28;
	s9 =	simm.s32 @!p1 $0xA  }
0x71: {  	p2 =	sgt.u32 s21, $0x1869;
	_ =	swait.ge @!p1 [sflag:s9], $0x2000  }
0x72: {  	s11 =	simm.s32 @!p2 $0xA;
	s5 =	sadd.s32 @!p2 $0xFFFFFA00, s12;
	[sflag:s9] =	ssyncset.done @!p1 $0x0  }
0x73: {  	s10 =	simm.s32 @!p2 $0x180;
	[sflag:s9] =	ssyncadd.s32 @!p1 $0xFFFFE000;
	s9 =	simm.s32 @!p2 $0x0  }
0x74: {  	[tilespmem:s10], [sflag:$0xA] =	stream.linear.gather @!p2 [hbm4b:s5+s9], $0x80, $0x38;
	[tilespmem:$0x10400] =	vst v63  }
0x75: {  	s22 =	sadd.s32 $0x80, s28;
	_ =	swait.ge @!p2 [sflag:s11], $0x80  }
0x76: {  	p1 =	sgt.u32 s22, $0x1869;
	s5 =	simm.s32 @!p2 $0x80;
	[sflag:s11] =	ssyncset.done @!p2 $0x0  }
0x77: {  	s9 =	simm.s32 @!p2 $0x6400;
	[sflag:s11] =	ssyncadd.s32 @!p2 $0xFFFFFF80;
	s11 =	simm.s32 @!p1 $0x5  }
0x78: {  	[tilespmem:s9], [sflag:$0x4] =	stream.indirect.gather @!p2 [hbm4b:s2+s5], $0x40, s10, s5, $0xb8;
	[tilespmem:$0x10400] =	vst v63  }
0x79: {  	_ =	swait.ge @!p1 [sflag:s11], $0x2000  }
0x7a: {  	s5 =	simm.s32 @!p1 $0x8400;
	[sflag:s11] =	ssyncset.done @!p1 $0x0  }
0x7b: {  	s9 =	sadd.s32 @!p1 $0x20000, s13;
	s10 =	simm.s32 @!p1 $0x0;
	[sflag:s11] =	ssyncadd.s32 @!p1 $0xFFFFE000  }
0x7c: {  	[hbm4b:s9+s10] =	stream.linear.scatter @!p1 [tilespmem:s5], [sflag:$0xA], $0x2000, $0x38;
	[tilespmem:$0x10400] =	vst v63  }
0x7d: {  	s23 =	sadd.s32 $0x180, s28;
	s9 =	simm.s32 @!p1 $0xA  }
0x7e: {  	p2 =	sgt.u32 s23, $0x1869;
	_ =	swait.ge @!p1 [sflag:s9], $0x2000  }
0x7f: {  	s11 =	simm.s32 @!p2 $0xA;
	s5 =	sadd.s32 @!p2 $0xFFFFFC00, s12;
	[sflag:s9] =	ssyncset.done @!p1 $0x0  }
0x80: {  	s10 =	simm.s32 @!p2 $0x200;
	[sflag:s9] =	ssyncadd.s32 @!p1 $0xFFFFE000;
	s9 =	simm.s32 @!p2 $0x0  }
0x81: {  	[tilespmem:s10], [sflag:$0xA] =	stream.linear.gather @!p2 [hbm4b:s5+s9], $0x80, $0x38;
	[tilespmem:$0x10400] =	vst v63  }
0x82: {  	s24 =	sadd.s32 $0xA0, s28;
	_ =	swait.ge @!p2 [sflag:s11], $0x80  }
0x83: {  	p1 =	sgt.u32 s24, $0x1869;
	s5 =	simm.s32 @!p2 $0x80;
	[sflag:s11] =	ssyncset.done @!p2 $0x0  }
0x84: {  	s9 =	simm.s32 @!p2 $0x8400;
	[sflag:s11] =	ssyncadd.s32 @!p2 $0xFFFFFF80;
	s11 =	simm.s32 @!p1 $0x6  }
0x85: {  	[tilespmem:s9], [sflag:$0x5] =	stream.indirect.gather @!p2 [hbm4b:s2+s5], $0x40, s10, s5, $0xb8;
	[tilespmem:$0x10400] =	vst v63  }
0x86: {  	_ =	swait.ge @!p1 [sflag:s11], $0x2000  }
0x87: {  	s5 =	simm.s32 @!p1 $0xA400;
	[sflag:s11] =	ssyncset.done @!p1 $0x0  }
0x88: {  	s9 =	sadd.s32 @!p1 $0x28000, s13;
	s10 =	simm.s32 @!p1 $0x0;
	[sflag:s11] =	ssyncadd.s32 @!p1 $0xFFFFE000  }
0x89: {  	[hbm4b:s9+s10] =	stream.linear.scatter @!p1 [tilespmem:s5], [sflag:$0xA], $0x2000, $0x38;
	[tilespmem:$0x10400] =	vst v63  }
0x8a: {  	s25 =	sadd.s32 $0x1A0, s28;
	s9 =	simm.s32 @!p1 $0xA  }
0x8b: {  	p2 =	sgt.u32 s25, $0x1869;
	_ =	swait.ge @!p1 [sflag:s9], $0x2000  }
0x8c: {  	s11 =	simm.s32 @!p2 $0xA;
	s5 =	sadd.s32 @!p2 $0xFFFFFE00, s12;
	[sflag:s9] =	ssyncset.done @!p1 $0x0  }
0x8d: {  	s10 =	simm.s32 @!p2 $0x280;
	[sflag:s9] =	ssyncadd.s32 @!p1 $0xFFFFE000;
	s9 =	simm.s32 @!p2 $0x0  }
0x8e: {  	[tilespmem:s10], [sflag:$0xA] =	stream.linear.gather @!p2 [hbm4b:s5+s9], $0x80, $0x38;
	[tilespmem:$0x10400] =	vst v63  }
0x8f: {  	s26 =	sadd.s32 $0xC0, s28;
	_ =	swait.ge @!p2 [sflag:s11], $0x80  }
0x90: {  	p1 =	sgt.u32 s26, $0x1869;
	s5 =	simm.s32 @!p2 $0x80;
	[sflag:s11] =	ssyncset.done @!p2 $0x0  }
0x91: {  	s9 =	simm.s32 @!p2 $0xA400;
	[sflag:s11] =	ssyncadd.s32 @!p2 $0xFFFFFF80;
	s11 =	simm.s32 @!p1 $0x7  }
0x92: {  	[tilespmem:s9], [sflag:$0x6] =	stream.indirect.gather @!p2 [hbm4b:s2+s5], $0x40, s10, s5, $0xb8;
	[tilespmem:$0x10400] =	vst v63  }
0x93: {  	s28 =	sadd.s32 $0x1C0, s28;
	_ =	swait.ge @!p1 [sflag:s11], $0x2000  }
0x94: {  	s8 =	simm.s32 @!p1 $0xC400;
	s9 =	sadd.s32 @!p1 $0x30000, s13;
	[sflag:s11] =	ssyncset.done @!p1 $0x0  }
0x95: {  	s10 =	simm.s32 @!p1 $0x0;
	[sflag:s11] =	ssyncadd.s32 @!p1 $0xFFFFE000;
	s11 =	simm.s32 @!p1 $0xA  }
0x96: {  	[hbm4b:s9+s10] =	stream.linear.scatter @!p1 [tilespmem:s8], [sflag:$0xA], $0x2000, $0x38;
	[tilespmem:$0x10400] =	vst v63  }
0x97: {  	p2 =	sgt.u32 s28, $0x1869;
	_ =	swait.ge @!p1 [sflag:s11], $0x2000  }
0x98: {  	s5 =	simm.s32 @!p2 $0x0;
	[sflag:s11] =	ssyncset.done @!p1 $0x0  }
0x99: {  	s8 =	simm.s32 @!p2 $0x300;
	s9 =	simm.s32 @!p2 $0xA;
	[sflag:s11] =	ssyncadd.s32 @!p1 $0xFFFFE000  }
0x9a: {  	[tilespmem:s8], [sflag:$0xA] =	stream.linear.gather @!p2 [hbm4b:s12+s5], $0x80, $0x38;
	[tilespmem:$0x10400] =	vst v63  }
0x9b: {  	_ =	swait.ge @!p2 [sflag:s9], $0x80  }
0x9c: {  	p0 =	por p0, p0;
	s10 =	simm.s32 @!p2 $0x80;
	[sflag:s9] =	ssyncset.done @!p2 $0x0  }
0x9d: {  	s11 =	simm.s32 @!p0 $0x8;
	s5 =	simm.s32 @!p2 $0xC400;
	[sflag:s9] =	ssyncadd.s32 @!p2 $0xFFFFFF80  }
0x9e: {  	[tilespmem:s5], [sflag:$0x7] =	stream.indirect.gather @!p2 [hbm4b:s2+s10], $0x40, s8, s10, $0xb8;
	[tilespmem:$0x10400] =	vst v63  }
0x9f: {  	s29 =	simm.s32 $0x200;
	_ =	swait.ge @!p0 [sflag:s11], $0x2000  }
0xa0: {  	s24 =	sadd.s32 $0x40000, s13;
	s26 =	sadd.s32 $0x1000, s12;
	[sflag:s11] =	ssyncset.done @!p0 $0x0  }
0xa1: {  	s5 =	sadd.s32 @!p0 $0x38000, s13;
	s10 =	sadd.s32 $0x100, s4;
	[sflag:s11] =	ssyncadd.s32 @!p0 $0xFFFFE000  }
0xa2: {  	[hbm4b:s5+s6] =	stream.linear.scatter @!p0 [tilespmem:s7], [sflag:$0x9], $0x2000, $0x38;
	[tilespmem:$0x10400] =	vst v63  }
0xa3: {  	s8 =	sadd.s32 $0xE0, s10;
	s11 =	simm.s32 @!p0 $0x9;
	s5 =	sadd.s32 $0x120, s10  }
.LBB2_2:
0xa4: {  	p2 =	sgt.u32 s8, $0x1869;
	s16 =	sadd.s32 $0x140, s10;
	_ =	swait.ge @!p0 [sflag:s11], $0x2000  }
0xa5: {  	s7 =	sadd.s32 @!p2 $0xFFFFF200, s26;
	s6 =	simm.s32 @!p2 $0x0;
	[sflag:s11] =	ssyncset.done @!p0 $0x0  }
0xa6: {  	s8 =	simm.s32 @!p2 $0x380;
	s9 =	simm.s32 @!p2 $0xA;
	[sflag:s11] =	ssyncadd.s32 @!p0 $0xFFFFE000  }
0xa7: {  	[tilespmem:s8], [sflag:$0xA] =	stream.linear.gather @!p2 [hbm4b:s7+s6], $0x80, $0x38;
	[tilespmem:$0x10400] =	vst v63  }
0xa8: {  	s22 =	sadd.s32 $0x60, s10;
	s28 =	sadd.s32 $0x160, s10;
	_ =	swait.ge @!p2 [sflag:s9], $0x80  }
0xa9: {  	s25 =	sadd.s32 $0x80, s10;
	s23 =	sadd.s32 $0x180, s10;
	[sflag:s9] =	ssyncset.done @!p2 $0x0  }
0xaa: {  	s7 =	simm.s32 @!p2 $0xE400;
	[sflag:s9] =	ssyncadd.s32 @!p2 $0xFFFFFF80;
	s9 =	simm.s32 @!p2 $0x80  }
0xab: {  	[tilespmem:s7], [sflag:$0x8] =	stream.indirect.gather @!p2 [hbm4b:s2+s9], $0x40, s8, s9, $0xb8;
	[tilespmem:$0x10400] =	vst v63  }
0xac: {  	s12 =	sadd.s32 $0xA0, s10;
	s21 =	sadd.s32 $0x1A0, s10;
	_ =	swait.ge [sflag:s30], $0x2000  }
0xad: {  	s19 =	sadd.s32 $0xC0, s10;
	s11 =	sadd.s32 $0x1C0, s10;
	[sflag:s30] =	ssyncset.done $0x0  }
0xae: {  	s8 =	smov.u32 s29;
	s29 =	sadd.s32 $0x100, s29;
	[sflag:s30] =	ssyncadd.s32 $0xFFFFE000  }
0xaf: {  	[hbm4b:s24+s3] =	stream.linear.scatter [tilespmem:s17], [sflag:$0xA], $0x2000, $0x38;
	[tilespmem:$0x10400] =	vst v63  }
0xb0: {  	s9 =	sadd.s32 $0x100, s10;
	p1 =	sne.s32 s29, $0x1900;
	_ =	swait.ge [sflag:s31], $0x2000  }
0xb1: {  	p3 =	sgt.u32 s9, $0x1869;
	s9 =	smov.u32 s24;
	[sflag:s31] =	ssyncset.done $0x0  }
0xb2: {  	s10 =	sadd.s32 @!p3 $0xFFFFF400, s26;
	s13 =	simm.s32 @!p3 $0x0;
	[sflag:s31] =	ssyncadd.s32 $0xFFFFE000  }
0xb3: {  	[tilespmem:s13], [sflag:$0xA] =	stream.linear.gather @!p3 [hbm4b:s10+s13], $0x80, $0x38;
	[tilespmem:$0x10400] =	vst v63  }
0xb4: {  	p0 =	por p2, p2;
	s10 =	simm.s32 @!p3 $0xA  }
0xb5: {  	_ =	swait.ge @!p3 [sflag:s10], $0x80  }
0xb6: {  	s14 =	simm.s32 @!p3 $0x80;
	s15 =	simm.s32 @!p3 $0x400;
	[sflag:s10] =	ssyncset.done @!p3 $0x0  }
0xb7: {  	[sflag:s10] =	ssyncadd.s32 @!p3 $0xFFFFFF80  }
0xb8: {  	[tilespmem:s15], [sflag:$0x1] =	stream.indirect.gather @!p3 [hbm4b:s2+s14], $0x40, s13, s14, $0xb8;
	[tilespmem:$0x10400] =	vst v63  }
0xb9: {  	_ =	swait.ge [sflag:s0], $0x2000  }
0xba: {  	s10 =	sadd.s32 $0x8000, s24;
	[sflag:s0] =	ssyncset.done $0x0  }
0xbb: {  	[sflag:s0] =	ssyncadd.s32 $0xFFFFE000  }
0xbc: {  	[hbm4b:s10+s3] =	stream.linear.scatter [tilespmem:s18], [sflag:$0xA], $0x2000, $0x38;
	[tilespmem:$0x10400] =	vst v63  }
0xbd: {  	p2 =	sgt.u32 s5, $0x1869;
	_ =	swait.ge [sflag:s31], $0x2000  }
0xbe: {  	s5 =	sadd.s32 @!p2 $0xFFFFF600, s26;
	s10 =	simm.s32 @!p2 $0x80;
	[sflag:s31] =	ssyncset.done $0x0  }
0xbf: {  	s13 =	simm.s32 @!p2 $0x0;
	s14 =	simm.s32 @!p2 $0xA;
	[sflag:s31] =	ssyncadd.s32 $0xFFFFE000  }
0xc0: {  	[tilespmem:s10], [sflag:$0xA] =	stream.linear.gather @!p2 [hbm4b:s5+s13], $0x80, $0x38;
	[tilespmem:$0x10400] =	vst v63  }
0xc1: {  	_ =	swait.ge @!p2 [sflag:s14], $0x80  }
0xc2: {  	s5 =	simm.s32 @!p2 $0x2400;
	[sflag:s14] =	ssyncset.done @!p2 $0x0  }
0xc3: {  	[sflag:s14] =	ssyncadd.s32 @!p2 $0xFFFFFF80  }
0xc4: {  	[tilespmem:s5], [sflag:$0x2] =	stream.indirect.gather @!p2 [hbm4b:s2+s10], $0x40, s10, s10, $0xb8;
	[tilespmem:$0x10400] =	vst v63  }
0xc5: {  	_ =	swait.ge [sflag:s1], $0x2000  }
0xc6: {  	s5 =	sadd.s32 $0x10000, s24;
	[sflag:s1] =	ssyncset.done $0x0  }
0xc7: {  	[sflag:s1] =	ssyncadd.s32 $0xFFFFE000  }
0xc8: {  	[hbm4b:s5+s3] =	stream.linear.scatter [tilespmem:s20], [sflag:$0xA], $0x2000, $0x38;
	[tilespmem:$0x10400] =	vst v63  }
0xc9: {  	p3 =	sgt.u32 s16, $0x1869;
	_ =	swait.ge [sflag:s31], $0x2000  }
0xca: {  	s10 =	simm.s32 @!p3 $0x100;
	s5 =	sadd.s32 @!p3 $0xFFFFF800, s26;
	[sflag:s31] =	ssyncset.done $0x0  }
0xcb: {  	s13 =	simm.s32 @!p3 $0x0;
	s14 =	simm.s32 @!p3 $0xA;
	[sflag:s31] =	ssyncadd.s32 $0xFFFFE000  }
0xcc: {  	[tilespmem:s10], [sflag:$0xA] =	stream.linear.gather @!p3 [hbm4b:s5+s13], $0x80, $0x38;
	[tilespmem:$0x10400] =	vst v63  }
0xcd: {  	p2 =	sgt.u32 s22, $0x1869;
	_ =	swait.ge @!p3 [sflag:s14], $0x80  }
0xce: {  	s5 =	simm.s32 @!p3 $0x80;
	s13 =	simm.s32 @!p3 $0x4400;
	[sflag:s14] =	ssyncset.done @!p3 $0x0  }
0xcf: {  	[sflag:s14] =	ssyncadd.s32 @!p3 $0xFFFFFF80;
	s14 =	simm.s32 @!p2 $0x4  }
0xd0: {  	[tilespmem:s13], [sflag:$0x3] =	stream.indirect.gather @!p3 [hbm4b:s2+s5], $0x40, s10, s5, $0xb8;
	[tilespmem:$0x10400] =	vst v63  }
0xd1: {  	s5 =	simm.s32 @!p2 $0x6400;
	_ =	swait.ge @!p2 [sflag:s14], $0x2000  }
0xd2: {  	s10 =	sadd.s32 @!p2 $0x18000, s24;
	s13 =	simm.s32 @!p2 $0x0;
	[sflag:s14] =	ssyncset.done @!p2 $0x0  }
0xd3: {  	[sflag:s14] =	ssyncadd.s32 @!p2 $0xFFFFE000;
	s14 =	simm.s32 @!p2 $0xA  }
0xd4: {  	[hbm4b:s10+s13] =	stream.linear.scatter @!p2 [tilespmem:s5], [sflag:$0xA], $0x2000, $0x38;
	[tilespmem:$0x10400] =	vst v63  }
0xd5: {  	p3 =	sgt.u32 s28, $0x1869;
	_ =	swait.ge @!p2 [sflag:s14], $0x2000  }
0xd6: {  	s5 =	sadd.s32 @!p3 $0xFFFFFA00, s26;
	s10 =	simm.s32 @!p3 $0x180;
	[sflag:s14] =	ssyncset.done @!p2 $0x0  }
0xd7: {  	s13 =	simm.s32 @!p3 $0x0;
	[sflag:s14] =	ssyncadd.s32 @!p2 $0xFFFFE000;
	s14 =	simm.s32 @!p3 $0xA  }
0xd8: {  	[tilespmem:s10], [sflag:$0xA] =	stream.linear.gather @!p3 [hbm4b:s5+s13], $0x80, $0x38;
	[tilespmem:$0x10400] =	vst v63  }
0xd9: {  	p2 =	sgt.u32 s25, $0x1869;
	_ =	swait.ge @!p3 [sflag:s14], $0x80  }
0xda: {  	s5 =	simm.s32 @!p3 $0x80;
	s13 =	simm.s32 @!p3 $0x6400;
	[sflag:s14] =	ssyncset.done @!p3 $0x0  }
0xdb: {  	[sflag:s14] =	ssyncadd.s32 @!p3 $0xFFFFFF80;
	s14 =	simm.s32 @!p2 $0x5  }
0xdc: {  	[tilespmem:s13], [sflag:$0x4] =	stream.indirect.gather @!p3 [hbm4b:s2+s5], $0x40, s10, s5, $0xb8;
	[tilespmem:$0x10400] =	vst v63  }
0xdd: {  	s5 =	simm.s32 @!p2 $0x8400;
	_ =	swait.ge @!p2 [sflag:s14], $0x2000  }
0xde: {  	s10 =	sadd.s32 @!p2 $0x20000, s24;
	s13 =	simm.s32 @!p2 $0x0;
	[sflag:s14] =	ssyncset.done @!p2 $0x0  }
0xdf: {  	[sflag:s14] =	ssyncadd.s32 @!p2 $0xFFFFE000;
	s14 =	simm.s32 @!p2 $0xA  }
0xe0: {  	[hbm4b:s10+s13] =	stream.linear.scatter @!p2 [tilespmem:s5], [sflag:$0xA], $0x2000, $0x38;
	[tilespmem:$0x10400] =	vst v63  }
0xe1: {  	p3 =	sgt.u32 s23, $0x1869;
	_ =	swait.ge @!p2 [sflag:s14], $0x2000  }
0xe2: {  	s5 =	sadd.s32 @!p3 $0xFFFFFC00, s26;
	s10 =	simm.s32 @!p3 $0x200;
	[sflag:s14] =	ssyncset.done @!p2 $0x0  }
0xe3: {  	s13 =	simm.s32 @!p3 $0x0;
	[sflag:s14] =	ssyncadd.s32 @!p2 $0xFFFFE000;
	s14 =	simm.s32 @!p3 $0xA  }
0xe4: {  	[tilespmem:s10], [sflag:$0xA] =	stream.linear.gather @!p3 [hbm4b:s5+s13], $0x80, $0x38;
	[tilespmem:$0x10400] =	vst v63  }
0xe5: {  	p2 =	sgt.u32 s12, $0x1869;
	_ =	swait.ge @!p3 [sflag:s14], $0x80  }
0xe6: {  	s12 =	simm.s32 @!p3 $0x8400;
	s5 =	simm.s32 @!p3 $0x80;
	[sflag:s14] =	ssyncset.done @!p3 $0x0  }
0xe7: {  	s13 =	simm.s32 @!p2 $0x6;
	[sflag:s14] =	ssyncadd.s32 @!p3 $0xFFFFFF80  }
0xe8: {  	[tilespmem:s12], [sflag:$0x5] =	stream.indirect.gather @!p3 [hbm4b:s2+s5], $0x40, s10, s5, $0xb8;
	[tilespmem:$0x10400] =	vst v63  }
0xe9: {  	s5 =	simm.s32 @!p2 $0xA400;
	_ =	swait.ge @!p2 [sflag:s13], $0x2000  }
0xea: {  	s10 =	sadd.s32 @!p2 $0x28000, s24;
	s12 =	simm.s32 @!p2 $0x0;
	[sflag:s13] =	ssyncset.done @!p2 $0x0  }
0xeb: {  	[sflag:s13] =	ssyncadd.s32 @!p2 $0xFFFFE000;
	s13 =	simm.s32 @!p2 $0xA  }
0xec: {  	[hbm4b:s10+s12] =	stream.linear.scatter @!p2 [tilespmem:s5], [sflag:$0xA], $0x2000, $0x38;
	[tilespmem:$0x10400] =	vst v63  }
0xed: {  	p3 =	sgt.u32 s21, $0x1869;
	_ =	swait.ge @!p2 [sflag:s13], $0x2000  }
0xee: {  	s5 =	sadd.s32 @!p3 $0xFFFFFE00, s26;
	s10 =	simm.s32 @!p3 $0x280;
	[sflag:s13] =	ssyncset.done @!p2 $0x0  }
0xef: {  	s12 =	simm.s32 @!p3 $0x0;
	[sflag:s13] =	ssyncadd.s32 @!p2 $0xFFFFE000;
	s13 =	simm.s32 @!p3 $0xA  }
0xf0: {  	[tilespmem:s10], [sflag:$0xA] =	stream.linear.gather @!p3 [hbm4b:s5+s12], $0x80, $0x38;
	[tilespmem:$0x10400] =	vst v63  }
0xf1: {  	p2 =	sgt.u32 s19, $0x1869;
	_ =	swait.ge @!p3 [sflag:s13], $0x80  }
0xf2: {  	s5 =	simm.s32 @!p3 $0x80;
	s12 =	simm.s32 @!p3 $0xA400;
	[sflag:s13] =	ssyncset.done @!p3 $0x0  }
0xf3: {  	[sflag:s13] =	ssyncadd.s32 @!p3 $0xFFFFFF80;
	s13 =	simm.s32 @!p2 $0x7  }
0xf4: {  	[tilespmem:s12], [sflag:$0x6] =	stream.indirect.gather @!p3 [hbm4b:s2+s5], $0x40, s10, s5, $0xb8;
	[tilespmem:$0x10400] =	vst v63  }
0xf5: {  	s5 =	simm.s32 @!p2 $0xC400;
	_ =	swait.ge @!p2 [sflag:s13], $0x2000  }
0xf6: {  	s10 =	sadd.s32 @!p2 $0x30000, s24;
	s12 =	simm.s32 @!p2 $0x0;
	[sflag:s13] =	ssyncset.done @!p2 $0x0  }
0xf7: {  	[sflag:s13] =	ssyncadd.s32 @!p2 $0xFFFFE000;
	s13 =	simm.s32 @!p2 $0xA  }
0xf8: {  	[hbm4b:s10+s12] =	stream.linear.scatter @!p2 [tilespmem:s5], [sflag:$0xA], $0x2000, $0x38;
	[tilespmem:$0x10400] =	vst v63  }
0xf9: {  	p3 =	sgt.u32 s11, $0x1869;
	_ =	swait.ge @!p2 [sflag:s13], $0x2000  }
0xfa: {  	s5 =	simm.s32 @!p3 $0x0;
	s10 =	simm.s32 @!p3 $0x300;
	[sflag:s13] =	ssyncset.done @!p2 $0x0  }
0xfb: {  	s11 =	simm.s32 @!p3 $0xA;
	[sflag:s13] =	ssyncadd.s32 @!p2 $0xFFFFE000  }
0xfc: {  	[tilespmem:s10], [sflag:$0xA] =	stream.linear.gather @!p3 [hbm4b:s26+s5], $0x80, $0x38;
	[tilespmem:$0x10400] =	vst v63  }
0xfd: {  	s5 =	simm.s32 @!p3 $0xC400;
	_ =	swait.ge @!p3 [sflag:s11], $0x80  }
0xfe: {  	s12 =	simm.s32 @!p3 $0x80;
	s13 =	simm.s32 @!p0 $0x8;
	[sflag:s11] =	ssyncset.done @!p3 $0x0  }
0xff: {  	s24 =	sadd.s32 $0x40000, s24;
	[sflag:s11] =	ssyncadd.s32 @!p3 $0xFFFFFF80  }
0x100: {  	[tilespmem:s5], [sflag:$0x7] =	stream.indirect.gather @!p3 [hbm4b:s2+s12], $0x40, s10, s12, $0xb8;
	[tilespmem:$0x10400] =	vst v63  }
.Ltmp0:
0x101: {  	_ = 	snop;
	(pc) =	sbr.rel @p1 .LBB2_2-.Ltmp0, $4  }
0x102: {  	s26 =	sadd.s32 $0x1000, s26;
	s11 =	simm.s32 @!p0 $0x9;
	_ =	swait.ge @!p0 [sflag:s13], $0x2000  }
0x103: {  	s9 =	sadd.s32 @!p0 $0x38000, s9;
	s10 =	sadd.s32 s8, s4;
	[sflag:s13] =	ssyncset.done @!p0 $0x0  }
0x104: {  	s8 =	sadd.s32 $0xE0, s10;
	s5 =	sadd.s32 $0x120, s10;
	[sflag:s13] =	ssyncadd.s32 @!p0 $0xFFFFE000  }
0x105: {  	[hbm4b:s9+s6] =	stream.linear.scatter @!p0 [tilespmem:s7], [sflag:$0x9], $0x2000, $0x38;
	[tilespmem:$0x10400] =	vst v63  }
0x106: {  	p1 =	sgt.u32 s8, $0x1869;
	_ =	swait.ge @!p0 [sflag:s11], $0x2000  }
0x107: {  	s7 =	sadd.s32 @!p1 $0xFFFFF200, s26;
	s6 =	simm.s32 @!p1 $0x0;
	[sflag:s11] =	ssyncset.done @!p0 $0x0  }
0x108: {  	s8 =	simm.s32 @!p1 $0x380;
	s9 =	simm.s32 @!p1 $0xA;
	[sflag:s11] =	ssyncadd.s32 @!p0 $0xFFFFE000  }
0x109: {  	[tilespmem:s8], [sflag:$0xA] =	stream.linear.gather @!p1 [hbm4b:s7+s6], $0x80, $0x38;
	[tilespmem:$0x10400] =	vst v63  }
0x10a: {  	_ =	swait.ge @!p1 [sflag:s9], $0x80  }
0x10b: {  	[sflag:s9] =	ssyncset.done @!p1 $0x0  }
0x10c: {  	s7 =	simm.s32 @!p1 $0xE400;
	[sflag:s9] =	ssyncadd.s32 @!p1 $0xFFFFFF80;
	s9 =	simm.s32 @!p1 $0x80  }
0x10d: {  	[tilespmem:s7], [sflag:$0x8] =	stream.indirect.gather @!p1 [hbm4b:s2+s9], $0x40, s8, s9, $0xb8;
	[tilespmem:$0x10400] =	vst v63  }
0x10e: {  	_ =	swait.ge [sflag:s30], $0x2000  }
0x10f: {  	[sflag:s30] =	ssyncset.done $0x0  }
0x110: {  	[sflag:s30] =	ssyncadd.s32 $0xFFFFE000  }
0x111: {  	[hbm4b:s24+s3] =	stream.linear.scatter [tilespmem:s17], [sflag:$0xA], $0x2000, $0x38;
	[tilespmem:$0x10400] =	vst v63  }
0x112: {  	s9 =	sadd.s32 $0x100, s10;
	_ =	swait.ge [sflag:s31], $0x2000  }
0x113: {  	p0 =	sgt.u32 s9, $0x1869;
	[sflag:s31] =	ssyncset.done $0x0  }
0x114: {  	s8 =	sadd.s32 @!p0 $0xFFFFF400, s26;
	s9 =	simm.s32 @!p0 $0x0;
	[sflag:s31] =	ssyncadd.s32 $0xFFFFE000  }
0x115: {  	[tilespmem:s9], [sflag:$0xA] =	stream.linear.gather @!p0 [hbm4b:s8+s9], $0x80, $0x38;
	[tilespmem:$0x10400] =	vst v63  }
0x116: {  	s8 =	simm.s32 @!p0 $0xA  }
0x117: {  	_ =	swait.ge @!p0 [sflag:s8], $0x80  }
0x118: {  	[sflag:s8] =	ssyncset.done @!p0 $0x0  }
0x119: {  	s11 =	simm.s32 @!p0 $0x80;
	[sflag:s8] =	ssyncadd.s32 @!p0 $0xFFFFFF80;
	s8 =	simm.s32 @!p0 $0x400  }
0x11a: {  	[tilespmem:s8], [sflag:$0x1] =	stream.indirect.gather @!p0 [hbm4b:s2+s11], $0x40, s9, s11, $0xb8;
	[tilespmem:$0x10400] =	vst v63  }
0x11b: {  	_ =	swait.ge [sflag:s0], $0x2000  }
0x11c: {  	[sflag:s0] =	ssyncset.done $0x0  }
0x11d: {  	s11 =	sadd.s32 $0x8000, s24;
	[sflag:s0] =	ssyncadd.s32 $0xFFFFE000  }
0x11e: {  	[hbm4b:s11+s3] =	stream.linear.scatter [tilespmem:s18], [sflag:$0xA], $0x2000, $0x38;
	[tilespmem:$0x10400] =	vst v63  }
0x11f: {  	p0 =	sgt.u32 s5, $0x1869;
	_ =	swait.ge [sflag:s31], $0x2000  }
0x120: {  	s5 =	sadd.s32 @!p0 $0xFFFFF600, s26;
	[sflag:s31] =	ssyncset.done $0x0  }
0x121: {  	s8 =	simm.s32 @!p0 $0x80;
	s9 =	simm.s32 @!p0 $0x0;
	[sflag:s31] =	ssyncadd.s32 $0xFFFFE000  }
0x122: {  	[tilespmem:s8], [sflag:$0xA] =	stream.linear.gather @!p0 [hbm4b:s5+s9], $0x80, $0x38;
	[tilespmem:$0x10400] =	vst v63  }
0x123: {  	s5 =	simm.s32 @!p0 $0xA  }
0x124: {  	_ =	swait.ge @!p0 [sflag:s5], $0x80  }
0x125: {  	[sflag:s5] =	ssyncset.done @!p0 $0x0  }
0x126: {  	s9 =	simm.s32 @!p0 $0x2400;
	[sflag:s5] =	ssyncadd.s32 @!p0 $0xFFFFFF80  }
0x127: {  	[tilespmem:s9], [sflag:$0x2] =	stream.indirect.gather @!p0 [hbm4b:s2+s8], $0x40, s8, s8, $0xb8;
	[tilespmem:$0x10400] =	vst v63  }
0x128: {  	_ =	swait.ge [sflag:s1], $0x2000  }
0x129: {  	[sflag:s1] =	ssyncset.done $0x0  }
0x12a: {  	s12 =	sadd.s32 $0x140, s10;
	s13 =	sadd.s32 $0x10000, s24;
	[sflag:s1] =	ssyncadd.s32 $0xFFFFE000  }
0x12b: {  	[hbm4b:s13+s3] =	stream.linear.scatter [tilespmem:s20], [sflag:$0xA], $0x2000, $0x38;
	[tilespmem:$0x10400] =	vst v63  }
0x12c: {  	p2 =	sgt.u32 s12, $0x1869;
	_ =	swait.ge [sflag:s31], $0x2000  }
0x12d: {  	s5 =	sadd.s32 @!p2 $0xFFFFF800, s26;
	[sflag:s31] =	ssyncset.done $0x0  }
0x12e: {  	s8 =	simm.s32 @!p2 $0x100;
	s9 =	simm.s32 @!p2 $0x0;
	[sflag:s31] =	ssyncadd.s32 $0xFFFFE000  }
0x12f: {  	[tilespmem:s8], [sflag:$0xA] =	stream.linear.gather @!p2 [hbm4b:s5+s9], $0x80, $0x38;
	[tilespmem:$0x10400] =	vst v63  }
0x130: {  	s5 =	simm.s32 @!p2 $0xA  }
0x131: {  	s14 =	sadd.s32 $0x60, s10;
	_ =	swait.ge @!p2 [sflag:s5], $0x80  }
0x132: {  	p0 =	sgt.u32 s14, $0x1869;
	[sflag:s5] =	ssyncset.done @!p2 $0x0  }
0x133: {  	s9 =	simm.s32 @!p2 $0x80;
	[sflag:s5] =	ssyncadd.s32 @!p2 $0xFFFFFF80;
	s5 =	simm.s32 @!p2 $0x4400  }
0x134: {  	[tilespmem:s5], [sflag:$0x3] =	stream.indirect.gather @!p2 [hbm4b:s2+s9], $0x40, s8, s9, $0xb8;
	[tilespmem:$0x10400] =	vst v63  }
0x135: {  	s5 =	simm.s32 @!p0 $0x4  }
0x136: {  	_ =	swait.ge @!p0 [sflag:s5], $0x2000  }
0x137: {  	s8 =	simm.s32 @!p0 $0x6400;
	[sflag:s5] =	ssyncset.done @!p0 $0x0  }
0x138: {  	s9 =	sadd.s32 @!p0 $0x18000, s24;
	[sflag:s5] =	ssyncadd.s32 @!p0 $0xFFFFE000;
	s5 =	simm.s32 @!p0 $0x0  }
0x139: {  	[hbm4b:s9+s5] =	stream.linear.scatter @!p0 [tilespmem:s8], [sflag:$0xA], $0x2000, $0x38;
	[tilespmem:$0x10400] =	vst v63  }
0x13a: {  	s15 =	sadd.s32 $0x160, s10;
	s8 =	simm.s32 @!p0 $0xA  }
0x13b: {  	p2 =	sgt.u32 s15, $0x1869;
	_ =	swait.ge @!p0 [sflag:s8], $0x2000  }
0x13c: {  	s5 =	sadd.s32 @!p2 $0xFFFFFA00, s26;
	[sflag:s8] =	ssyncset.done @!p0 $0x0  }
0x13d: {  	s9 =	simm.s32 @!p2 $0x180;
	[sflag:s8] =	ssyncadd.s32 @!p0 $0xFFFFE000;
	s8 =	simm.s32 @!p2 $0x0  }
0x13e: {  	[tilespmem:s9], [sflag:$0xA] =	stream.linear.gather @!p2 [hbm4b:s5+s8], $0x80, $0x38;
	[tilespmem:$0x10400] =	vst v63  }
0x13f: {  	s5 =	simm.s32 @!p2 $0xA  }
0x140: {  	s16 =	sadd.s32 $0x80, s10;
	_ =	swait.ge @!p2 [sflag:s5], $0x80  }
0x141: {  	p0 =	sgt.u32 s16, $0x1869;
	[sflag:s5] =	ssyncset.done @!p2 $0x0  }
0x142: {  	s8 =	simm.s32 @!p2 $0x80;
	[sflag:s5] =	ssyncadd.s32 @!p2 $0xFFFFFF80;
	s5 =	simm.s32 @!p2 $0x6400  }
0x143: {  	[tilespmem:s5], [sflag:$0x4] =	stream.indirect.gather @!p2 [hbm4b:s2+s8], $0x40, s9, s8, $0xb8;
	[tilespmem:$0x10400] =	vst v63  }
0x144: {  	s5 =	simm.s32 @!p0 $0x5  }
0x145: {  	_ =	swait.ge @!p0 [sflag:s5], $0x2000  }
0x146: {  	s8 =	simm.s32 @!p0 $0x8400;
	[sflag:s5] =	ssyncset.done @!p0 $0x0  }
0x147: {  	s9 =	sadd.s32 @!p0 $0x20000, s24;
	[sflag:s5] =	ssyncadd.s32 @!p0 $0xFFFFE000;
	s5 =	simm.s32 @!p0 $0x0  }
0x148: {  	[hbm4b:s9+s5] =	stream.linear.scatter @!p0 [tilespmem:s8], [sflag:$0xA], $0x2000, $0x38;
	[tilespmem:$0x10400] =	vst v63  }
0x149: {  	s19 =	sadd.s32 $0x180, s10;
	s8 =	simm.s32 @!p0 $0xA  }
0x14a: {  	p2 =	sgt.u32 s19, $0x1869;
	_ =	swait.ge @!p0 [sflag:s8], $0x2000  }
0x14b: {  	s5 =	sadd.s32 @!p2 $0xFFFFFC00, s26;
	[sflag:s8] =	ssyncset.done @!p0 $0x0  }
0x14c: {  	s9 =	simm.s32 @!p2 $0x200;
	[sflag:s8] =	ssyncadd.s32 @!p0 $0xFFFFE000;
	s8 =	simm.s32 @!p2 $0x0  }
0x14d: {  	[tilespmem:s9], [sflag:$0xA] =	stream.linear.gather @!p2 [hbm4b:s5+s8], $0x80, $0x38;
	[tilespmem:$0x10400] =	vst v63  }
0x14e: {  	s5 =	simm.s32 @!p2 $0xA  }
0x14f: {  	s21 =	sadd.s32 $0xA0, s10;
	_ =	swait.ge @!p2 [sflag:s5], $0x80  }
0x150: {  	p0 =	sgt.u32 s21, $0x1869;
	[sflag:s5] =	ssyncset.done @!p2 $0x0  }
0x151: {  	s8 =	simm.s32 @!p2 $0x80;
	[sflag:s5] =	ssyncadd.s32 @!p2 $0xFFFFFF80;
	s5 =	simm.s32 @!p2 $0x8400  }
0x152: {  	[tilespmem:s5], [sflag:$0x5] =	stream.indirect.gather @!p2 [hbm4b:s2+s8], $0x40, s9, s8, $0xb8;
	[tilespmem:$0x10400] =	vst v63  }
0x153: {  	s5 =	simm.s32 @!p0 $0x6  }
0x154: {  	_ =	swait.ge @!p0 [sflag:s5], $0x2000  }
0x155: {  	s8 =	simm.s32 @!p0 $0xA400;
	[sflag:s5] =	ssyncset.done @!p0 $0x0  }
0x156: {  	s9 =	sadd.s32 @!p0 $0x28000, s24;
	[sflag:s5] =	ssyncadd.s32 @!p0 $0xFFFFE000;
	s5 =	simm.s32 @!p0 $0x0  }
0x157: {  	[hbm4b:s9+s5] =	stream.linear.scatter @!p0 [tilespmem:s8], [sflag:$0xA], $0x2000, $0x38;
	[tilespmem:$0x10400] =	vst v63  }
0x158: {  	s22 =	sadd.s32 $0x1A0, s10;
	s8 =	simm.s32 @!p0 $0xA  }
0x159: {  	p2 =	sgt.u32 s22, $0x1869;
	_ =	swait.ge @!p0 [sflag:s8], $0x2000  }
0x15a: {  	s5 =	sadd.s32 @!p2 $0xFFFFFE00, s26;
	[sflag:s8] =	ssyncset.done @!p0 $0x0  }
0x15b: {  	s9 =	simm.s32 @!p2 $0x280;
	[sflag:s8] =	ssyncadd.s32 @!p0 $0xFFFFE000;
	s8 =	simm.s32 @!p2 $0x0  }
0x15c: {  	[tilespmem:s9], [sflag:$0xA] =	stream.linear.gather @!p2 [hbm4b:s5+s8], $0x80, $0x38;
	[tilespmem:$0x10400] =	vst v63  }
0x15d: {  	s5 =	simm.s32 @!p2 $0xA  }
0x15e: {  	s23 =	sadd.s32 $0xC0, s10;
	_ =	swait.ge @!p2 [sflag:s5], $0x80  }
0x15f: {  	p0 =	sgt.u32 s23, $0x1869;
	[sflag:s5] =	ssyncset.done @!p2 $0x0  }
0x160: {  	s8 =	simm.s32 @!p2 $0x80;
	[sflag:s5] =	ssyncadd.s32 @!p2 $0xFFFFFF80;
	s5 =	simm.s32 @!p2 $0xA400  }
0x161: {  	[tilespmem:s5], [sflag:$0x6] =	stream.indirect.gather @!p2 [hbm4b:s2+s8], $0x40, s9, s8, $0xb8;
	[tilespmem:$0x10400] =	vst v63  }
0x162: {  	s5 =	simm.s32 @!p0 $0x7  }
0x163: {  	_ =	swait.ge @!p0 [sflag:s5], $0x2000  }
0x164: {  	s8 =	simm.s32 @!p0 $0xC400;
	[sflag:s5] =	ssyncset.done @!p0 $0x0  }
0x165: {  	s9 =	sadd.s32 @!p0 $0x30000, s24;
	[sflag:s5] =	ssyncadd.s32 @!p0 $0xFFFFE000;
	s5 =	simm.s32 @!p0 $0x0  }
0x166: {  	[hbm4b:s9+s5] =	stream.linear.scatter @!p0 [tilespmem:s8], [sflag:$0xA], $0x2000, $0x38;
	[tilespmem:$0x10400] =	vst v63  }
0x167: {  	s5 =	simm.s32 @!p0 $0xA  }
0x168: {  	s25 =	sadd.s32 $0x1C0, s10;
	_ =	swait.ge @!p0 [sflag:s5], $0x2000  }
0x169: {  	p2 =	sgt.u32 s25, $0x1869;
	[sflag:s5] =	ssyncset.done @!p0 $0x0  }
0x16a: {  	s8 =	simm.s32 @!p2 $0x0;
	[sflag:s5] =	ssyncadd.s32 @!p0 $0xFFFFE000;
	s5 =	simm.s32 @!p2 $0x300  }
0x16b: {  	[tilespmem:s5], [sflag:$0xA] =	stream.linear.gather @!p2 [hbm4b:s26+s8], $0x80, $0x38;
	[tilespmem:$0x10400] =	vst v63  }
0x16c: {  	s8 =	simm.s32 @!p2 $0xA  }
0x16d: {  	_ =	swait.ge @!p2 [sflag:s8], $0x80  }
0x16e: {  	s9 =	simm.s32 @!p2 $0xC400;
	[sflag:s8] =	ssyncset.done @!p2 $0x0  }
0x16f: {  	p0 =	por p1, p1;
	[sflag:s8] =	ssyncadd.s32 @!p2 $0xFFFFFF80;
	s8 =	simm.s32 @!p2 $0x80  }
0x170: {  	[tilespmem:s9], [sflag:$0x7] =	stream.indirect.gather @!p2 [hbm4b:s2+s8], $0x40, s5, s8, $0xb8;
	[tilespmem:$0x10400] =	vst v63  }
0x171: {  	s5 =	simm.s32 @!p0 $0x8  }
0x172: {  	_ =	swait.ge @!p0 [sflag:s5], $0x2000  }
0x173: {  	[sflag:s5] =	ssyncset.done @!p0 $0x0  }
0x174: {  	[sflag:s5] =	ssyncadd.s32 @!p0 $0xFFFFE000;
	s5 =	sadd.s32 @!p0 $0x38000, s24  }
0x175: {  	[hbm4b:s5+s6] =	stream.linear.scatter @!p0 [tilespmem:s7], [sflag:$0x9], $0x2000, $0x38;
	[tilespmem:$0x10400] =	vst v63  }
0x176: {  	s5 =	simm.s32 @!p0 $0x9  }
0x177: {  	_ =	swait.ge @!p0 [sflag:s5], $0x2000  }
0x178: {  	s28 =	rddreg [dreg:$0xd]  }
0x179: {  	s29 =	rddreg [dreg:$0xa];
	s7 =	sadd.s32 $0x1, s28  }
0x17a: {  	p1 =	sne.s32 s7, s29  }
.Ltmp1:
0x17b: {  	_ = 	snop;
	(pc) =	sbr.rel @p1 .LBB2_1-.Ltmp1, $3  }
0x17c: {  	_ =	sdelay $0x1  }
0x17d: {  	[sflag:s5] =	ssyncset.done @!p0 $0x0  }
0x17e: {  	[sflag:s5] =	ssyncadd.s32 @!p0 $0xFFFFE000  }
0x17f: {  	_ =	sfence.sel $0x180000  }
0x180: {  	[bflag:$0x0] =	sbarrier.arrive $0xFFFF  }
0x181: {  	_ =	strace $0x9000004A  }
0x182: {  	s0 =	stileid.u32;
	[bflag:$0x2] =	sbarrier.arrive $0xFFFF  }
0x183: {  	p0 =	sne.s32 s0, $0x0;
	s0 =	rddreg [dreg:$0x2]  }
0x184: {  	s0 =	sadd.s32 @!p0 $0x100000, s0  }
0x185: {  	[sflag:s0] =	ssyncadd.tile.s32 @!p0 $0x1;
	_ =	shalt  }
.Lfunc_end2:
_tile_overlayer_lowered:
.L_overlay_start_2:
0x186: {  	(tag) =	ssettag $0x2  }
0x187: {  	s0 =	rddreg [dreg:$0x0];
	s2 =	stileid.u32  }
0x188: {  	s1 =	rddreg [dreg:$0x1];
	p0 =	sne.s32 s2, $0x0  }
0x189: {  	s3 =	rddreg [dreg:$0x2];
	[bflag:$0x3] =	sbarrier.arrive $0xFFFF;
	s2 =	simm.s32 @!p0 $0x1C09  }
0x18a: {  	[timem:s3], [sflag:s2] =	dma.local @!p0 [hbm:s0], s1  }
0x18b: {  	s0 =	simm.s32 @!p0 $0x9  }
0x18c: {  	_ =	swait.ge @!p0 [sflag:s0], s1  }
0x18d: {  	s1 =	ssub.s32 @!p0 $0x0, s1;
	[sflag:s0] =	ssyncset.done @!p0 $0x0  }
0x18e: {  	[sflag:s0] =	ssyncadd.s32 @!p0 s1  }
0x18f: {  	[bflag:$0x3] =	sbarrier.arrive $0xFFFF  }
0x190: {  	_ =	shalt  }

</sc_bundles>
